<compile_context>
chip_gen: v7x
topology: tpu7x:2x2x1
jax: 0.10.2.dev20260603
libtpu: 0.0.44.dev20260713+nightly
codegen_flags: <defaults>
</compile_context>

<pallas_src>
import math

import jax
import jax.numpy as jnp
from jax import lax
from jax.experimental import pallas as pl
from jax.experimental.pallas import tpu as pltpu
from jax.experimental.pallas import tpu_sc as plsc

_IMG_W = 1333.0
_IMG_H = 800.0
_SCORE_THRESH = 0.05
_NMS_THRESH = 0.5
_DETS = 100
_N = 20000
_C = 81
_CLIP = math.log(1000.0 / 16.0)
_NEG = -1e10

_ROWS = 160
_LANES = 128
_NPAD = _ROWS * _LANES


_ABLK = 2048
_AGRID = _NPAD // _ABLK
_AR = _ABLK // _LANES
_TBLK = _ABLK * 4 * _C // _LANES


def _score_body(logits_ref, regt_ref, prop_ref,
                score_ref, label_ref, i0_ref, i1_ref, i2_ref, i3_ref,
                tab_ref, p0_ref, p1_ref, p2_ref, p3_ref):
    x = logits_ref[...]
    m = jnp.max(x, axis=0, keepdims=True)
    s = jnp.sum(jnp.exp(x - m), axis=0, keepdims=True)
    score = 1.0 / s
    cls = lax.broadcasted_iota(jnp.int32, x.shape, 0)
    lab = jnp.min(jnp.where(x == m, cls, _C), axis=0, keepdims=True)
    row = (pl.program_id(0) * _ABLK
           + lax.broadcasted_iota(jnp.int32, (1, _ABLK), 1))
    keep = (lab >= 1) & (score > _SCORE_THRESH) & (row < _N)
    score_ref[...] = jnp.where(keep, score, _NEG).reshape(_AR, _LANES)
    label_ref[...] = lab.reshape(_AR, _LANES)
    f = jnp.where(row < _N,
                  (row >> 11) * (_ABLK * 4 * _C)
                  + ((row & (_ABLK - 1)) >> 7) * (4 * _C * _LANES)
                  + (4 * lab) * _LANES + (row & (_LANES - 1)), 0)
    f10 = f.reshape(_AR, _LANES)
    i0_ref[...] = f10
    i1_ref[...] = f10 + _LANES
    i2_ref[...] = f10 + 2 * _LANES
    i3_ref[...] = f10 + 3 * _LANES
    for j in range(_ABLK // _LANES):
        tab_ref[pl.ds(4 * _C * j, 4 * _C), :] = (
            regt_ref[:, _LANES * j:_LANES * (j + 1)])
    p0_ref[...] = prop_ref[0:1, :].reshape(_AR, _LANES)
    p1_ref[...] = prop_ref[1:2, :].reshape(_AR, _LANES)
    p2_ref[...] = prop_ref[2:3, :].reshape(_AR, _LANES)
    p3_ref[...] = prop_ref[3:4, :].reshape(_AR, _LANES)


_plane = pl.BlockSpec((_AR, _LANES), lambda i: (i, 0))
_score_call = pl.pallas_call(
    _score_body,
    grid=(_AGRID,),
    in_specs=[
        pl.BlockSpec((_C, _ABLK), lambda i: (0, i)),
        pl.BlockSpec((4 * _C, _ABLK), lambda i: (0, i)),
        pl.BlockSpec((4, _ABLK), lambda i: (0, i)),
    ],
    out_specs=[
        _plane, _plane, _plane, _plane, _plane, _plane,
        pl.BlockSpec((_TBLK, _LANES), lambda i: (i, 0)),
        _plane, _plane, _plane, _plane,
    ],
    out_shape=[
        jax.ShapeDtypeStruct((_ROWS, _LANES), jnp.float32),
        jax.ShapeDtypeStruct((_ROWS, _LANES), jnp.int32),
        jax.ShapeDtypeStruct((_ROWS, _LANES), jnp.int32),
        jax.ShapeDtypeStruct((_ROWS, _LANES), jnp.int32),
        jax.ShapeDtypeStruct((_ROWS, _LANES), jnp.int32),
        jax.ShapeDtypeStruct((_ROWS, _LANES), jnp.int32),
        jax.ShapeDtypeStruct((_AGRID * _TBLK, _LANES), jnp.float32),
        jax.ShapeDtypeStruct((_ROWS, _LANES), jnp.float32),
        jax.ShapeDtypeStruct((_ROWS, _LANES), jnp.float32),
        jax.ShapeDtypeStruct((_ROWS, _LANES), jnp.float32),
        jax.ShapeDtypeStruct((_ROWS, _LANES), jnp.float32),
    ],
)


_info = plsc.get_sparse_core_info()
_NCORE = _info.num_cores
_NSUB = _info.num_subcores
_NW = _NCORE * _NSUB
_CHUNKS = 8
_NWORK = _ROWS // _CHUNKS
_WROWS = 4 * _CHUNKS


def _sc_gather_body(i0, i1, i2, i3, table_hbm, o0, o1, o2, o3,
                    idx_v, ex_v, sem):
    idxs = (i0, i1, i2, i3)
    outs = (o0, o1, o2, o3)
    wid = lax.axis_index("s") * _NCORE + lax.axis_index("c")

    @pl.when(wid < _NWORK)
    def _():
        base = wid * _CHUNKS
        for c in range(4):
            pltpu.sync_copy(idxs[c].at[pl.ds(base, _CHUNKS)],
                            idx_v.at[pl.ds(c * _CHUNKS, _CHUNKS)])
        copies = [
            pltpu.async_copy(table_hbm.at[idx_v.at[t]], ex_v.at[t], sem)
            for t in range(_WROWS)
        ]
        for cp in copies:
            cp.wait()
        for c in range(4):
            pltpu.sync_copy(ex_v.at[pl.ds(c * _CHUNKS, _CHUNKS)],
                            outs[c].at[pl.ds(base, _CHUNKS)])


_gather_call = pl.kernel(
    _sc_gather_body,
    out_type=[jax.ShapeDtypeStruct((_ROWS, _LANES), jnp.float32)
              for _ in range(4)],
    mesh=plsc.VectorSubcoreMesh(core_axis_name="c", subcore_axis_name="s"),
    scratch_types=[
        pltpu.VMEM((_WROWS, _LANES), jnp.int32),
        pltpu.VMEM((_WROWS, _LANES), jnp.float32),
        pltpu.SemaphoreType.DMA,
    ],
)


def _nms_body(score_ref, label_ref, r0_ref, r1_ref, r2_ref, r3_ref,
              p0_ref, p1_ref, p2_ref, p3_ref,
              obox_ref, oscore_ref, olab_ref, sb_ref):
    scores0 = score_ref[...]
    lab_i = label_ref[...]

    px1 = p0_ref[...]
    py1 = p1_ref[...]
    px2 = p2_ref[...]
    py2 = p3_ref[...]
    w = px2 - px1 + 1.0
    h = py2 - py1 + 1.0
    cx = px1 + 0.5 * w
    cy = py1 + 0.5 * h
    dx = r0_ref[...] / 10.0
    dy = r1_ref[...] / 10.0
    dw = jnp.minimum(r2_ref[...] / 5.0, _CLIP)
    dh = jnp.minimum(r3_ref[...] / 5.0, _CLIP)
    pcx = dx * w + cx
    pcy = dy * h + cy
    pw = jnp.exp(dw) * w
    ph = jnp.exp(dh) * h
    bx1 = jnp.clip(pcx - 0.5 * pw, 0.0, _IMG_W - 1.0)
    by1 = jnp.clip(pcy - 0.5 * ph, 0.0, _IMG_H - 1.0)
    bx2 = jnp.clip(pcx + 0.5 * pw - 1.0, 0.0, _IMG_W - 1.0)
    by2 = jnp.clip(pcy + 0.5 * ph - 1.0, 0.0, _IMG_H - 1.0)
    areas = (bx2 - bx1 + 1.0) * (by2 - by1 + 1.0)

    sb_ref[0 * _ROWS:1 * _ROWS, :] = bx1
    sb_ref[1 * _ROWS:2 * _ROWS, :] = by1
    sb_ref[2 * _ROWS:3 * _ROWS, :] = bx2
    sb_ref[3 * _ROWS:4 * _ROWS, :] = by2
    sb_ref[4 * _ROWS:5 * _ROWS, :] = areas
    sb_ref[5 * _ROWS:6 * _ROWS, :] = lab_i.astype(jnp.float32)

    flat = (lax.broadcasted_iota(jnp.int32, (_ROWS, _LANES), 0) * _LANES
            + lax.broadcasted_iota(jnp.int32, (_ROWS, _LANES), 1))
    col = lax.broadcasted_iota(jnp.int32, (1, _LANES), 1)
    zrow = jnp.zeros((1, _LANES), jnp.float32)

    def step(i, carry):
        scores, os_, ox1, oy1, ox2, oy2, ol = carry
        gm = jnp.max(scores)
        bf = jnp.min(jnp.where(scores == gm, flat, jnp.int32(2147483647)))
        isb = flat == bf
        br = bf >> 7
        cm = (col == (bf & 127)).astype(jnp.float32)
        sx1 = jnp.sum(sb_ref[pl.ds(0 * _ROWS + br, 1), :] * cm)
        sy1 = jnp.sum(sb_ref[pl.ds(1 * _ROWS + br, 1), :] * cm)
        sx2 = jnp.sum(sb_ref[pl.ds(2 * _ROWS + br, 1), :] * cm)
        sy2 = jnp.sum(sb_ref[pl.ds(3 * _ROWS + br, 1), :] * cm)
        sarea = jnp.sum(sb_ref[pl.ds(4 * _ROWS + br, 1), :] * cm)
        slab = jnp.sum(sb_ref[pl.ds(5 * _ROWS + br, 1), :] * cm)
        xx1 = jnp.maximum(sx1, bx1)
        yy1 = jnp.maximum(sy1, by1)
        xx2 = jnp.minimum(sx2, bx2)
        yy2 = jnp.minimum(sy2, by2)
        inter = (jnp.maximum(xx2 - xx1 + 1.0, 0.0)
                 * jnp.maximum(yy2 - yy1 + 1.0, 0.0))
        iou = inter / (sarea + areas - inter)
        scores = jnp.where((iou > _NMS_THRESH) | isb, _NEG, scores)
        valid = gm > 0.0
        vf = jnp.where(valid, 1.0, 0.0)
        hit = col == i
        os_ = jnp.where(hit, gm * vf, os_)
        ox1 = jnp.where(hit, sx1 * vf, ox1)
        oy1 = jnp.where(hit, sy1 * vf, oy1)
        ox2 = jnp.where(hit, sx2 * vf, ox2)
        oy2 = jnp.where(hit, sy2 * vf, oy2)
        ol = jnp.where(hit, slab * vf, ol)
        return scores, os_, ox1, oy1, ox2, oy2, ol

    init = (scores0, zrow, zrow, zrow, zrow, zrow, zrow)
    _, os_, ox1, oy1, ox2, oy2, ol = lax.fori_loop(0, _DETS, step, init)
    obox_ref[0:1, :] = ox1
    obox_ref[1:2, :] = oy1
    obox_ref[2:3, :] = ox2
    obox_ref[3:4, :] = oy2
    oscore_ref[...] = os_
    olab_ref[...] = (ol + 0.5).astype(jnp.int32)


_nms_call = pl.pallas_call(
    _nms_body,
    out_shape=[
        jax.ShapeDtypeStruct((4, _LANES), jnp.float32),
        jax.ShapeDtypeStruct((1, _LANES), jnp.float32),
        jax.ShapeDtypeStruct((1, _LANES), jnp.int32),
    ],
    scratch_shapes=[pltpu.VMEM((6 * _ROWS, _LANES), jnp.float32)],
)


@jax.jit
def kernel(class_logits, box_regression, proposal_boxes):
    (score, label, i0, i1, i2, i3, table,
     p0, p1, p2, p3) = _score_call(class_logits.T, box_regression.T,
                                   proposal_boxes.T)
    r0, r1, r2, r3 = _gather_call(i0, i1, i2, i3, table.reshape(-1))
    obox, oscore, olab = _nms_call(score, label, r0, r1, r2, r3,
                                   p0, p1, p2, p3)
    return obox[:, :_DETS].T, oscore[0, :_DETS], olab[0, :_DETS]

# --- scband reference (transcript-rebuilt; emitter-appended) ---
"""Pipeline reference for scband-post-processor-9045201125727 (READ-ONLY COPY).

The authoritative reference and input builder live on the scoring server;
editing this copy changes nothing except your own understanding.
"""

import jax, jax.numpy as jnp
import numpy as np
import math

IMG_W = 1333.0
IMG_H = 800.0
SCORE_THRESH = 0.05
NMS_THRESH = 0.5
DETS_PER_IMG = 100
N_PROP = 20000
N_CLS = 81
BBOX_XFORM_CLIP = math.log(1000.0 / 16.0)
WEIGHTS = (10.0, 10.0, 5.0, 5.0)


def setup_inputs(seed: int = 0):
    key = jax.random.key(seed)
    k1, k2, k3, k4, k5, k6 = jax.random.split(key, 6)
    class_logits = jax.random.normal(k1, (N_PROP, N_CLS), dtype=jnp.float32)
    box_regression = jax.random.normal(k2, (N_PROP, N_CLS * 4), dtype=jnp.float32)
    x1 = jax.random.uniform(k3, (N_PROP,), minval=0.0, maxval=IMG_W - 100.0)
    y1 = jax.random.uniform(k4, (N_PROP,), minval=0.0, maxval=IMG_H - 100.0)
    w = jax.random.uniform(k5, (N_PROP,), minval=8.0, maxval=256.0)
    h = jax.random.uniform(k6, (N_PROP,), minval=8.0, maxval=256.0)
    proposal_boxes = jnp.stack([x1, y1, x1 + w, y1 + h], axis=1).astype(jnp.float32)
    return {"class_logits": class_logits, "box_regression": box_regression, "proposal_boxes": proposal_boxes}


def _decode(box_regression, ref_boxes):
    # BoxCoder(weights=(10, 10, 5, 5)).decode, maskrcnn-benchmark style (TO_REMOVE = 1)
    wx, wy, ww, wh = WEIGHTS
    TO_REMOVE = 1.0
    widths = ref_boxes[:, 2] - ref_boxes[:, 0] + TO_REMOVE
    heights = ref_boxes[:, 3] - ref_boxes[:, 1] + TO_REMOVE
    ctr_x = ref_boxes[:, 0] + 0.5 * widths
    ctr_y = ref_boxes[:, 1] + 0.5 * heights
    dx = box_regression[:, 0::4] / wx
    dy = box_regression[:, 1::4] / wy
    dw = jnp.minimum(box_regression[:, 2::4] / ww, BBOX_XFORM_CLIP)
    dh = jnp.minimum(box_regression[:, 3::4] / wh, BBOX_XFORM_CLIP)
    pred_ctr_x = dx * widths[:, None] + ctr_x[:, None]
    pred_ctr_y = dy * heights[:, None] + ctr_y[:, None]
    pred_w = jnp.exp(dw) * widths[:, None]
    pred_h = jnp.exp(dh) * heights[:, None]
    x1 = pred_ctr_x - 0.5 * pred_w
    y1 = pred_ctr_y - 0.5 * pred_h
    x2 = pred_ctr_x + 0.5 * pred_w - 1.0
    y2 = pred_ctr_y + 0.5 * pred_h - 1.0
    return jnp.stack([x1, y1, x2, y2], axis=-1)  # [N, C, 4]


def _clip_to_image(boxes):
    x1 = jnp.clip(boxes[..., 0], 0.0, IMG_W - 1.0)
    y1 = jnp.clip(boxes[..., 1], 0.0, IMG_H - 1.0)
    x2 = jnp.clip(boxes[..., 2], 0.0, IMG_W - 1.0)
    y2 = jnp.clip(boxes[..., 3], 0.0, IMG_H - 1.0)
    return jnp.stack([x1, y1, x2, y2], axis=-1)


def _iou_one_vs_all(box, boxes):
    TO_REMOVE = 1.0
    area1 = (box[2] - box[0] + TO_REMOVE) * (box[3] - box[1] + TO_REMOVE)
    areas = (boxes[:, 2] - boxes[:, 0] + TO_REMOVE) * (boxes[:, 3] - boxes[:, 1] + TO_REMOVE)
    xx1 = jnp.maximum(box[0], boxes[:, 0])
    yy1 = jnp.maximum(box[1], boxes[:, 1])
    xx2 = jnp.minimum(box[2], boxes[:, 2])
    yy2 = jnp.minimum(box[3], boxes[:, 3])
    inter = jnp.maximum(xx2 - xx1 + TO_REMOVE, 0.0) * jnp.maximum(yy2 - yy1 + TO_REMOVE, 0.0)
    return inter / (area1 + areas - inter)


def _forward_core(class_logits, box_regression, proposal_boxes):
    N, C = class_logits.shape
    class_prob = jax.nn.softmax(class_logits, axis=-1)
    decoded = _decode(box_regression, proposal_boxes)  # [N, C, 4]
    decoded = _clip_to_image(decoded)
    # nms_per_cls = False path of filter_results: pick best class per proposal
    labels = jnp.argmax(class_prob, axis=-1)
    scores_on_label = jnp.take_along_axis(class_prob, labels[:, None], axis=1)[:, 0]
    boxes_on_label = jnp.take_along_axis(decoded, labels[:, None, None].repeat(1, axis=1), axis=1)[:, 0, :]
    keep = (labels >= 1) & (scores_on_label > SCORE_THRESH)
    masked = jnp.where(keep, scores_on_label, -1e10)

    def step(scores_cur, _):
        best = jnp.argmax(scores_cur)
        best_score = scores_cur[best]
        best_box = boxes_on_label[best]
        iou = _iou_one_vs_all(best_box, boxes_on_label)
        suppress = iou > NMS_THRESH
        new_scores = jnp.where(suppress, -1e10, scores_cur)
        new_scores = new_scores.at[best].set(-1e10)
        return new_scores, (best, best_score)

    # Greedy score-ordered NMS; first DETS_PER_IMG picks == full NMS + top-100 kthvalue filter
    _, (sel_idx, sel_scores) = jax.lax.scan(step, masked, None, length=DETS_PER_IMG)
    valid = sel_scores > 0.0
    out_scores = jnp.where(valid, sel_scores, 0.0)
    out_boxes = boxes_on_label[sel_idx] * valid[:, None].astype(jnp.float32)
    out_labels = jnp.where(valid, labels[sel_idx], 0)
    return out_boxes, out_scores, out_labels


def reference(class_logits, box_regression, proposal_boxes):
    return _forward_core(class_logits, box_regression, proposal_boxes)

if __name__ == "__main__":
    import jax
    _d = setup_inputs()
    print(jax.jit(kernel)(*tuple(_d.values())))

</pallas_src>

<mosaic_0001>
#map = affine_map<(d0, d1) -> (0, 0)>
#map1 = affine_map<(d0, d1) -> (0)>
module attributes {stable_mosaic.version = 14 : i64} {
  func.func @_sc_gather_body(%arg0: i32, %arg1: i32, %arg2: memref<160x128xi32, #tpu.memory_space<hbm>>, %arg3: memref<160x128xi32, #tpu.memory_space<hbm>>, %arg4: memref<160x128xi32, #tpu.memory_space<hbm>>, %arg5: memref<160x128xi32, #tpu.memory_space<hbm>>, %arg6: memref<6635520xf32, #tpu.memory_space<hbm>>, %arg7: memref<160x128xf32, #tpu.memory_space<hbm>>, %arg8: memref<160x128xf32, #tpu.memory_space<hbm>>, %arg9: memref<160x128xf32, #tpu.memory_space<hbm>>, %arg10: memref<160x128xf32, #tpu.memory_space<hbm>>, %arg11: memref<32x128xi32, #tpu.memory_space<vmem>>, %arg12: memref<32x128xf32, #tpu.memory_space<vmem>>, %arg13: memref<!tpu.dma_semaphore, #tpu.memory_space<semaphore_mem>>) attributes {dimension_semantics = [#tpu.dimension_semantics<core_parallel>, #tpu.dimension_semantics<subcore_parallel>], iteration_bounds = array<i64: 2, 16>, scalar_prefetch = 0 : i64, scratch_operands = 3 : i64, tpu.core_type = #tpu.core_type<sc_vector_subcore>, window_params = [{transform_indices = #map}, {transform_indices = #map}, {transform_indices = #map}, {transform_indices = #map}, {transform_indices = #map1}, {transform_indices = #map}, {transform_indices = #map}, {transform_indices = #map}, {transform_indices = #map}]} {
    %mul3A = arith.constant 2 : i32
    %mul3A_0 = arith.muli %arg1, %mul3A : i32
    %add3A = arith.addi %mul3A_0, %arg0 : i32
    %lt3A = arith.constant 20 : i32
    %lt3A_1 = arith.cmpi slt, %add3A, %lt3A : i32
    %convert_element_type3A = arith.extui %lt3A_1 : i1 to i32
    %cond3A = arith.constant 0 : i32
    %cond3A_2 = arith.cmpi ne, %convert_element_type3A, %cond3A : i32
    scf.if %cond3A_2 {
      %mul3A_3 = arith.constant 8 : i32
      %mul3A_4 = arith.muli %add3A, %mul3A_3 : i32
      "tpu.region"() ({
        %run_scoped3A = tpu.sem_alloc : memref<!tpu.dma_semaphore, #tpu.memory_space<semaphore_mem>>
        %dma_start3A_643 = arith.constant 0 : i32
        %dma_start3A_644 = arith.constant 0 : i32
        %dma_start3A_645 = tpu.memref_slice %arg11[%dma_start3A_643, %dma_start3A_644] : memref<32x128xi32, #tpu.memory_space<vmem>> -> memref<8x128xi32, #tpu.memory_space<vmem>>
        %dma_start3A_646 = arith.constant 0 : i32
        %dma_start3A_647 = tpu.memref_slice %arg2[%mul3A_4, %dma_start3A_646] : memref<160x128xi32, #tpu.memory_space<hbm>> -> memref<8x128xi32, #tpu.memory_space<hbm>>
        %dma_start3A_648 = arith.constant 0 : i32
        %dma_start3A_649 = arith.constant 0 : i32
        %dma_start3A_650 = tpu.memref_slice %arg11[%dma_start3A_648, %dma_start3A_649] : memref<32x128xi32, #tpu.memory_space<vmem>> -> memref<8x128xi32, #tpu.memory_space<vmem>>
        %dma_start3A_651 = arith.constant 0 : i32
        %dma_start3A_652 = tpu.memref_slice %arg2[%mul3A_4, %dma_start3A_651] : memref<160x128xi32, #tpu.memory_space<hbm>> -> memref<8x128xi32, #tpu.memory_space<hbm>>
        tpu.enqueue_dma source(%dma_start3A_652 : memref<8x128xi32, #tpu.memory_space<hbm>>) target(%dma_start3A_650 : memref<8x128xi32, #tpu.memory_space<vmem>>) target_semaphore(%run_scoped3A : memref<!tpu.dma_semaphore, #tpu.memory_space<semaphore_mem>>)
        %dma_wait3A_653 = arith.constant 0 : i32
        %dma_wait3A_654 = arith.constant 0 : i32
        %dma_wait3A_655 = tpu.memref_slice %arg11[%dma_wait3A_653, %dma_wait3A_654] : memref<32x128xi32, #tpu.memory_space<vmem>> -> memref<8x128xi32, #tpu.memory_space<vmem>>
        %dma_wait3A_656 = arith.constant 0 : i32
        %dma_wait3A_657 = tpu.memref_slice %arg2[%mul3A_4, %dma_wait3A_656] : memref<160x128xi32, #tpu.memory_space<hbm>> -> memref<8x128xi32, #tpu.memory_space<hbm>>
        %dma_wait3A_658 = arith.constant 0 : i32
        %dma_wait3A_659 = arith.constant 0 : i32
        %dma_wait3A_660 = tpu.memref_slice %arg11[%dma_wait3A_658, %dma_wait3A_659] : memref<32x128xi32, #tpu.memory_space<vmem>> -> memref<8x128xi32, #tpu.memory_space<vmem>>
        %dma_wait3A_661 = arith.constant 0 : i32
        %dma_wait3A_662 = tpu.memref_slice %arg2[%mul3A_4, %dma_wait3A_661] : memref<160x128xi32, #tpu.memory_space<hbm>> -> memref<8x128xi32, #tpu.memory_space<hbm>>
        tpu.wait_dma2 semaphore(%run_scoped3A : memref<!tpu.dma_semaphore, #tpu.memory_space<semaphore_mem>>) src(%dma_wait3A_662 : memref<8x128xi32, #tpu.memory_space<hbm>>) dst(%dma_wait3A_660 : memref<8x128xi32, #tpu.memory_space<vmem>>)
        tpu.yield
      }) : () -> ()
      "tpu.region"() ({
        %run_scoped3A = tpu.sem_alloc : memref<!tpu.dma_semaphore, #tpu.memory_space<semaphore_mem>>
        %dma_start3A_643 = arith.constant 8 : i32
        %dma_start3A_644 = arith.constant 0 : i32
        %dma_start3A_645 = tpu.memref_slice %arg11[%dma_start3A_643, %dma_start3A_644] : memref<32x128xi32, #tpu.memory_space<vmem>> -> memref<8x128xi32, #tpu.memory_space<vmem>>
        %dma_start3A_646 = arith.constant 0 : i32
        %dma_start3A_647 = tpu.memref_slice %arg3[%mul3A_4, %dma_start3A_646] : memref<160x128xi32, #tpu.memory_space<hbm>> -> memref<8x128xi32, #tpu.memory_space<hbm>>
        %dma_start3A_648 = arith.constant 8 : i32
        %dma_start3A_649 = arith.constant 0 : i32
        %dma_start3A_650 = tpu.memref_slice %arg11[%dma_start3A_648, %dma_start3A_649] : memref<32x128xi32, #tpu.memory_space<vmem>> -> memref<8x128xi32, #tpu.memory_space<vmem>>
        %dma_start3A_651 = arith.constant 0 : i32
        %dma_start3A_652 = tpu.memref_slice %arg3[%mul3A_4, %dma_start3A_651] : memref<160x128xi32, #tpu.memory_space<hbm>> -> memref<8x128xi32, #tpu.memory_space<hbm>>
        tpu.enqueue_dma source(%dma_start3A_652 : memref<8x128xi32, #tpu.memory_space<hbm>>) target(%dma_start3A_650 : memref<8x128xi32, #tpu.memory_space<vmem>>) target_semaphore(%run_scoped3A : memref<!tpu.dma_semaphore, #tpu.memory_space<semaphore_mem>>)
        %dma_wait3A_653 = arith.constant 8 : i32
        %dma_wait3A_654 = arith.constant 0 : i32
        %dma_wait3A_655 = tpu.memref_slice %arg11[%dma_wait3A_653, %dma_wait3A_654] : memref<32x128xi32, #tpu.memory_space<vmem>> -> memref<8x128xi32, #tpu.memory_space<vmem>>
        %dma_wait3A_656 = arith.constant 0 : i32
        %dma_wait3A_657 = tpu.memref_slice %arg3[%mul3A_4, %dma_wait3A_656] : memref<160x128xi32, #tpu.memory_space<hbm>> -> memref<8x128xi32, #tpu.memory_space<hbm>>
        %dma_wait3A_658 = arith.constant 8 : i32
        %dma_wait3A_659 = arith.constant 0 : i32
        %dma_wait3A_660 = tpu.memref_slice %arg11[%dma_wait3A_658, %dma_wait3A_659] : memref<32x128xi32, #tpu.memory_space<vmem>> -> memref<8x128xi32, #tpu.memory_space<vmem>>
        %dma_wait3A_661 = arith.constant 0 : i32
        %dma_wait3A_662 = tpu.memref_slice %arg3[%mul3A_4, %dma_wait3A_661] : memref<160x128xi32, #tpu.memory_space<hbm>> -> memref<8x128xi32, #tpu.memory_space<hbm>>
        tpu.wait_dma2 semaphore(%run_scoped3A : memref<!tpu.dma_semaphore, #tpu.memory_space<semaphore_mem>>) src(%dma_wait3A_662 : memref<8x128xi32, #tpu.memory_space<hbm>>) dst(%dma_wait3A_660 : memref<8x128xi32, #tpu.memory_space<vmem>>)
        tpu.yield
      }) : () -> ()
      "tpu.region"() ({
        %run_scoped3A = tpu.sem_alloc : memref<!tpu.dma_semaphore, #tpu.memory_space<semaphore_mem>>
        %dma_start3A_643 = arith.constant 16 : i32
        %dma_start3A_644 = arith.constant 0 : i32
        %dma_start3A_645 = tpu.memref_slice %arg11[%dma_start3A_643, %dma_start3A_644] : memref<32x128xi32, #tpu.memory_space<vmem>> -> memref<8x128xi32, #tpu.memory_space<vmem>>
        %dma_start3A_646 = arith.constant 0 : i32
        %dma_start3A_647 = tpu.memref_slice %arg4[%mul3A_4, %dma_start3A_646] : memref<160x128xi32, #tpu.memory_space<hbm>> -> memref<8x128xi32, #tpu.memory_space<hbm>>
        %dma_start3A_648 = arith.constant 16 : i32
        %dma_start3A_649 = arith.constant 0 : i32
        %dma_start3A_650 = tpu.memref_slice %arg11[%dma_start3A_648, %dma_start3A_649] : memref<32x128xi32, #tpu.memory_space<vmem>> -> memref<8x128xi32, #tpu.memory_space<vmem>>
        %dma_start3A_651 = arith.constant 0 : i32
        %dma_start3A_652 = tpu.memref_slice %arg4[%mul3A_4, %dma_start3A_651] : memref<160x128xi32, #tpu.memory_space<hbm>> -> memref<8x128xi32, #tpu.memory_space<hbm>>
        tpu.enqueue_dma source(%dma_start3A_652 : memref<8x128xi32, #tpu.memory_space<hbm>>) target(%dma_start3A_650 : memref<8x128xi32, #tpu.memory_space<vmem>>) target_semaphore(%run_scoped3A : memref<!tpu.dma_semaphore, #tpu.memory_space<semaphore_mem>>)
        %dma_wait3A_653 = arith.constant 16 : i32
        %dma_wait3A_654 = arith.constant 0 : i32
        %dma_wait3A_655 = tpu.memref_slice %arg11[%dma_wait3A_653, %dma_wait3A_654] : memref<32x128xi32, #tpu.memory_space<vmem>> -> memref<8x128xi32, #tpu.memory_space<vmem>>
        %dma_wait3A_656 = arith.constant 0 : i32
        %dma_wait3A_657 = tpu.memref_slice %arg4[%mul3A_4, %dma_wait3A_656] : memref<160x128xi32, #tpu.memory_space<hbm>> -> memref<8x128xi32, #tpu.memory_space<hbm>>
        %dma_wait3A_658 = arith.constant 16 : i32
        %dma_wait3A_659 = arith.constant 0 : i32
        %dma_wait3A_660 = tpu.memref_slice %arg11[%dma_wait3A_658, %dma_wait3A_659] : memref<32x128xi32, #tpu.memory_space<vmem>> -> memref<8x128xi32, #tpu.memory_space<vmem>>
        %dma_wait3A_661 = arith.constant 0 : i32
        %dma_wait3A_662 = tpu.memref_slice %arg4[%mul3A_4, %dma_wait3A_661] : memref<160x128xi32, #tpu.memory_space<hbm>> -> memref<8x128xi32, #tpu.memory_space<hbm>>
        tpu.wait_dma2 semaphore(%run_scoped3A : memref<!tpu.dma_semaphore, #tpu.memory_space<semaphore_mem>>) src(%dma_wait3A_662 : memref<8x128xi32, #tpu.memory_space<hbm>>) dst(%dma_wait3A_660 : memref<8x128xi32, #tpu.memory_space<vmem>>)
        tpu.yield
      }) : () -> ()
      "tpu.region"() ({
        %run_scoped3A = tpu.sem_alloc : memref<!tpu.dma_semaphore, #tpu.memory_space<semaphore_mem>>
        %dma_start3A_643 = arith.constant 24 : i32
        %dma_start3A_644 = arith.constant 0 : i32
        %dma_start3A_645 = tpu.memref_slice %arg11[%dma_start3A_643, %dma_start3A_644] : memref<32x128xi32, #tpu.memory_space<vmem>> -> memref<8x128xi32, #tpu.memory_space<vmem>>
        %dma_start3A_646 = arith.constant 0 : i32
        %dma_start3A_647 = tpu.memref_slice %arg5[%mul3A_4, %dma_start3A_646] : memref<160x128xi32, #tpu.memory_space<hbm>> -> memref<8x128xi32, #tpu.memory_space<hbm>>
        %dma_start3A_648 = arith.constant 24 : i32
        %dma_start3A_649 = arith.constant 0 : i32
        %dma_start3A_650 = tpu.memref_slice %arg11[%dma_start3A_648, %dma_start3A_649] : memref<32x128xi32, #tpu.memory_space<vmem>> -> memref<8x128xi32, #tpu.memory_space<vmem>>
        %dma_start3A_651 = arith.constant 0 : i32
        %dma_start3A_652 = tpu.memref_slice %arg5[%mul3A_4, %dma_start3A_651] : memref<160x128xi32, #tpu.memory_space<hbm>> -> memref<8x128xi32, #tpu.memory_space<hbm>>
        tpu.enqueue_dma source(%dma_start3A_652 : memref<8x128xi32, #tpu.memory_space<hbm>>) target(%dma_start3A_650 : memref<8x128xi32, #tpu.memory_space<vmem>>) target_semaphore(%run_scoped3A : memref<!tpu.dma_semaphore, #tpu.memory_space<semaphore_mem>>)
        %dma_wait3A_653 = arith.constant 24 : i32
        %dma_wait3A_654 = arith.constant 0 : i32
        %dma_wait3A_655 = tpu.memref_slice %arg11[%dma_wait3A_653, %dma_wait3A_654] : memref<32x128xi32, #tpu.memory_space<vmem>> -> memref<8x128xi32, #tpu.memory_space<vmem>>
        %dma_wait3A_656 = arith.constant 0 : i32
        %dma_wait3A_657 = tpu.memref_slice %arg5[%mul3A_4, %dma_wait3A_656] : memref<160x128xi32, #tpu.memory_space<hbm>> -> memref<8x128xi32, #tpu.memory_space<hbm>>
        %dma_wait3A_658 = arith.constant 24 : i32
        %dma_wait3A_659 = arith.constant 0 : i32
        %dma_wait3A_660 = tpu.memref_slice %arg11[%dma_wait3A_658, %dma_wait3A_659] : memref<32x128xi32, #tpu.memory_space<vmem>> -> memref<8x128xi32, #tpu.memory_space<vmem>>
        %dma_wait3A_661 = arith.constant 0 : i32
        %dma_wait3A_662 = tpu.memref_slice %arg5[%mul3A_4, %dma_wait3A_661] : memref<160x128xi32, #tpu.memory_space<hbm>> -> memref<8x128xi32, #tpu.memory_space<hbm>>
        tpu.wait_dma2 semaphore(%run_scoped3A : memref<!tpu.dma_semaphore, #tpu.memory_space<semaphore_mem>>) src(%dma_wait3A_662 : memref<8x128xi32, #tpu.memory_space<hbm>>) dst(%dma_wait3A_660 : memref<8x128xi32, #tpu.memory_space<vmem>>)
        tpu.yield
      }) : () -> ()
      %dma_start3A = arith.constant 0 : i32
      %dma_start3A_5 = arith.constant 0 : i32
      %dma_start3A_6 = arith.constant 0 : i32
      %dma_start3A_7 = tpu.memref_slice %arg12[%dma_start3A_5, %dma_start3A_6] : memref<32x128xf32, #tpu.memory_space<vmem>> -> memref<1x128xf32, #tpu.memory_space<vmem>>
      %dma_start3A_8 = tpu.memref_squeeze %dma_start3A_7 : memref<1x128xf32, #tpu.memory_space<vmem>> -> memref<128xf32, #tpu.memory_space<vmem>>
      %dma_start3A_9 = arith.constant 0 : i32
      %dma_start3A_10 = tpu.memref_slice %arg11[%dma_start3A, %dma_start3A_9] : memref<32x128xi32, #tpu.memory_space<vmem>> -> memref<1x128xi32, #tpu.memory_space<vmem>>
      %dma_start3A_11 = tpu.memref_squeeze %dma_start3A_10 : memref<1x128xi32, #tpu.memory_space<vmem>> -> memref<128xi32, #tpu.memory_space<vmem>>
      %dma_start3A_12 = arith.constant 0 : i32
      %dma_start3A_13 = tpu.memref_slice %arg6[%dma_start3A_12] : memref<6635520xf32, #tpu.memory_space<hbm>> -> memref<6635520xf32, #tpu.memory_space<hbm>>
      tpu.enqueue_indirect_dma source(%dma_start3A_13 : memref<6635520xf32, #tpu.memory_space<hbm>>) target(%dma_start3A_8 : memref<128xf32, #tpu.memory_space<vmem>>) offsets(%dma_start3A_11 : memref<128xi32, #tpu.memory_space<vmem>>) semaphore(%arg13 : memref<!tpu.dma_semaphore, #tpu.memory_space<semaphore_mem>>)
      %dma_start3A_14 = arith.constant 1 : i32
      %dma_start3A_15 = arith.constant 1 : i32
      %dma_start3A_16 = arith.constant 0 : i32
      %dma_start3A_17 = tpu.memref_slice %arg12[%dma_start3A_15, %dma_start3A_16] : memref<32x128xf32, #tpu.memory_space<vmem>> -> memref<1x128xf32, #tpu.memory_space<vmem>>
      %dma_start3A_18 = tpu.memref_squeeze %dma_start3A_17 : memref<1x128xf32, #tpu.memory_space<vmem>> -> memref<128xf32, #tpu.memory_space<vmem>>
      %dma_start3A_19 = arith.constant 0 : i32
      %dma_start3A_20 = tpu.memref_slice %arg11[%dma_start3A_14, %dma_start3A_19] : memref<32x128xi32, #tpu.memory_space<vmem>> -> memref<1x128xi32, #tpu.memory_space<vmem>>
      %dma_start3A_21 = tpu.memref_squeeze %dma_start3A_20 : memref<1x128xi32, #tpu.memory_space<vmem>> -> memref<128xi32, #tpu.memory_space<vmem>>
      %dma_start3A_22 = arith.constant 0 : i32
      %dma_start3A_23 = tpu.memref_slice %arg6[%dma_start3A_22] : memref<6635520xf32, #tpu.memory_space<hbm>> -> memref<6635520xf32, #tpu.memory_space<hbm>>
      tpu.enqueue_indirect_dma source(%dma_start3A_23 : memref<6635520xf32, #tpu.memory_space<hbm>>) target(%dma_start3A_18 : memref<128xf32, #tpu.memory_space<vmem>>) offsets(%dma_start3A_21 : memref<128xi32, #tpu.memory_space<vmem>>) semaphore(%arg13 : memref<!tpu.dma_semaphore, #tpu.memory_space<semaphore_mem>>)
      %dma_start3A_24 = arith.constant 2 : i32
      %dma_start3A_25 = arith.constant 2 : i32
      %dma_start3A_26 = arith.constant 0 : i32
      %dma_start3A_27 = tpu.memref_slice %arg12[%dma_start3A_25, %dma_start3A_26] : memref<32x128xf32, #tpu.memory_space<vmem>> -> memref<1x128xf32, #tpu.memory_space<vmem>>
      %dma_start3A_28 = tpu.memref_squeeze %dma_start3A_27 : memref<1x128xf32, #tpu.memory_space<vmem>> -> memref<128xf32, #tpu.memory_space<vmem>>
      %dma_start3A_29 = arith.constant 0 : i32
      %dma_start3A_30 = tpu.memref_slice %arg11[%dma_start3A_24, %dma_start3A_29] : memref<32x128xi32, #tpu.memory_space<vmem>> -> memref<1x128xi32, #tpu.memory_space<vmem>>
      %dma_start3A_31 = tpu.memref_squeeze %dma_start3A_30 : memref<1x128xi32, #tpu.memory_space<vmem>> -> memref<128xi32, #tpu.memory_space<vmem>>
      %dma_start3A_32 = arith.constant 0 : i32
      %dma_start3A_33 = tpu.memref_slice %arg6[%dma_start3A_32] : memref<6635520xf32, #tpu.memory_space<hbm>> -> memref<6635520xf32, #tpu.memory_space<hbm>>
      tpu.enqueue_indirect_dma source(%dma_start3A_33 : memref<6635520xf32, #tpu.memory_space<hbm>>) target(%dma_start3A_28 : memref<128xf32, #tpu.memory_space<vmem>>) offsets(%dma_start3A_31 : memref<128xi32, #tpu.memory_space<vmem>>) semaphore(%arg13 : memref<!tpu.dma_semaphore, #tpu.memory_space<semaphore_mem>>)
      %dma_start3A_34 = arith.constant 3 : i32
      %dma_start3A_35 = arith.constant 3 : i32
      %dma_start3A_36 = arith.constant 0 : i32
      %dma_start3A_37 = tpu.memref_slice %arg12[%dma_start3A_35, %dma_start3A_36] : memref<32x128xf32, #tpu.memory_space<vmem>> -> memref<1x128xf32, #tpu.memory_space<vmem>>
      %dma_start3A_38 = tpu.memref_squeeze %dma_start3A_37 : memref<1x128xf32, #tpu.memory_space<vmem>> -> memref<128xf32, #tpu.memory_space<vmem>>
      %dma_start3A_39 = arith.constant 0 : i32
      %dma_start3A_40 = tpu.memref_slice %arg11[%dma_start3A_34, %dma_start3A_39] : memref<32x128xi32, #tpu.memory_space<vmem>> -> memref<1x128xi32, #tpu.memory_space<vmem>>
      %dma_start3A_41 = tpu.memref_squeeze %dma_start3A_40 : memref<1x128xi32, #tpu.memory_space<vmem>> -> memref<128xi32, #tpu.memory_space<vmem>>
      %dma_start3A_42 = arith.constant 0 : i32
      %dma_start3A_43 = tpu.memref_slice %arg6[%dma_start3A_42] : memref<6635520xf32, #tpu.memory_space<hbm>> -> memref<6635520xf32, #tpu.memory_space<hbm>>
      tpu.enqueue_indirect_dma source(%dma_start3A_43 : memref<6635520xf32, #tpu.memory_space<hbm>>) target(%dma_start3A_38 : memref<128xf32, #tpu.memory_space<vmem>>) offsets(%dma_start3A_41 : memref<128xi32, #tpu.memory_space<vmem>>) semaphore(%arg13 : memref<!tpu.dma_semaphore, #tpu.memory_space<semaphore_mem>>)
      %dma_start3A_44 = arith.constant 4 : i32
      %dma_start3A_45 = arith.constant 4 : i32
      %dma_start3A_46 = arith.constant 0 : i32
      %dma_start3A_47 = tpu.memref_slice %arg12[%dma_start3A_45, %dma_start3A_46] : memref<32x128xf32, #tpu.memory_space<vmem>> -> memref<1x128xf32, #tpu.memory_space<vmem>>
      %dma_start3A_48 = tpu.memref_squeeze %dma_start3A_47 : memref<1x128xf32, #tpu.memory_space<vmem>> -> memref<128xf32, #tpu.memory_space<vmem>>
      %dma_start3A_49 = arith.constant 0 : i32
      %dma_start3A_50 = tpu.memref_slice %arg11[%dma_start3A_44, %dma_start3A_49] : memref<32x128xi32, #tpu.memory_space<vmem>> -> memref<1x128xi32, #tpu.memory_space<vmem>>
      %dma_start3A_51 = tpu.memref_squeeze %dma_start3A_50 : memref<1x128xi32, #tpu.memory_space<vmem>> -> memref<128xi32, #tpu.memory_space<vmem>>
      %dma_start3A_52 = arith.constant 0 : i32
      %dma_start3A_53 = tpu.memref_slice %arg6[%dma_start3A_52] : memref<6635520xf32, #tpu.memory_space<hbm>> -> memref<6635520xf32, #tpu.memory_space<hbm>>
      tpu.enqueue_indirect_dma source(%dma_start3A_53 : memref<6635520xf32, #tpu.memory_space<hbm>>) target(%dma_start3A_48 : memref<128xf32, #tpu.memory_space<vmem>>) offsets(%dma_start3A_51 : memref<128xi32, #tpu.memory_space<vmem>>) semaphore(%arg13 : memref<!tpu.dma_semaphore, #tpu.memory_space<semaphore_mem>>)
      %dma_start3A_54 = arith.constant 5 : i32
      %dma_start3A_55 = arith.constant 5 : i32
      %dma_start3A_56 = arith.constant 0 : i32
      %dma_start3A_57 = tpu.memref_slice %arg12[%dma_start3A_55, %dma_start3A_56] : memref<32x128xf32, #tpu.memory_space<vmem>> -> memref<1x128xf32, #tpu.memory_space<vmem>>
      %dma_start3A_58 = tpu.memref_squeeze %dma_start3A_57 : memref<1x128xf32, #tpu.memory_space<vmem>> -> memref<128xf32, #tpu.memory_space<vmem>>
      %dma_start3A_59 = arith.constant 0 : i32
      %dma_start3A_60 = tpu.memref_slice %arg11[%dma_start3A_54, %dma_start3A_59] : memref<32x128xi32, #tpu.memory_space<vmem>> -> memref<1x128xi32, #tpu.memory_space<vmem>>
      %dma_start3A_61 = tpu.memref_squeeze %dma_start3A_60 : memref<1x128xi32, #tpu.memory_space<vmem>> -> memref<128xi32, #tpu.memory_space<vmem>>
      %dma_start3A_62 = arith.constant 0 : i32
      %dma_start3A_63 = tpu.memref_slice %arg6[%dma_start3A_62] : memref<6635520xf32, #tpu.memory_space<hbm>> -> memref<6635520xf32, #tpu.memory_space<hbm>>
      tpu.enqueue_indirect_dma source(%dma_start3A_63 : memref<6635520xf32, #tpu.memory_space<hbm>>) target(%dma_start3A_58 : memref<128xf32, #tpu.memory_space<vmem>>) offsets(%dma_start3A_61 : memref<128xi32, #tpu.memory_space<vmem>>) semaphore(%arg13 : memref<!tpu.dma_semaphore, #tpu.memory_space<semaphore_mem>>)
      %dma_start3A_64 = arith.constant 6 : i32
      %dma_start3A_65 = arith.constant 6 : i32
      %dma_start3A_66 = arith.constant 0 : i32
      %dma_start3A_67 = tpu.memref_slice %arg12[%dma_start3A_65, %dma_start3A_66] : memref<32x128xf32, #tpu.memory_space<vmem>> -> memref<1x128xf32, #tpu.memory_space<vmem>>
      %dma_start3A_68 = tpu.memref_squeeze %dma_start3A_67 : memref<1x128xf32, #tpu.memory_space<vmem>> -> memref<128xf32, #tpu.memory_space<vmem>>
      %dma_start3A_69 = arith.constant 0 : i32
      %dma_start3A_70 = tpu.memref_slice %arg11[%dma_start3A_64, %dma_start3A_69] : memref<32x128xi32, #tpu.memory_space<vmem>> -> memref<1x128xi32, #tpu.memory_space<vmem>>
      %dma_start3A_71 = tpu.memref_squeeze %dma_start3A_70 : memref<1x128xi32, #tpu.memory_space<vmem>> -> memref<128xi32, #tpu.memory_space<vmem>>
      %dma_start3A_72 = arith.constant 0 : i32
      %dma_start3A_73 = tpu.memref_slice %arg6[%dma_start3A_72] : memref<6635520xf32, #tpu.memory_space<hbm>> -> memref<6635520xf32, #tpu.memory_space<hbm>>
      tpu.enqueue_indirect_dma source(%dma_start3A_73 : memref<6635520xf32, #tpu.memory_space<hbm>>) target(%dma_start3A_68 : memref<128xf32, #tpu.memory_space<vmem>>) offsets(%dma_start3A_71 : memref<128xi32, #tpu.memory_space<vmem>>) semaphore(%arg13 : memref<!tpu.dma_semaphore, #tpu.memory_space<semaphore_mem>>)
      %dma_start3A_74 = arith.constant 7 : i32
      %dma_start3A_75 = arith.constant 7 : i32
      %dma_start3A_76 = arith.constant 0 : i32
      %dma_start3A_77 = tpu.memref_slice %arg12[%dma_start3A_75, %dma_start3A_76] : memref<32x128xf32, #tpu.memory_space<vmem>> -> memref<1x128xf32, #tpu.memory_space<vmem>>
      %dma_start3A_78 = tpu.memref_squeeze %dma_start3A_77 : memref<1x128xf32, #tpu.memory_space<vmem>> -> memref<128xf32, #tpu.memory_space<vmem>>
      %dma_start3A_79 = arith.constant 0 : i32
      %dma_start3A_80 = tpu.memref_slice %arg11[%dma_start3A_74, %dma_start3A_79] : memref<32x128xi32, #tpu.memory_space<vmem>> -> memref<1x128xi32, #tpu.memory_space<vmem>>
      %dma_start3A_81 = tpu.memref_squeeze %dma_start3A_80 : memref<1x128xi32, #tpu.memory_space<vmem>> -> memref<128xi32, #tpu.memory_space<vmem>>
      %dma_start3A_82 = arith.constant 0 : i32
      %dma_start3A_83 = tpu.memref_slice %arg6[%dma_start3A_82] : memref<6635520xf32, #tpu.memory_space<hbm>> -> memref<6635520xf32, #tpu.memory_space<hbm>>
      tpu.enqueue_indirect_dma source(%dma_start3A_83 : memref<6635520xf32, #tpu.memory_space<hbm>>) target(%dma_start3A_78 : memref<128xf32, #tpu.memory_space<vmem>>) offsets(%dma_start3A_81 : memref<128xi32, #tpu.memory_space<vmem>>) semaphore(%arg13 : memref<!tpu.dma_semaphore, #tpu.memory_space<semaphore_mem>>)
      %dma_start3A_84 = arith.constant 8 : i32
      %dma_start3A_85 = arith.constant 8 : i32
      %dma_start3A_86 = arith.constant 0 : i32
      %dma_start3A_87 = tpu.memref_slice %arg12[%dma_start3A_85, %dma_start3A_86] : memref<32x128xf32, #tpu.memory_space<vmem>> -> memref<1x128xf32, #tpu.memory_space<vmem>>
      %dma_start3A_88 = tpu.memref_squeeze %dma_start3A_87 : memref<1x128xf32, #tpu.memory_space<vmem>> -> memref<128xf32, #tpu.memory_space<vmem>>
      %dma_start3A_89 = arith.constant 0 : i32
      %dma_start3A_90 = tpu.memref_slice %arg11[%dma_start3A_84, %dma_start3A_89] : memref<32x128xi32, #tpu.memory_space<vmem>> -> memref<1x128xi32, #tpu.memory_space<vmem>>
      %dma_start3A_91 = tpu.memref_squeeze %dma_start3A_90 : memref<1x128xi32, #tpu.memory_space<vmem>> -> memref<128xi32, #tpu.memory_space<vmem>>
      %dma_start3A_92 = arith.constant 0 : i32
      %dma_start3A_93 = tpu.memref_slice %arg6[%dma_start3A_92] : memref<6635520xf32, #tpu.memory_space<hbm>> -> memref<6635520xf32, #tpu.memory_space<hbm>>
      tpu.enqueue_indirect_dma source(%dma_start3A_93 : memref<6635520xf32, #tpu.memory_space<hbm>>) target(%dma_start3A_88 : memref<128xf32, #tpu.memory_space<vmem>>) offsets(%dma_start3A_91 : memref<128xi32, #tpu.memory_space<vmem>>) semaphore(%arg13 : memref<!tpu.dma_semaphore, #tpu.memory_space<semaphore_mem>>)
      %dma_start3A_94 = arith.constant 9 : i32
      %dma_start3A_95 = arith.constant 9 : i32
      %dma_start3A_96 = arith.constant 0 : i32
      %dma_start3A_97 = tpu.memref_slice %arg12[%dma_start3A_95, %dma_start3A_96] : memref<32x128xf32, #tpu.memory_space<vmem>> -> memref<1x128xf32, #tpu.memory_space<vmem>>
      %dma_start3A_98 = tpu.memref_squeeze %dma_start3A_97 : memref<1x128xf32, #tpu.memory_space<vmem>> -> memref<128xf32, #tpu.memory_space<vmem>>
      %dma_start3A_99 = arith.constant 0 : i32
      %dma_start3A_100 = tpu.memref_slice %arg11[%dma_start3A_94, %dma_start3A_99] : memref<32x128xi32, #tpu.memory_space<vmem>> -> memref<1x128xi32, #tpu.memory_space<vmem>>
      %dma_start3A_101 = tpu.memref_squeeze %dma_start3A_100 : memref<1x128xi32, #tpu.memory_space<vmem>> -> memref<128xi32, #tpu.memory_space<vmem>>
      %dma_start3A_102 = arith.constant 0 : i32
      %dma_start3A_103 = tpu.memref_slice %arg6[%dma_start3A_102] : memref<6635520xf32, #tpu.memory_space<hbm>> -> memref<6635520xf32, #tpu.memory_space<hbm>>
      tpu.enqueue_indirect_dma source(%dma_start3A_103 : memref<6635520xf32, #tpu.memory_space<hbm>>) target(%dma_start3A_98 : memref<128xf32, #tpu.memory_space<vmem>>) offsets(%dma_start3A_101 : memref<128xi32, #tpu.memory_space<vmem>>) semaphore(%arg13 : memref<!tpu.dma_semaphore, #tpu.memory_space<semaphore_mem>>)
      %dma_start3A_104 = arith.constant 10 : i32
      %dma_start3A_105 = arith.constant 10 : i32
      %dma_start3A_106 = arith.constant 0 : i32
      %dma_start3A_107 = tpu.memref_slice %arg12[%dma_start3A_105, %dma_start3A_106] : memref<32x128xf32, #tpu.memory_space<vmem>> -> memref<1x128xf32, #tpu.memory_space<vmem>>
      %dma_start3A_108 = tpu.memref_squeeze %dma_start3A_107 : memref<1x128xf32, #tpu.memory_space<vmem>> -> memref<128xf32, #tpu.memory_space<vmem>>
      %dma_start3A_109 = arith.constant 0 : i32
      %dma_start3A_110 = tpu.memref_slice %arg11[%dma_start3A_104, %dma_start3A_109] : memref<32x128xi32, #tpu.memory_space<vmem>> -> memref<1x128xi32, #tpu.memory_space<vmem>>
      %dma_start3A_111 = tpu.memref_squeeze %dma_start3A_110 : memref<1x128xi32, #tpu.memory_space<vmem>> -> memref<128xi32, #tpu.memory_space<vmem>>
      %dma_start3A_112 = arith.constant 0 : i32
      %dma_start3A_113 = tpu.memref_slice %arg6[%dma_start3A_112] : memref<6635520xf32, #tpu.memory_space<hbm>> -> memref<6635520xf32, #tpu.memory_space<hbm>>
      tpu.enqueue_indirect_dma source(%dma_start3A_113 : memref<6635520xf32, #tpu.memory_space<hbm>>) target(%dma_start3A_108 : memref<128xf32, #tpu.memory_space<vmem>>) offsets(%dma_start3A_111 : memref<128xi32, #tpu.memory_space<vmem>>) semaphore(%arg13 : memref<!tpu.dma_semaphore, #tpu.memory_space<semaphore_mem>>)
      %dma_start3A_114 = arith.constant 11 : i32
      %dma_start3A_115 = arith.constant 11 : i32
      %dma_start3A_116 = arith.constant 0 : i32
      %dma_start3A_117 = tpu.memref_slice %arg12[%dma_start3A_115, %dma_start3A_116] : memref<32x128xf32, #tpu.memory_space<vmem>> -> memref<1x128xf32, #tpu.memory_space<vmem>>
      %dma_start3A_118 = tpu.memref_squeeze %dma_start3A_117 : memref<1x128xf32, #tpu.memory_space<vmem>> -> memref<128xf32, #tpu.memory_space<vmem>>
      %dma_start3A_119 = arith.constant 0 : i32
      %dma_start3A_120 = tpu.memref_slice %arg11[%dma_start3A_114, %dma_start3A_119] : memref<32x128xi32, #tpu.memory_space<vmem>> -> memref<1x128xi32, #tpu.memory_space<vmem>>
      %dma_start3A_121 = tpu.memref_squeeze %dma_start3A_120 : memref<1x128xi32, #tpu.memory_space<vmem>> -> memref<128xi32, #tpu.memory_space<vmem>>
      %dma_start3A_122 = arith.constant 0 : i32
      %dma_start3A_123 = tpu.memref_slice %arg6[%dma_start3A_122] : memref<6635520xf32, #tpu.memory_space<hbm>> -> memref<6635520xf32, #tpu.memory_space<hbm>>
      tpu.enqueue_indirect_dma source(%dma_start3A_123 : memref<6635520xf32, #tpu.memory_space<hbm>>) target(%dma_start3A_118 : memref<128xf32, #tpu.memory_space<vmem>>) offsets(%dma_start3A_121 : memref<128xi32, #tpu.memory_space<vmem>>) semaphore(%arg13 : memref<!tpu.dma_semaphore, #tpu.memory_space<semaphore_mem>>)
      %dma_start3A_124 = arith.constant 12 : i32
      %dma_start3A_125 = arith.constant 12 : i32
      %dma_start3A_126 = arith.constant 0 : i32
      %dma_start3A_127 = tpu.memref_slice %arg12[%dma_start3A_125, %dma_start3A_126] : memref<32x128xf32, #tpu.memory_space<vmem>> -> memref<1x128xf32, #tpu.memory_space<vmem>>
      %dma_start3A_128 = tpu.memref_squeeze %dma_start3A_127 : memref<1x128xf32, #tpu.memory_space<vmem>> -> memref<128xf32, #tpu.memory_space<vmem>>
      %dma_start3A_129 = arith.constant 0 : i32
      %dma_start3A_130 = tpu.memref_slice %arg11[%dma_start3A_124, %dma_start3A_129] : memref<32x128xi32, #tpu.memory_space<vmem>> -> memref<1x128xi32, #tpu.memory_space<vmem>>
      %dma_start3A_131 = tpu.memref_squeeze %dma_start3A_130 : memref<1x128xi32, #tpu.memory_space<vmem>> -> memref<128xi32, #tpu.memory_space<vmem>>
      %dma_start3A_132 = arith.constant 0 : i32
      %dma_start3A_133 = tpu.memref_slice %arg6[%dma_start3A_132] : memref<6635520xf32, #tpu.memory_space<hbm>> -> memref<6635520xf32, #tpu.memory_space<hbm>>
      tpu.enqueue_indirect_dma source(%dma_start3A_133 : memref<6635520xf32, #tpu.memory_space<hbm>>) target(%dma_start3A_128 : memref<128xf32, #tpu.memory_space<vmem>>) offsets(%dma_start3A_131 : memref<128xi32, #tpu.memory_space<vmem>>) semaphore(%arg13 : memref<!tpu.dma_semaphore, #tpu.memory_space<semaphore_mem>>)
      %dma_start3A_134 = arith.constant 13 : i32
      %dma_start3A_135 = arith.constant 13 : i32
      %dma_start3A_136 = arith.constant 0 : i32
      %dma_start3A_137 = tpu.memref_slice %arg12[%dma_start3A_135, %dma_start3A_136] : memref<32x128xf32, #tpu.memory_space<vmem>> -> memref<1x128xf32, #tpu.memory_space<vmem>>
      %dma_start3A_138 = tpu.memref_squeeze %dma_start3A_137 : memref<1x128xf32, #tpu.memory_space<vmem>> -> memref<128xf32, #tpu.memory_space<vmem>>
      %dma_start3A_139 = arith.constant 0 : i32
      %dma_start3A_140 = tpu.memref_slice %arg11[%dma_start3A_134, %dma_start3A_139] : memref<32x128xi32, #tpu.memory_space<vmem>> -> memref<1x128xi32, #tpu.memory_space<vmem>>
      %dma_start3A_141 = tpu.memref_squeeze %dma_start3A_140 : memref<1x128xi32, #tpu.memory_space<vmem>> -> memref<128xi32, #tpu.memory_space<vmem>>
      %dma_start3A_142 = arith.constant 0 : i32
      %dma_start3A_143 = tpu.memref_slice %arg6[%dma_start3A_142] : memref<6635520xf32, #tpu.memory_space<hbm>> -> memref<6635520xf32, #tpu.memory_space<hbm>>
      tpu.enqueue_indirect_dma source(%dma_start3A_143 : memref<6635520xf32, #tpu.memory_space<hbm>>) target(%dma_start3A_138 : memref<128xf32, #tpu.memory_space<vmem>>) offsets(%dma_start3A_141 : memref<128xi32, #tpu.memory_space<vmem>>) semaphore(%arg13 : memref<!tpu.dma_semaphore, #tpu.memory_space<semaphore_mem>>)
      %dma_start3A_144 = arith.constant 14 : i32
      %dma_start3A_145 = arith.constant 14 : i32
      %dma_start3A_146 = arith.constant 0 : i32
      %dma_start3A_147 = tpu.memref_slice %arg12[%dma_start3A_145, %dma_start3A_146] : memref<32x128xf32, #tpu.memory_space<vmem>> -> memref<1x128xf32, #tpu.memory_space<vmem>>
      %dma_start3A_148 = tpu.memref_squeeze %dma_start3A_147 : memref<1x128xf32, #tpu.memory_space<vmem>> -> memref<128xf32, #tpu.memory_space<vmem>>
      %dma_start3A_149 = arith.constant 0 : i32
      %dma_start3A_150 = tpu.memref_slice %arg11[%dma_start3A_144, %dma_start3A_149] : memref<32x128xi32, #tpu.memory_space<vmem>> -> memref<1x128xi32, #tpu.memory_space<vmem>>
      %dma_start3A_151 = tpu.memref_squeeze %dma_start3A_150 : memref<1x128xi32, #tpu.memory_space<vmem>> -> memref<128xi32, #tpu.memory_space<vmem>>
      %dma_start3A_152 = arith.constant 0 : i32
      %dma_start3A_153 = tpu.memref_slice %arg6[%dma_start3A_152] : memref<6635520xf32, #tpu.memory_space<hbm>> -> memref<6635520xf32, #tpu.memory_space<hbm>>
      tpu.enqueue_indirect_dma source(%dma_start3A_153 : memref<6635520xf32, #tpu.memory_space<hbm>>) target(%dma_start3A_148 : memref<128xf32, #tpu.memory_space<vmem>>) offsets(%dma_start3A_151 : memref<128xi32, #tpu.memory_space<vmem>>) semaphore(%arg13 : memref<!tpu.dma_semaphore, #tpu.memory_space<semaphore_mem>>)
      %dma_start3A_154 = arith.constant 15 : i32
      %dma_start3A_155 = arith.constant 15 : i32
      %dma_start3A_156 = arith.constant 0 : i32
      %dma_start3A_157 = tpu.memref_slice %arg12[%dma_start3A_155, %dma_start3A_156] : memref<32x128xf32, #tpu.memory_space<vmem>> -> memref<1x128xf32, #tpu.memory_space<vmem>>
      %dma_start3A_158 = tpu.memref_squeeze %dma_start3A_157 : memref<1x128xf32, #tpu.memory_space<vmem>> -> memref<128xf32, #tpu.memory_space<vmem>>
      %dma_start3A_159 = arith.constant 0 : i32
      %dma_start3A_160 = tpu.memref_slice %arg11[%dma_start3A_154, %dma_start3A_159] : memref<32x128xi32, #tpu.memory_space<vmem>> -> memref<1x128xi32, #tpu.memory_space<vmem>>
      %dma_start3A_161 = tpu.memref_squeeze %dma_start3A_160 : memref<1x128xi32, #tpu.memory_space<vmem>> -> memref<128xi32, #tpu.memory_space<vmem>>
      %dma_start3A_162 = arith.constant 0 : i32
      %dma_start3A_163 = tpu.memref_slice %arg6[%dma_start3A_162] : memref<6635520xf32, #tpu.memory_space<hbm>> -> memref<6635520xf32, #tpu.memory_space<hbm>>
      tpu.enqueue_indirect_dma source(%dma_start3A_163 : memref<6635520xf32, #tpu.memory_space<hbm>>) target(%dma_start3A_158 : memref<128xf32, #tpu.memory_space<vmem>>) offsets(%dma_start3A_161 : memref<128xi32, #tpu.memory_space<vmem>>) semaphore(%arg13 : memref<!tpu.dma_semaphore, #tpu.memory_space<semaphore_mem>>)
      %dma_start3A_164 = arith.constant 16 : i32
      %dma_start3A_165 = arith.constant 16 : i32
      %dma_start3A_166 = arith.constant 0 : i32
      %dma_start3A_167 = tpu.memref_slice %arg12[%dma_start3A_165, %dma_start3A_166] : memref<32x128xf32, #tpu.memory_space<vmem>> -> memref<1x128xf32, #tpu.memory_space<vmem>>
      %dma_start3A_168 = tpu.memref_squeeze %dma_start3A_167 : memref<1x128xf32, #tpu.memory_space<vmem>> -> memref<128xf32, #tpu.memory_space<vmem>>
      %dma_start3A_169 = arith.constant 0 : i32
      %dma_start3A_170 = tpu.memref_slice %arg11[%dma_start3A_164, %dma_start3A_169] : memref<32x128xi32, #tpu.memory_space<vmem>> -> memref<1x128xi32, #tpu.memory_space<vmem>>
      %dma_start3A_171 = tpu.memref_squeeze %dma_start3A_170 : memref<1x128xi32, #tpu.memory_space<vmem>> -> memref<128xi32, #tpu.memory_space<vmem>>
      %dma_start3A_172 = arith.constant 0 : i32
      %dma_start3A_173 = tpu.memref_slice %arg6[%dma_start3A_172] : memref<6635520xf32, #tpu.memory_space<hbm>> -> memref<6635520xf32, #tpu.memory_space<hbm>>
      tpu.enqueue_indirect_dma source(%dma_start3A_173 : memref<6635520xf32, #tpu.memory_space<hbm>>) target(%dma_start3A_168 : memref<128xf32, #tpu.memory_space<vmem>>) offsets(%dma_start3A_171 : memref<128xi32, #tpu.memory_space<vmem>>) semaphore(%arg13 : memref<!tpu.dma_semaphore, #tpu.memory_space<semaphore_mem>>)
      %dma_start3A_174 = arith.constant 17 : i32
      %dma_start3A_175 = arith.constant 17 : i32
      %dma_start3A_176 = arith.constant 0 : i32
      %dma_start3A_177 = tpu.memref_slice %arg12[%dma_start3A_175, %dma_start3A_176] : memref<32x128xf32, #tpu.memory_space<vmem>> -> memref<1x128xf32, #tpu.memory_space<vmem>>
      %dma_start3A_178 = tpu.memref_squeeze %dma_start3A_177 : memref<1x128xf32, #tpu.memory_space<vmem>> -> memref<128xf32, #tpu.memory_space<vmem>>
      %dma_start3A_179 = arith.constant 0 : i32
      %dma_start3A_180 = tpu.memref_slice %arg11[%dma_start3A_174, %dma_start3A_179] : memref<32x128xi32, #tpu.memory_space<vmem>> -> memref<1x128xi32, #tpu.memory_space<vmem>>
      %dma_start3A_181 = tpu.memref_squeeze %dma_start3A_180 : memref<1x128xi32, #tpu.memory_space<vmem>> -> memref<128xi32, #tpu.memory_space<vmem>>
      %dma_start3A_182 = arith.constant 0 : i32
      %dma_start3A_183 = tpu.memref_slice %arg6[%dma_start3A_182] : memref<6635520xf32, #tpu.memory_space<hbm>> -> memref<6635520xf32, #tpu.memory_space<hbm>>
      tpu.enqueue_indirect_dma source(%dma_start3A_183 : memref<6635520xf32, #tpu.memory_space<hbm>>) target(%dma_start3A_178 : memref<128xf32, #tpu.memory_space<vmem>>) offsets(%dma_start3A_181 : memref<128xi32, #tpu.memory_space<vmem>>) semaphore(%arg13 : memref<!tpu.dma_semaphore, #tpu.memory_space<semaphore_mem>>)
      %dma_start3A_184 = arith.constant 18 : i32
      %dma_start3A_185 = arith.constant 18 : i32
      %dma_start3A_186 = arith.constant 0 : i32
      %dma_start3A_187 = tpu.memref_slice %arg12[%dma_start3A_185, %dma_start3A_186] : memref<32x128xf32, #tpu.memory_space<vmem>> -> memref<1x128xf32, #tpu.memory_space<vmem>>
      %dma_start3A_188 = tpu.memref_squeeze %dma_start3A_187 : memref<1x128xf32, #tpu.memory_space<vmem>> -> memref<128xf32, #tpu.memory_space<vmem>>
      %dma_start3A_189 = arith.constant 0 : i32
      %dma_start3A_190 = tpu.memref_slice %arg11[%dma_start3A_184, %dma_start3A_189] : memref<32x128xi32, #tpu.memory_space<vmem>> -> memref<1x128xi32, #tpu.memory_space<vmem>>
      %dma_start3A_191 = tpu.memref_squeeze %dma_start3A_190 : memref<1x128xi32, #tpu.memory_space<vmem>> -> memref<128xi32, #tpu.memory_space<vmem>>
      %dma_start3A_192 = arith.constant 0 : i32
      %dma_start3A_193 = tpu.memref_slice %arg6[%dma_start3A_192] : memref<6635520xf32, #tpu.memory_space<hbm>> -> memref<6635520xf32, #tpu.memory_space<hbm>>
      tpu.enqueue_indirect_dma source(%dma_start3A_193 : memref<6635520xf32, #tpu.memory_space<hbm>>) target(%dma_start3A_188 : memref<128xf32, #tpu.memory_space<vmem>>) offsets(%dma_start3A_191 : memref<128xi32, #tpu.memory_space<vmem>>) semaphore(%arg13 : memref<!tpu.dma_semaphore, #tpu.memory_space<semaphore_mem>>)
      %dma_start3A_194 = arith.constant 19 : i32
      %dma_start3A_195 = arith.constant 19 : i32
      %dma_start3A_196 = arith.constant 0 : i32
      %dma_start3A_197 = tpu.memref_slice %arg12[%dma_start3A_195, %dma_start3A_196] : memref<32x128xf32, #tpu.memory_space<vmem>> -> memref<1x128xf32, #tpu.memory_space<vmem>>
      %dma_start3A_198 = tpu.memref_squeeze %dma_start3A_197 : memref<1x128xf32, #tpu.memory_space<vmem>> -> memref<128xf32, #tpu.memory_space<vmem>>
      %dma_start3A_199 = arith.constant 0 : i32
      %dma_start3A_200 = tpu.memref_slice %arg11[%dma_start3A_194, %dma_start3A_199] : memref<32x128xi32, #tpu.memory_space<vmem>> -> memref<1x128xi32, #tpu.memory_space<vmem>>
      %dma_start3A_201 = tpu.memref_squeeze %dma_start3A_200 : memref<1x128xi32, #tpu.memory_space<vmem>> -> memref<128xi32, #tpu.memory_space<vmem>>
      %dma_start3A_202 = arith.constant 0 : i32
      %dma_start3A_203 = tpu.memref_slice %arg6[%dma_start3A_202] : memref<6635520xf32, #tpu.memory_space<hbm>> -> memref<6635520xf32, #tpu.memory_space<hbm>>
      tpu.enqueue_indirect_dma source(%dma_start3A_203 : memref<6635520xf32, #tpu.memory_space<hbm>>) target(%dma_start3A_198 : memref<128xf32, #tpu.memory_space<vmem>>) offsets(%dma_start3A_201 : memref<128xi32, #tpu.memory_space<vmem>>) semaphore(%arg13 : memref<!tpu.dma_semaphore, #tpu.memory_space<semaphore_mem>>)
      %dma_start3A_204 = arith.constant 20 : i32
      %dma_start3A_205 = arith.constant 20 : i32
      %dma_start3A_206 = arith.constant 0 : i32
      %dma_start3A_207 = tpu.memref_slice %arg12[%dma_start3A_205, %dma_start3A_206] : memref<32x128xf32, #tpu.memory_space<vmem>> -> memref<1x128xf32, #tpu.memory_space<vmem>>
      %dma_start3A_208 = tpu.memref_squeeze %dma_start3A_207 : memref<1x128xf32, #tpu.memory_space<vmem>> -> memref<128xf32, #tpu.memory_space<vmem>>
      %dma_start3A_209 = arith.constant 0 : i32
      %dma_start3A_210 = tpu.memref_slice %arg11[%dma_start3A_204, %dma_start3A_209] : memref<32x128xi32, #tpu.memory_space<vmem>> -> memref<1x128xi32, #tpu.memory_space<vmem>>
      %dma_start3A_211 = tpu.memref_squeeze %dma_start3A_210 : memref<1x128xi32, #tpu.memory_space<vmem>> -> memref<128xi32, #tpu.memory_space<vmem>>
      %dma_start3A_212 = arith.constant 0 : i32
      %dma_start3A_213 = tpu.memref_slice %arg6[%dma_start3A_212] : memref<6635520xf32, #tpu.memory_space<hbm>> -> memref<6635520xf32, #tpu.memory_space<hbm>>
      tpu.enqueue_indirect_dma source(%dma_start3A_213 : memref<6635520xf32, #tpu.memory_space<hbm>>) target(%dma_start3A_208 : memref<128xf32, #tpu.memory_space<vmem>>) offsets(%dma_start3A_211 : memref<128xi32, #tpu.memory_space<vmem>>) semaphore(%arg13 : memref<!tpu.dma_semaphore, #tpu.memory_space<semaphore_mem>>)
      %dma_start3A_214 = arith.constant 21 : i32
      %dma_start3A_215 = arith.constant 21 : i32
      %dma_start3A_216 = arith.constant 0 : i32
      %dma_start3A_217 = tpu.memref_slice %arg12[%dma_start3A_215, %dma_start3A_216] : memref<32x128xf32, #tpu.memory_space<vmem>> -> memref<1x128xf32, #tpu.memory_space<vmem>>
      %dma_start3A_218 = tpu.memref_squeeze %dma_start3A_217 : memref<1x128xf32, #tpu.memory_space<vmem>> -> memref<128xf32, #tpu.memory_space<vmem>>
      %dma_start3A_219 = arith.constant 0 : i32
      %dma_start3A_220 = tpu.memref_slice %arg11[%dma_start3A_214, %dma_start3A_219] : memref<32x128xi32, #tpu.memory_space<vmem>> -> memref<1x128xi32, #tpu.memory_space<vmem>>
      %dma_start3A_221 = tpu.memref_squeeze %dma_start3A_220 : memref<1x128xi32, #tpu.memory_space<vmem>> -> memref<128xi32, #tpu.memory_space<vmem>>
      %dma_start3A_222 = arith.constant 0 : i32
      %dma_start3A_223 = tpu.memref_slice %arg6[%dma_start3A_222] : memref<6635520xf32, #tpu.memory_space<hbm>> -> memref<6635520xf32, #tpu.memory_space<hbm>>
      tpu.enqueue_indirect_dma source(%dma_start3A_223 : memref<6635520xf32, #tpu.memory_space<hbm>>) target(%dma_start3A_218 : memref<128xf32, #tpu.memory_space<vmem>>) offsets(%dma_start3A_221 : memref<128xi32, #tpu.memory_space<vmem>>) semaphore(%arg13 : memref<!tpu.dma_semaphore, #tpu.memory_space<semaphore_mem>>)
      %dma_start3A_224 = arith.constant 22 : i32
      %dma_start3A_225 = arith.constant 22 : i32
      %dma_start3A_226 = arith.constant 0 : i32
      %dma_start3A_227 = tpu.memref_slice %arg12[%dma_start3A_225, %dma_start3A_226] : memref<32x128xf32, #tpu.memory_space<vmem>> -> memref<1x128xf32, #tpu.memory_space<vmem>>
      %dma_start3A_228 = tpu.memref_squeeze %dma_start3A_227 : memref<1x128xf32, #tpu.memory_space<vmem>> -> memref<128xf32, #tpu.memory_space<vmem>>
      %dma_start3A_229 = arith.constant 0 : i32
      %dma_start3A_230 = tpu.memref_slice %arg11[%dma_start3A_224, %dma_start3A_229] : memref<32x128xi32, #tpu.memory_space<vmem>> -> memref<1x128xi32, #tpu.memory_space<vmem>>
      %dma_start3A_231 = tpu.memref_squeeze %dma_start3A_230 : memref<1x128xi32, #tpu.memory_space<vmem>> -> memref<128xi32, #tpu.memory_space<vmem>>
      %dma_start3A_232 = arith.constant 0 : i32
      %dma_start3A_233 = tpu.memref_slice %arg6[%dma_start3A_232] : memref<6635520xf32, #tpu.memory_space<hbm>> -> memref<6635520xf32, #tpu.memory_space<hbm>>
      tpu.enqueue_indirect_dma source(%dma_start3A_233 : memref<6635520xf32, #tpu.memory_space<hbm>>) target(%dma_start3A_228 : memref<128xf32, #tpu.memory_space<vmem>>) offsets(%dma_start3A_231 : memref<128xi32, #tpu.memory_space<vmem>>) semaphore(%arg13 : memref<!tpu.dma_semaphore, #tpu.memory_space<semaphore_mem>>)
      %dma_start3A_234 = arith.constant 23 : i32
      %dma_start3A_235 = arith.constant 23 : i32
      %dma_start3A_236 = arith.constant 0 : i32
      %dma_start3A_237 = tpu.memref_slice %arg12[%dma_start3A_235, %dma_start3A_236] : memref<32x128xf32, #tpu.memory_space<vmem>> -> memref<1x128xf32, #tpu.memory_space<vmem>>
      %dma_start3A_238 = tpu.memref_squeeze %dma_start3A_237 : memref<1x128xf32, #tpu.memory_space<vmem>> -> memref<128xf32, #tpu.memory_space<vmem>>
      %dma_start3A_239 = arith.constant 0 : i32
      %dma_start3A_240 = tpu.memref_slice %arg11[%dma_start3A_234, %dma_start3A_239] : memref<32x128xi32, #tpu.memory_space<vmem>> -> memref<1x128xi32, #tpu.memory_space<vmem>>
      %dma_start3A_241 = tpu.memref_squeeze %dma_start3A_240 : memref<1x128xi32, #tpu.memory_space<vmem>> -> memref<128xi32, #tpu.memory_space<vmem>>
      %dma_start3A_242 = arith.constant 0 : i32
      %dma_start3A_243 = tpu.memref_slice %arg6[%dma_start3A_242] : memref<6635520xf32, #tpu.memory_space<hbm>> -> memref<6635520xf32, #tpu.memory_space<hbm>>
      tpu.enqueue_indirect_dma source(%dma_start3A_243 : memref<6635520xf32, #tpu.memory_space<hbm>>) target(%dma_start3A_238 : memref<128xf32, #tpu.memory_space<vmem>>) offsets(%dma_start3A_241 : memref<128xi32, #tpu.memory_space<vmem>>) semaphore(%arg13 : memref<!tpu.dma_semaphore, #tpu.memory_space<semaphore_mem>>)
      %dma_start3A_244 = arith.constant 24 : i32
      %dma_start3A_245 = arith.constant 24 : i32
      %dma_start3A_246 = arith.constant 0 : i32
      %dma_start3A_247 = tpu.memref_slice %arg12[%dma_start3A_245, %dma_start3A_246] : memref<32x128xf32, #tpu.memory_space<vmem>> -> memref<1x128xf32, #tpu.memory_space<vmem>>
      %dma_start3A_248 = tpu.memref_squeeze %dma_start3A_247 : memref<1x128xf32, #tpu.memory_space<vmem>> -> memref<128xf32, #tpu.memory_space<vmem>>
      %dma_start3A_249 = arith.constant 0 : i32
      %dma_start3A_250 = tpu.memref_slice %arg11[%dma_start3A_244, %dma_start3A_249] : memref<32x128xi32, #tpu.memory_space<vmem>> -> memref<1x128xi32, #tpu.memory_space<vmem>>
      %dma_start3A_251 = tpu.memref_squeeze %dma_start3A_250 : memref<1x128xi32, #tpu.memory_space<vmem>> -> memref<128xi32, #tpu.memory_space<vmem>>
      %dma_start3A_252 = arith.constant 0 : i32
      %dma_start3A_253 = tpu.memref_slice %arg6[%dma_start3A_252] : memref<6635520xf32, #tpu.memory_space<hbm>> -> memref<6635520xf32, #tpu.memory_space<hbm>>
      tpu.enqueue_indirect_dma source(%dma_start3A_253 : memref<6635520xf32, #tpu.memory_space<hbm>>) target(%dma_start3A_248 : memref<128xf32, #tpu.memory_space<vmem>>) offsets(%dma_start3A_251 : memref<128xi32, #tpu.memory_space<vmem>>) semaphore(%arg13 : memref<!tpu.dma_semaphore, #tpu.memory_space<semaphore_mem>>)
      %dma_start3A_254 = arith.constant 25 : i32
      %dma_start3A_255 = arith.constant 25 : i32
      %dma_start3A_256 = arith.constant 0 : i32
      %dma_start3A_257 = tpu.memref_slice %arg12[%dma_start3A_255, %dma_start3A_256] : memref<32x128xf32, #tpu.memory_space<vmem>> -> memref<1x128xf32, #tpu.memory_space<vmem>>
      %dma_start3A_258 = tpu.memref_squeeze %dma_start3A_257 : memref<1x128xf32, #tpu.memory_space<vmem>> -> memref<128xf32, #tpu.memory_space<vmem>>
      %dma_start3A_259 = arith.constant 0 : i32
      %dma_start3A_260 = tpu.memref_slice %arg11[%dma_start3A_254, %dma_start3A_259] : memref<32x128xi32, #tpu.memory_space<vmem>> -> memref<1x128xi32, #tpu.memory_space<vmem>>
      %dma_start3A_261 = tpu.memref_squeeze %dma_start3A_260 : memref<1x128xi32, #tpu.memory_space<vmem>> -> memref<128xi32, #tpu.memory_space<vmem>>
      %dma_start3A_262 = arith.constant 0 : i32
      %dma_start3A_263 = tpu.memref_slice %arg6[%dma_start3A_262] : memref<6635520xf32, #tpu.memory_space<hbm>> -> memref<6635520xf32, #tpu.memory_space<hbm>>
      tpu.enqueue_indirect_dma source(%dma_start3A_263 : memref<6635520xf32, #tpu.memory_space<hbm>>) target(%dma_start3A_258 : memref<128xf32, #tpu.memory_space<vmem>>) offsets(%dma_start3A_261 : memref<128xi32, #tpu.memory_space<vmem>>) semaphore(%arg13 : memref<!tpu.dma_semaphore, #tpu.memory_space<semaphore_mem>>)
      %dma_start3A_264 = arith.constant 26 : i32
      %dma_start3A_265 = arith.constant 26 : i32
      %dma_start3A_266 = arith.constant 0 : i32
      %dma_start3A_267 = tpu.memref_slice %arg12[%dma_start3A_265, %dma_start3A_266] : memref<32x128xf32, #tpu.memory_space<vmem>> -> memref<1x128xf32, #tpu.memory_space<vmem>>
      %dma_start3A_268 = tpu.memref_squeeze %dma_start3A_267 : memref<1x128xf32, #tpu.memory_space<vmem>> -> memref<128xf32, #tpu.memory_space<vmem>>
      %dma_start3A_269 = arith.constant 0 : i32
      %dma_start3A_270 = tpu.memref_slice %arg11[%dma_start3A_264, %dma_start3A_269] : memref<32x128xi32, #tpu.memory_space<vmem>> -> memref<1x128xi32, #tpu.memory_space<vmem>>
      %dma_start3A_271 = tpu.memref_squeeze %dma_start3A_270 : memref<1x128xi32, #tpu.memory_space<vmem>> -> memref<128xi32, #tpu.memory_space<vmem>>
      %dma_start3A_272 = arith.constant 0 : i32
      %dma_start3A_273 = tpu.memref_slice %arg6[%dma_start3A_272] : memref<6635520xf32, #tpu.memory_space<hbm>> -> memref<6635520xf32, #tpu.memory_space<hbm>>
      tpu.enqueue_indirect_dma source(%dma_start3A_273 : memref<6635520xf32, #tpu.memory_space<hbm>>) target(%dma_start3A_268 : memref<128xf32, #tpu.memory_space<vmem>>) offsets(%dma_start3A_271 : memref<128xi32, #tpu.memory_space<vmem>>) semaphore(%arg13 : memref<!tpu.dma_semaphore, #tpu.memory_space<semaphore_mem>>)
      %dma_start3A_274 = arith.constant 27 : i32
      %dma_start3A_275 = arith.constant 27 : i32
      %dma_start3A_276 = arith.constant 0 : i32
      %dma_start3A_277 = tpu.memref_slice %arg12[%dma_start3A_275, %dma_start3A_276] : memref<32x128xf32, #tpu.memory_space<vmem>> -> memref<1x128xf32, #tpu.memory_space<vmem>>
      %dma_start3A_278 = tpu.memref_squeeze %dma_start3A_277 : memref<1x128xf32, #tpu.memory_space<vmem>> -> memref<128xf32, #tpu.memory_space<vmem>>
      %dma_start3A_279 = arith.constant 0 : i32
      %dma_start3A_280 = tpu.memref_slice %arg11[%dma_start3A_274, %dma_start3A_279] : memref<32x128xi32, #tpu.memory_space<vmem>> -> memref<1x128xi32, #tpu.memory_space<vmem>>
      %dma_start3A_281 = tpu.memref_squeeze %dma_start3A_280 : memref<1x128xi32, #tpu.memory_space<vmem>> -> memref<128xi32, #tpu.memory_space<vmem>>
      %dma_start3A_282 = arith.constant 0 : i32
      %dma_start3A_283 = tpu.memref_slice %arg6[%dma_start3A_282] : memref<6635520xf32, #tpu.memory_space<hbm>> -> memref<6635520xf32, #tpu.memory_space<hbm>>
      tpu.enqueue_indirect_dma source(%dma_start3A_283 : memref<6635520xf32, #tpu.memory_space<hbm>>) target(%dma_start3A_278 : memref<128xf32, #tpu.memory_space<vmem>>) offsets(%dma_start3A_281 : memref<128xi32, #tpu.memory_space<vmem>>) semaphore(%arg13 : memref<!tpu.dma_semaphore, #tpu.memory_space<semaphore_mem>>)
      %dma_start3A_284 = arith.constant 28 : i32
      %dma_start3A_285 = arith.constant 28 : i32
      %dma_start3A_286 = arith.constant 0 : i32
      %dma_start3A_287 = tpu.memref_slice %arg12[%dma_start3A_285, %dma_start3A_286] : memref<32x128xf32, #tpu.memory_space<vmem>> -> memref<1x128xf32, #tpu.memory_space<vmem>>
      %dma_start3A_288 = tpu.memref_squeeze %dma_start3A_287 : memref<1x128xf32, #tpu.memory_space<vmem>> -> memref<128xf32, #tpu.memory_space<vmem>>
      %dma_start3A_289 = arith.constant 0 : i32
      %dma_start3A_290 = tpu.memref_slice %arg11[%dma_start3A_284, %dma_start3A_289] : memref<32x128xi32, #tpu.memory_space<vmem>> -> memref<1x128xi32, #tpu.memory_space<vmem>>
      %dma_start3A_291 = tpu.memref_squeeze %dma_start3A_290 : memref<1x128xi32, #tpu.memory_space<vmem>> -> memref<128xi32, #tpu.memory_space<vmem>>
      %dma_start3A_292 = arith.constant 0 : i32
      %dma_start3A_293 = tpu.memref_slice %arg6[%dma_start3A_292] : memref<6635520xf32, #tpu.memory_space<hbm>> -> memref<6635520xf32, #tpu.memory_space<hbm>>
      tpu.enqueue_indirect_dma source(%dma_start3A_293 : memref<6635520xf32, #tpu.memory_space<hbm>>) target(%dma_start3A_288 : memref<128xf32, #tpu.memory_space<vmem>>) offsets(%dma_start3A_291 : memref<128xi32, #tpu.memory_space<vmem>>) semaphore(%arg13 : memref<!tpu.dma_semaphore, #tpu.memory_space<semaphore_mem>>)
      %dma_start3A_294 = arith.constant 29 : i32
      %dma_start3A_295 = arith.constant 29 : i32
      %dma_start3A_296 = arith.constant 0 : i32
      %dma_start3A_297 = tpu.memref_slice %arg12[%dma_start3A_295, %dma_start3A_296] : memref<32x128xf32, #tpu.memory_space<vmem>> -> memref<1x128xf32, #tpu.memory_space<vmem>>
      %dma_start3A_298 = tpu.memref_squeeze %dma_start3A_297 : memref<1x128xf32, #tpu.memory_space<vmem>> -> memref<128xf32, #tpu.memory_space<vmem>>
      %dma_start3A_299 = arith.constant 0 : i32
      %dma_start3A_300 = tpu.memref_slice %arg11[%dma_start3A_294, %dma_start3A_299] : memref<32x128xi32, #tpu.memory_space<vmem>> -> memref<1x128xi32, #tpu.memory_space<vmem>>
      %dma_start3A_301 = tpu.memref_squeeze %dma_start3A_300 : memref<1x128xi32, #tpu.memory_space<vmem>> -> memref<128xi32, #tpu.memory_space<vmem>>
      %dma_start3A_302 = arith.constant 0 : i32
      %dma_start3A_303 = tpu.memref_slice %arg6[%dma_start3A_302] : memref<6635520xf32, #tpu.memory_space<hbm>> -> memref<6635520xf32, #tpu.memory_space<hbm>>
      tpu.enqueue_indirect_dma source(%dma_start3A_303 : memref<6635520xf32, #tpu.memory_space<hbm>>) target(%dma_start3A_298 : memref<128xf32, #tpu.memory_space<vmem>>) offsets(%dma_start3A_301 : memref<128xi32, #tpu.memory_space<vmem>>) semaphore(%arg13 : memref<!tpu.dma_semaphore, #tpu.memory_space<semaphore_mem>>)
      %dma_start3A_304 = arith.constant 30 : i32
      %dma_start3A_305 = arith.constant 30 : i32
      %dma_start3A_306 = arith.constant 0 : i32
      %dma_start3A_307 = tpu.memref_slice %arg12[%dma_start3A_305, %dma_start3A_306] : memref<32x128xf32, #tpu.memory_space<vmem>> -> memref<1x128xf32, #tpu.memory_space<vmem>>
      %dma_start3A_308 = tpu.memref_squeeze %dma_start3A_307 : memref<1x128xf32, #tpu.memory_space<vmem>> -> memref<128xf32, #tpu.memory_space<vmem>>
      %dma_start3A_309 = arith.constant 0 : i32
      %dma_start3A_310 = tpu.memref_slice %arg11[%dma_start3A_304, %dma_start3A_309] : memref<32x128xi32, #tpu.memory_space<vmem>> -> memref<1x128xi32, #tpu.memory_space<vmem>>
      %dma_start3A_311 = tpu.memref_squeeze %dma_start3A_310 : memref<1x128xi32, #tpu.memory_space<vmem>> -> memref<128xi32, #tpu.memory_space<vmem>>
      %dma_start3A_312 = arith.constant 0 : i32
      %dma_start3A_313 = tpu.memref_slice %arg6[%dma_start3A_312] : memref<6635520xf32, #tpu.memory_space<hbm>> -> memref<6635520xf32, #tpu.memory_space<hbm>>
      tpu.enqueue_indirect_dma source(%dma_start3A_313 : memref<6635520xf32, #tpu.memory_space<hbm>>) target(%dma_start3A_308 : memref<128xf32, #tpu.memory_space<vmem>>) offsets(%dma_start3A_311 : memref<128xi32, #tpu.memory_space<vmem>>) semaphore(%arg13 : memref<!tpu.dma_semaphore, #tpu.memory_space<semaphore_mem>>)
      %dma_start3A_314 = arith.constant 31 : i32
      %dma_start3A_315 = arith.constant 31 : i32
      %dma_start3A_316 = arith.constant 0 : i32
      %dma_start3A_317 = tpu.memref_slice %arg12[%dma_start3A_315, %dma_start3A_316] : memref<32x128xf32, #tpu.memory_space<vmem>> -> memref<1x128xf32, #tpu.memory_space<vmem>>
      %dma_start3A_318 = tpu.memref_squeeze %dma_start3A_317 : memref<1x128xf32, #tpu.memory_space<vmem>> -> memref<128xf32, #tpu.memory_space<vmem>>
      %dma_start3A_319 = arith.constant 0 : i32
      %dma_start3A_320 = tpu.memref_slice %arg11[%dma_start3A_314, %dma_start3A_319] : memref<32x128xi32, #tpu.memory_space<vmem>> -> memref<1x128xi32, #tpu.memory_space<vmem>>
      %dma_start3A_321 = tpu.memref_squeeze %dma_start3A_320 : memref<1x128xi32, #tpu.memory_space<vmem>> -> memref<128xi32, #tpu.memory_space<vmem>>
      %dma_start3A_322 = arith.constant 0 : i32
      %dma_start3A_323 = tpu.memref_slice %arg6[%dma_start3A_322] : memref<6635520xf32, #tpu.memory_space<hbm>> -> memref<6635520xf32, #tpu.memory_space<hbm>>
      tpu.enqueue_indirect_dma source(%dma_start3A_323 : memref<6635520xf32, #tpu.memory_space<hbm>>) target(%dma_start3A_318 : memref<128xf32, #tpu.memory_space<vmem>>) offsets(%dma_start3A_321 : memref<128xi32, #tpu.memory_space<vmem>>) semaphore(%arg13 : memref<!tpu.dma_semaphore, #tpu.memory_space<semaphore_mem>>)
      %dma_wait3A = arith.constant 0 : i32
      %dma_wait3A_324 = arith.constant 0 : i32
      %dma_wait3A_325 = arith.constant 0 : i32
      %dma_wait3A_326 = tpu.memref_slice %arg12[%dma_wait3A_324, %dma_wait3A_325] : memref<32x128xf32, #tpu.memory_space<vmem>> -> memref<1x128xf32, #tpu.memory_space<vmem>>
      %dma_wait3A_327 = tpu.memref_squeeze %dma_wait3A_326 : memref<1x128xf32, #tpu.memory_space<vmem>> -> memref<128xf32, #tpu.memory_space<vmem>>
      %dma_wait3A_328 = arith.constant 0 : i32
      %dma_wait3A_329 = tpu.memref_slice %arg11[%dma_wait3A, %dma_wait3A_328] : memref<32x128xi32, #tpu.memory_space<vmem>> -> memref<1x128xi32, #tpu.memory_space<vmem>>
      %dma_wait3A_330 = tpu.memref_squeeze %dma_wait3A_329 : memref<1x128xi32, #tpu.memory_space<vmem>> -> memref<128xi32, #tpu.memory_space<vmem>>
      %dma_wait3A_331 = arith.constant 0 : i32
      %dma_wait3A_332 = tpu.memref_slice %arg6[%dma_wait3A_331] : memref<6635520xf32, #tpu.memory_space<hbm>> -> memref<6635520xf32, #tpu.memory_space<hbm>>
      tpu.wait_indirect_dma semaphore(%arg13 : memref<!tpu.dma_semaphore, #tpu.memory_space<semaphore_mem>>) src(%dma_wait3A_332 : memref<6635520xf32, #tpu.memory_space<hbm>>) dst(%dma_wait3A_327 : memref<128xf32, #tpu.memory_space<vmem>>)
      %dma_wait3A_333 = arith.constant 1 : i32
      %dma_wait3A_334 = arith.constant 1 : i32
      %dma_wait3A_335 = arith.constant 0 : i32
      %dma_wait3A_336 = tpu.memref_slice %arg12[%dma_wait3A_334, %dma_wait3A_335] : memref<32x128xf32, #tpu.memory_space<vmem>> -> memref<1x128xf32, #tpu.memory_space<vmem>>
      %dma_wait3A_337 = tpu.memref_squeeze %dma_wait3A_336 : memref<1x128xf32, #tpu.memory_space<vmem>> -> memref<128xf32, #tpu.memory_space<vmem>>
      %dma_wait3A_338 = arith.constant 0 : i32
      %dma_wait3A_339 = tpu.memref_slice %arg11[%dma_wait3A_333, %dma_wait3A_338] : memref<32x128xi32, #tpu.memory_space<vmem>> -> memref<1x128xi32, #tpu.memory_space<vmem>>
      %dma_wait3A_340 = tpu.memref_squeeze %dma_wait3A_339 : memref<1x128xi32, #tpu.memory_space<vmem>> -> memref<128xi32, #tpu.memory_space<vmem>>
      %dma_wait3A_341 = arith.constant 0 : i32
      %dma_wait3A_342 = tpu.memref_slice %arg6[%dma_wait3A_341] : memref<6635520xf32, #tpu.memory_space<hbm>> -> memref<6635520xf32, #tpu.memory_space<hbm>>
      tpu.wait_indirect_dma semaphore(%arg13 : memref<!tpu.dma_semaphore, #tpu.memory_space<semaphore_mem>>) src(%dma_wait3A_342 : memref<6635520xf32, #tpu.memory_space<hbm>>) dst(%dma_wait3A_337 : memref<128xf32, #tpu.memory_space<vmem>>)
      %dma_wait3A_343 = arith.constant 2 : i32
      %dma_wait3A_344 = arith.constant 2 : i32
      %dma_wait3A_345 = arith.constant 0 : i32
      %dma_wait3A_346 = tpu.memref_slice %arg12[%dma_wait3A_344, %dma_wait3A_345] : memref<32x128xf32, #tpu.memory_space<vmem>> -> memref<1x128xf32, #tpu.memory_space<vmem>>
      %dma_wait3A_347 = tpu.memref_squeeze %dma_wait3A_346 : memref<1x128xf32, #tpu.memory_space<vmem>> -> memref<128xf32, #tpu.memory_space<vmem>>
      %dma_wait3A_348 = arith.constant 0 : i32
      %dma_wait3A_349 = tpu.memref_slice %arg11[%dma_wait3A_343, %dma_wait3A_348] : memref<32x128xi32, #tpu.memory_space<vmem>> -> memref<1x128xi32, #tpu.memory_space<vmem>>
      %dma_wait3A_350 = tpu.memref_squeeze %dma_wait3A_349 : memref<1x128xi32, #tpu.memory_space<vmem>> -> memref<128xi32, #tpu.memory_space<vmem>>
      %dma_wait3A_351 = arith.constant 0 : i32
      %dma_wait3A_352 = tpu.memref_slice %arg6[%dma_wait3A_351] : memref<6635520xf32, #tpu.memory_space<hbm>> -> memref<6635520xf32, #tpu.memory_space<hbm>>
      tpu.wait_indirect_dma semaphore(%arg13 : memref<!tpu.dma_semaphore, #tpu.memory_space<semaphore_mem>>) src(%dma_wait3A_352 : memref<6635520xf32, #tpu.memory_space<hbm>>) dst(%dma_wait3A_347 : memref<128xf32, #tpu.memory_space<vmem>>)
      %dma_wait3A_353 = arith.constant 3 : i32
      %dma_wait3A_354 = arith.constant 3 : i32
      %dma_wait3A_355 = arith.constant 0 : i32
      %dma_wait3A_356 = tpu.memref_slice %arg12[%dma_wait3A_354, %dma_wait3A_355] : memref<32x128xf32, #tpu.memory_space<vmem>> -> memref<1x128xf32, #tpu.memory_space<vmem>>
      %dma_wait3A_357 = tpu.memref_squeeze %dma_wait3A_356 : memref<1x128xf32, #tpu.memory_space<vmem>> -> memref<128xf32, #tpu.memory_space<vmem>>
      %dma_wait3A_358 = arith.constant 0 : i32
      %dma_wait3A_359 = tpu.memref_slice %arg11[%dma_wait3A_353, %dma_wait3A_358] : memref<32x128xi32, #tpu.memory_space<vmem>> -> memref<1x128xi32, #tpu.memory_space<vmem>>
      %dma_wait3A_360 = tpu.memref_squeeze %dma_wait3A_359 : memref<1x128xi32, #tpu.memory_space<vmem>> -> memref<128xi32, #tpu.memory_space<vmem>>
      %dma_wait3A_361 = arith.constant 0 : i32
      %dma_wait3A_362 = tpu.memref_slice %arg6[%dma_wait3A_361] : memref<6635520xf32, #tpu.memory_space<hbm>> -> memref<6635520xf32, #tpu.memory_space<hbm>>
      tpu.wait_indirect_dma semaphore(%arg13 : memref<!tpu.dma_semaphore, #tpu.memory_space<semaphore_mem>>) src(%dma_wait3A_362 : memref<6635520xf32, #tpu.memory_space<hbm>>) dst(%dma_wait3A_357 : memref<128xf32, #tpu.memory_space<vmem>>)
      %dma_wait3A_363 = arith.constant 4 : i32
      %dma_wait3A_364 = arith.constant 4 : i32
      %dma_wait3A_365 = arith.constant 0 : i32
      %dma_wait3A_366 = tpu.memref_slice %arg12[%dma_wait3A_364, %dma_wait3A_365] : memref<32x128xf32, #tpu.memory_space<vmem>> -> memref<1x128xf32, #tpu.memory_space<vmem>>
      %dma_wait3A_367 = tpu.memref_squeeze %dma_wait3A_366 : memref<1x128xf32, #tpu.memory_space<vmem>> -> memref<128xf32, #tpu.memory_space<vmem>>
      %dma_wait3A_368 = arith.constant 0 : i32
      %dma_wait3A_369 = tpu.memref_slice %arg11[%dma_wait3A_363, %dma_wait3A_368] : memref<32x128xi32, #tpu.memory_space<vmem>> -> memref<1x128xi32, #tpu.memory_space<vmem>>
      %dma_wait3A_370 = tpu.memref_squeeze %dma_wait3A_369 : memref<1x128xi32, #tpu.memory_space<vmem>> -> memref<128xi32, #tpu.memory_space<vmem>>
      %dma_wait3A_371 = arith.constant 0 : i32
      %dma_wait3A_372 = tpu.memref_slice %arg6[%dma_wait3A_371] : memref<6635520xf32, #tpu.memory_space<hbm>> -> memref<6635520xf32, #tpu.memory_space<hbm>>
      tpu.wait_indirect_dma semaphore(%arg13 : memref<!tpu.dma_semaphore, #tpu.memory_space<semaphore_mem>>) src(%dma_wait3A_372 : memref<6635520xf32, #tpu.memory_space<hbm>>) dst(%dma_wait3A_367 : memref<128xf32, #tpu.memory_space<vmem>>)
      %dma_wait3A_373 = arith.constant 5 : i32
      %dma_wait3A_374 = arith.constant 5 : i32
      %dma_wait3A_375 = arith.constant 0 : i32
      %dma_wait3A_376 = tpu.memref_slice %arg12[%dma_wait3A_374, %dma_wait3A_375] : memref<32x128xf32, #tpu.memory_space<vmem>> -> memref<1x128xf32, #tpu.memory_space<vmem>>
      %dma_wait3A_377 = tpu.memref_squeeze %dma_wait3A_376 : memref<1x128xf32, #tpu.memory_space<vmem>> -> memref<128xf32, #tpu.memory_space<vmem>>
      %dma_wait3A_378 = arith.constant 0 : i32
      %dma_wait3A_379 = tpu.memref_slice %arg11[%dma_wait3A_373, %dma_wait3A_378] : memref<32x128xi32, #tpu.memory_space<vmem>> -> memref<1x128xi32, #tpu.memory_space<vmem>>
      %dma_wait3A_380 = tpu.memref_squeeze %dma_wait3A_379 : memref<1x128xi32, #tpu.memory_space<vmem>> -> memref<128xi32, #tpu.memory_space<vmem>>
      %dma_wait3A_381 = arith.constant 0 : i32
      %dma_wait3A_382 = tpu.memref_slice %arg6[%dma_wait3A_381] : memref<6635520xf32, #tpu.memory_space<hbm>> -> memref<6635520xf32, #tpu.memory_space<hbm>>
      tpu.wait_indirect_dma semaphore(%arg13 : memref<!tpu.dma_semaphore, #tpu.memory_space<semaphore_mem>>) src(%dma_wait3A_382 : memref<6635520xf32, #tpu.memory_space<hbm>>) dst(%dma_wait3A_377 : memref<128xf32, #tpu.memory_space<vmem>>)
      %dma_wait3A_383 = arith.constant 6 : i32
      %dma_wait3A_384 = arith.constant 6 : i32
      %dma_wait3A_385 = arith.constant 0 : i32
      %dma_wait3A_386 = tpu.memref_slice %arg12[%dma_wait3A_384, %dma_wait3A_385] : memref<32x128xf32, #tpu.memory_space<vmem>> -> memref<1x128xf32, #tpu.memory_space<vmem>>
      %dma_wait3A_387 = tpu.memref_squeeze %dma_wait3A_386 : memref<1x128xf32, #tpu.memory_space<vmem>> -> memref<128xf32, #tpu.memory_space<vmem>>
      %dma_wait3A_388 = arith.constant 0 : i32
      %dma_wait3A_389 = tpu.memref_slice %arg11[%dma_wait3A_383, %dma_wait3A_388] : memref<32x128xi32, #tpu.memory_space<vmem>> -> memref<1x128xi32, #tpu.memory_space<vmem>>
      %dma_wait3A_390 = tpu.memref_squeeze %dma_wait3A_389 : memref<1x128xi32, #tpu.memory_space<vmem>> -> memref<128xi32, #tpu.memory_space<vmem>>
      %dma_wait3A_391 = arith.constant 0 : i32
      %dma_wait3A_392 = tpu.memref_slice %arg6[%dma_wait3A_391] : memref<6635520xf32, #tpu.memory_space<hbm>> -> memref<6635520xf32, #tpu.memory_space<hbm>>
      tpu.wait_indirect_dma semaphore(%arg13 : memref<!tpu.dma_semaphore, #tpu.memory_space<semaphore_mem>>) src(%dma_wait3A_392 : memref<6635520xf32, #tpu.memory_space<hbm>>) dst(%dma_wait3A_387 : memref<128xf32, #tpu.memory_space<vmem>>)
      %dma_wait3A_393 = arith.constant 7 : i32
      %dma_wait3A_394 = arith.constant 7 : i32
      %dma_wait3A_395 = arith.constant 0 : i32
      %dma_wait3A_396 = tpu.memref_slice %arg12[%dma_wait3A_394, %dma_wait3A_395] : memref<32x128xf32, #tpu.memory_space<vmem>> -> memref<1x128xf32, #tpu.memory_space<vmem>>
      %dma_wait3A_397 = tpu.memref_squeeze %dma_wait3A_396 : memref<1x128xf32, #tpu.memory_space<vmem>> -> memref<128xf32, #tpu.memory_space<vmem>>
      %dma_wait3A_398 = arith.constant 0 : i32
      %dma_wait3A_399 = tpu.memref_slice %arg11[%dma_wait3A_393, %dma_wait3A_398] : memref<32x128xi32, #tpu.memory_space<vmem>> -> memref<1x128xi32, #tpu.memory_space<vmem>>
      %dma_wait3A_400 = tpu.memref_squeeze %dma_wait3A_399 : memref<1x128xi32, #tpu.memory_space<vmem>> -> memref<128xi32, #tpu.memory_space<vmem>>
      %dma_wait3A_401 = arith.constant 0 : i32
      %dma_wait3A_402 = tpu.memref_slice %arg6[%dma_wait3A_401] : memref<6635520xf32, #tpu.memory_space<hbm>> -> memref<6635520xf32, #tpu.memory_space<hbm>>
      tpu.wait_indirect_dma semaphore(%arg13 : memref<!tpu.dma_semaphore, #tpu.memory_space<semaphore_mem>>) src(%dma_wait3A_402 : memref<6635520xf32, #tpu.memory_space<hbm>>) dst(%dma_wait3A_397 : memref<128xf32, #tpu.memory_space<vmem>>)
      %dma_wait3A_403 = arith.constant 8 : i32
      %dma_wait3A_404 = arith.constant 8 : i32
      %dma_wait3A_405 = arith.constant 0 : i32
      %dma_wait3A_406 = tpu.memref_slice %arg12[%dma_wait3A_404, %dma_wait3A_405] : memref<32x128xf32, #tpu.memory_space<vmem>> -> memref<1x128xf32, #tpu.memory_space<vmem>>
      %dma_wait3A_407 = tpu.memref_squeeze %dma_wait3A_406 : memref<1x128xf32, #tpu.memory_space<vmem>> -> memref<128xf32, #tpu.memory_space<vmem>>
      %dma_wait3A_408 = arith.constant 0 : i32
      %dma_wait3A_409 = tpu.memref_slice %arg11[%dma_wait3A_403, %dma_wait3A_408] : memref<32x128xi32, #tpu.memory_space<vmem>> -> memref<1x128xi32, #tpu.memory_space<vmem>>
      %dma_wait3A_410 = tpu.memref_squeeze %dma_wait3A_409 : memref<1x128xi32, #tpu.memory_space<vmem>> -> memref<128xi32, #tpu.memory_space<vmem>>
      %dma_wait3A_411 = arith.constant 0 : i32
      %dma_wait3A_412 = tpu.memref_slice %arg6[%dma_wait3A_411] : memref<6635520xf32, #tpu.memory_space<hbm>> -> memref<6635520xf32, #tpu.memory_space<hbm>>
      tpu.wait_indirect_dma semaphore(%arg13 : memref<!tpu.dma_semaphore, #tpu.memory_space<semaphore_mem>>) src(%dma_wait3A_412 : memref<6635520xf32, #tpu.memory_space<hbm>>) dst(%dma_wait3A_407 : memref<128xf32, #tpu.memory_space<vmem>>)
      %dma_wait3A_413 = arith.constant 9 : i32
      %dma_wait3A_414 = arith.constant 9 : i32
      %dma_wait3A_415 = arith.constant 0 : i32
      %dma_wait3A_416 = tpu.memref_slice %arg12[%dma_wait3A_414, %dma_wait3A_415] : memref<32x128xf32, #tpu.memory_space<vmem>> -> memref<1x128xf32, #tpu.memory_space<vmem>>
      %dma_wait3A_417 = tpu.memref_squeeze %dma_wait3A_416 : memref<1x128xf32, #tpu.memory_space<vmem>> -> memref<128xf32, #tpu.memory_space<vmem>>
      %dma_wait3A_418 = arith.constant 0 : i32
      %dma_wait3A_419 = tpu.memref_slice %arg11[%dma_wait3A_413, %dma_wait3A_418] : memref<32x128xi32, #tpu.memory_space<vmem>> -> memref<1x128xi32, #tpu.memory_space<vmem>>
      %dma_wait3A_420 = tpu.memref_squeeze %dma_wait3A_419 : memref<1x128xi32, #tpu.memory_space<vmem>> -> memref<128xi32, #tpu.memory_space<vmem>>
      %dma_wait3A_421 = arith.constant 0 : i32
      %dma_wait3A_422 = tpu.memref_slice %arg6[%dma_wait3A_421] : memref<6635520xf32, #tpu.memory_space<hbm>> -> memref<6635520xf32, #tpu.memory_space<hbm>>
      tpu.wait_indirect_dma semaphore(%arg13 : memref<!tpu.dma_semaphore, #tpu.memory_space<semaphore_mem>>) src(%dma_wait3A_422 : memref<6635520xf32, #tpu.memory_space<hbm>>) dst(%dma_wait3A_417 : memref<128xf32, #tpu.memory_space<vmem>>)
      %dma_wait3A_423 = arith.constant 10 : i32
      %dma_wait3A_424 = arith.constant 10 : i32
      %dma_wait3A_425 = arith.constant 0 : i32
      %dma_wait3A_426 = tpu.memref_slice %arg12[%dma_wait3A_424, %dma_wait3A_425] : memref<32x128xf32, #tpu.memory_space<vmem>> -> memref<1x128xf32, #tpu.memory_space<vmem>>
      %dma_wait3A_427 = tpu.memref_squeeze %dma_wait3A_426 : memref<1x128xf32, #tpu.memory_space<vmem>> -> memref<128xf32, #tpu.memory_space<vmem>>
      %dma_wait3A_428 = arith.constant 0 : i32
      %dma_wait3A_429 = tpu.memref_slice %arg11[%dma_wait3A_423, %dma_wait3A_428] : memref<32x128xi32, #tpu.memory_space<vmem>> -> memref<1x128xi32, #tpu.memory_space<vmem>>
      %dma_wait3A_430 = tpu.memref_squeeze %dma_wait3A_429 : memref<1x128xi32, #tpu.memory_space<vmem>> -> memref<128xi32, #tpu.memory_space<vmem>>
      %dma_wait3A_431 = arith.constant 0 : i32
      %dma_wait3A_432 = tpu.memref_slice %arg6[%dma_wait3A_431] : memref<6635520xf32, #tpu.memory_space<hbm>> -> memref<6635520xf32, #tpu.memory_space<hbm>>
      tpu.wait_indirect_dma semaphore(%arg13 : memref<!tpu.dma_semaphore, #tpu.memory_space<semaphore_mem>>) src(%dma_wait3A_432 : memref<6635520xf32, #tpu.memory_space<hbm>>) dst(%dma_wait3A_427 : memref<128xf32, #tpu.memory_space<vmem>>)
      %dma_wait3A_433 = arith.constant 11 : i32
      %dma_wait3A_434 = arith.constant 11 : i32
      %dma_wait3A_435 = arith.constant 0 : i32
      %dma_wait3A_436 = tpu.memref_slice %arg12[%dma_wait3A_434, %dma_wait3A_435] : memref<32x128xf32, #tpu.memory_space<vmem>> -> memref<1x128xf32, #tpu.memory_space<vmem>>
      %dma_wait3A_437 = tpu.memref_squeeze %dma_wait3A_436 : memref<1x128xf32, #tpu.memory_space<vmem>> -> memref<128xf32, #tpu.memory_space<vmem>>
      %dma_wait3A_438 = arith.constant 0 : i32
      %dma_wait3A_439 = tpu.memref_slice %arg11[%dma_wait3A_433, %dma_wait3A_438] : memref<32x128xi32, #tpu.memory_space<vmem>> -> memref<1x128xi32, #tpu.memory_space<vmem>>
      %dma_wait3A_440 = tpu.memref_squeeze %dma_wait3A_439 : memref<1x128xi32, #tpu.memory_space<vmem>> -> memref<128xi32, #tpu.memory_space<vmem>>
      %dma_wait3A_441 = arith.constant 0 : i32
      %dma_wait3A_442 = tpu.memref_slice %arg6[%dma_wait3A_441] : memref<6635520xf32, #tpu.memory_space<hbm>> -> memref<6635520xf32, #tpu.memory_space<hbm>>
      tpu.wait_indirect_dma semaphore(%arg13 : memref<!tpu.dma_semaphore, #tpu.memory_space<semaphore_mem>>) src(%dma_wait3A_442 : memref<6635520xf32, #tpu.memory_space<hbm>>) dst(%dma_wait3A_437 : memref<128xf32, #tpu.memory_space<vmem>>)
      %dma_wait3A_443 = arith.constant 12 : i32
      %dma_wait3A_444 = arith.constant 12 : i32
      %dma_wait3A_445 = arith.constant 0 : i32
      %dma_wait3A_446 = tpu.memref_slice %arg12[%dma_wait3A_444, %dma_wait3A_445] : memref<32x128xf32, #tpu.memory_space<vmem>> -> memref<1x128xf32, #tpu.memory_space<vmem>>
      %dma_wait3A_447 = tpu.memref_squeeze %dma_wait3A_446 : memref<1x128xf32, #tpu.memory_space<vmem>> -> memref<128xf32, #tpu.memory_space<vmem>>
      %dma_wait3A_448 = arith.constant 0 : i32
      %dma_wait3A_449 = tpu.memref_slice %arg11[%dma_wait3A_443, %dma_wait3A_448] : memref<32x128xi32, #tpu.memory_space<vmem>> -> memref<1x128xi32, #tpu.memory_space<vmem>>
      %dma_wait3A_450 = tpu.memref_squeeze %dma_wait3A_449 : memref<1x128xi32, #tpu.memory_space<vmem>> -> memref<128xi32, #tpu.memory_space<vmem>>
      %dma_wait3A_451 = arith.constant 0 : i32
      %dma_wait3A_452 = tpu.memref_slice %arg6[%dma_wait3A_451] : memref<6635520xf32, #tpu.memory_space<hbm>> -> memref<6635520xf32, #tpu.memory_space<hbm>>
      tpu.wait_indirect_dma semaphore(%arg13 : memref<!tpu.dma_semaphore, #tpu.memory_space<semaphore_mem>>) src(%dma_wait3A_452 : memref<6635520xf32, #tpu.memory_space<hbm>>) dst(%dma_wait3A_447 : memref<128xf32, #tpu.memory_space<vmem>>)
      %dma_wait3A_453 = arith.constant 13 : i32
      %dma_wait3A_454 = arith.constant 13 : i32
      %dma_wait3A_455 = arith.constant 0 : i32
      %dma_wait3A_456 = tpu.memref_slice %arg12[%dma_wait3A_454, %dma_wait3A_455] : memref<32x128xf32, #tpu.memory_space<vmem>> -> memref<1x128xf32, #tpu.memory_space<vmem>>
      %dma_wait3A_457 = tpu.memref_squeeze %dma_wait3A_456 : memref<1x128xf32, #tpu.memory_space<vmem>> -> memref<128xf32, #tpu.memory_space<vmem>>
      %dma_wait3A_458 = arith.constant 0 : i32
      %dma_wait3A_459 = tpu.memref_slice %arg11[%dma_wait3A_453, %dma_wait3A_458] : memref<32x128xi32, #tpu.memory_space<vmem>> -> memref<1x128xi32, #tpu.memory_space<vmem>>
      %dma_wait3A_460 = tpu.memref_squeeze %dma_wait3A_459 : memref<1x128xi32, #tpu.memory_space<vmem>> -> memref<128xi32, #tpu.memory_space<vmem>>
      %dma_wait3A_461 = arith.constant 0 : i32
      %dma_wait3A_462 = tpu.memref_slice %arg6[%dma_wait3A_461] : memref<6635520xf32, #tpu.memory_space<hbm>> -> memref<6635520xf32, #tpu.memory_space<hbm>>
      tpu.wait_indirect_dma semaphore(%arg13 : memref<!tpu.dma_semaphore, #tpu.memory_space<semaphore_mem>>) src(%dma_wait3A_462 : memref<6635520xf32, #tpu.memory_space<hbm>>) dst(%dma_wait3A_457 : memref<128xf32, #tpu.memory_space<vmem>>)
      %dma_wait3A_463 = arith.constant 14 : i32
      %dma_wait3A_464 = arith.constant 14 : i32
      %dma_wait3A_465 = arith.constant 0 : i32
      %dma_wait3A_466 = tpu.memref_slice %arg12[%dma_wait3A_464, %dma_wait3A_465] : memref<32x128xf32, #tpu.memory_space<vmem>> -> memref<1x128xf32, #tpu.memory_space<vmem>>
      %dma_wait3A_467 = tpu.memref_squeeze %dma_wait3A_466 : memref<1x128xf32, #tpu.memory_space<vmem>> -> memref<128xf32, #tpu.memory_space<vmem>>
      %dma_wait3A_468 = arith.constant 0 : i32
      %dma_wait3A_469 = tpu.memref_slice %arg11[%dma_wait3A_463, %dma_wait3A_468] : memref<32x128xi32, #tpu.memory_space<vmem>> -> memref<1x128xi32, #tpu.memory_space<vmem>>
      %dma_wait3A_470 = tpu.memref_squeeze %dma_wait3A_469 : memref<1x128xi32, #tpu.memory_space<vmem>> -> memref<128xi32, #tpu.memory_space<vmem>>
      %dma_wait3A_471 = arith.constant 0 : i32
      %dma_wait3A_472 = tpu.memref_slice %arg6[%dma_wait3A_471] : memref<6635520xf32, #tpu.memory_space<hbm>> -> memref<6635520xf32, #tpu.memory_space<hbm>>
      tpu.wait_indirect_dma semaphore(%arg13 : memref<!tpu.dma_semaphore, #tpu.memory_space<semaphore_mem>>) src(%dma_wait3A_472 : memref<6635520xf32, #tpu.memory_space<hbm>>) dst(%dma_wait3A_467 : memref<128xf32, #tpu.memory_space<vmem>>)
      %dma_wait3A_473 = arith.constant 15 : i32
      %dma_wait3A_474 = arith.constant 15 : i32
      %dma_wait3A_475 = arith.constant 0 : i32
      %dma_wait3A_476 = tpu.memref_slice %arg12[%dma_wait3A_474, %dma_wait3A_475] : memref<32x128xf32, #tpu.memory_space<vmem>> -> memref<1x128xf32, #tpu.memory_space<vmem>>
      %dma_wait3A_477 = tpu.memref_squeeze %dma_wait3A_476 : memref<1x128xf32, #tpu.memory_space<vmem>> -> memref<128xf32, #tpu.memory_space<vmem>>
      %dma_wait3A_478 = arith.constant 0 : i32
      %dma_wait3A_479 = tpu.memref_slice %arg11[%dma_wait3A_473, %dma_wait3A_478] : memref<32x128xi32, #tpu.memory_space<vmem>> -> memref<1x128xi32, #tpu.memory_space<vmem>>
      %dma_wait3A_480 = tpu.memref_squeeze %dma_wait3A_479 : memref<1x128xi32, #tpu.memory_space<vmem>> -> memref<128xi32, #tpu.memory_space<vmem>>
      %dma_wait3A_481 = arith.constant 0 : i32
      %dma_wait3A_482 = tpu.memref_slice %arg6[%dma_wait3A_481] : memref<6635520xf32, #tpu.memory_space<hbm>> -> memref<6635520xf32, #tpu.memory_space<hbm>>
      tpu.wait_indirect_dma semaphore(%arg13 : memref<!tpu.dma_semaphore, #tpu.memory_space<semaphore_mem>>) src(%dma_wait3A_482 : memref<6635520xf32, #tpu.memory_space<hbm>>) dst(%dma_wait3A_477 : memref<128xf32, #tpu.memory_space<vmem>>)
      %dma_wait3A_483 = arith.constant 16 : i32
      %dma_wait3A_484 = arith.constant 16 : i32
      %dma_wait3A_485 = arith.constant 0 : i32
      %dma_wait3A_486 = tpu.memref_slice %arg12[%dma_wait3A_484, %dma_wait3A_485] : memref<32x128xf32, #tpu.memory_space<vmem>> -> memref<1x128xf32, #tpu.memory_space<vmem>>
      %dma_wait3A_487 = tpu.memref_squeeze %dma_wait3A_486 : memref<1x128xf32, #tpu.memory_space<vmem>> -> memref<128xf32, #tpu.memory_space<vmem>>
      %dma_wait3A_488 = arith.constant 0 : i32
      %dma_wait3A_489 = tpu.memref_slice %arg11[%dma_wait3A_483, %dma_wait3A_488] : memref<32x128xi32, #tpu.memory_space<vmem>> -> memref<1x128xi32, #tpu.memory_space<vmem>>
      %dma_wait3A_490 = tpu.memref_squeeze %dma_wait3A_489 : memref<1x128xi32, #tpu.memory_space<vmem>> -> memref<128xi32, #tpu.memory_space<vmem>>
      %dma_wait3A_491 = arith.constant 0 : i32
      %dma_wait3A_492 = tpu.memref_slice %arg6[%dma_wait3A_491] : memref<6635520xf32, #tpu.memory_space<hbm>> -> memref<6635520xf32, #tpu.memory_space<hbm>>
      tpu.wait_indirect_dma semaphore(%arg13 : memref<!tpu.dma_semaphore, #tpu.memory_space<semaphore_mem>>) src(%dma_wait3A_492 : memref<6635520xf32, #tpu.memory_space<hbm>>) dst(%dma_wait3A_487 : memref<128xf32, #tpu.memory_space<vmem>>)
      %dma_wait3A_493 = arith.constant 17 : i32
      %dma_wait3A_494 = arith.constant 17 : i32
      %dma_wait3A_495 = arith.constant 0 : i32
      %dma_wait3A_496 = tpu.memref_slice %arg12[%dma_wait3A_494, %dma_wait3A_495] : memref<32x128xf32, #tpu.memory_space<vmem>> -> memref<1x128xf32, #tpu.memory_space<vmem>>
      %dma_wait3A_497 = tpu.memref_squeeze %dma_wait3A_496 : memref<1x128xf32, #tpu.memory_space<vmem>> -> memref<128xf32, #tpu.memory_space<vmem>>
      %dma_wait3A_498 = arith.constant 0 : i32
      %dma_wait3A_499 = tpu.memref_slice %arg11[%dma_wait3A_493, %dma_wait3A_498] : memref<32x128xi32, #tpu.memory_space<vmem>> -> memref<1x128xi32, #tpu.memory_space<vmem>>
      %dma_wait3A_500 = tpu.memref_squeeze %dma_wait3A_499 : memref<1x128xi32, #tpu.memory_space<vmem>> -> memref<128xi32, #tpu.memory_space<vmem>>
      %dma_wait3A_501 = arith.constant 0 : i32
      %dma_wait3A_502 = tpu.memref_slice %arg6[%dma_wait3A_501] : memref<6635520xf32, #tpu.memory_space<hbm>> -> memref<6635520xf32, #tpu.memory_space<hbm>>
      tpu.wait_indirect_dma semaphore(%arg13 : memref<!tpu.dma_semaphore, #tpu.memory_space<semaphore_mem>>) src(%dma_wait3A_502 : memref<6635520xf32, #tpu.memory_space<hbm>>) dst(%dma_wait3A_497 : memref<128xf32, #tpu.memory_space<vmem>>)
      %dma_wait3A_503 = arith.constant 18 : i32
      %dma_wait3A_504 = arith.constant 18 : i32
      %dma_wait3A_505 = arith.constant 0 : i32
      %dma_wait3A_506 = tpu.memref_slice %arg12[%dma_wait3A_504, %dma_wait3A_505] : memref<32x128xf32, #tpu.memory_space<vmem>> -> memref<1x128xf32, #tpu.memory_space<vmem>>
      %dma_wait3A_507 = tpu.memref_squeeze %dma_wait3A_506 : memref<1x128xf32, #tpu.memory_space<vmem>> -> memref<128xf32, #tpu.memory_space<vmem>>
      %dma_wait3A_508 = arith.constant 0 : i32
      %dma_wait3A_509 = tpu.memref_slice %arg11[%dma_wait3A_503, %dma_wait3A_508] : memref<32x128xi32, #tpu.memory_space<vmem>> -> memref<1x128xi32, #tpu.memory_space<vmem>>
      %dma_wait3A_510 = tpu.memref_squeeze %dma_wait3A_509 : memref<1x128xi32, #tpu.memory_space<vmem>> -> memref<128xi32, #tpu.memory_space<vmem>>
      %dma_wait3A_511 = arith.constant 0 : i32
      %dma_wait3A_512 = tpu.memref_slice %arg6[%dma_wait3A_511] : memref<6635520xf32, #tpu.memory_space<hbm>> -> memref<6635520xf32, #tpu.memory_space<hbm>>
      tpu.wait_indirect_dma semaphore(%arg13 : memref<!tpu.dma_semaphore, #tpu.memory_space<semaphore_mem>>) src(%dma_wait3A_512 : memref<6635520xf32, #tpu.memory_space<hbm>>) dst(%dma_wait3A_507 : memref<128xf32, #tpu.memory_space<vmem>>)
      %dma_wait3A_513 = arith.constant 19 : i32
      %dma_wait3A_514 = arith.constant 19 : i32
      %dma_wait3A_515 = arith.constant 0 : i32
      %dma_wait3A_516 = tpu.memref_slice %arg12[%dma_wait3A_514, %dma_wait3A_515] : memref<32x128xf32, #tpu.memory_space<vmem>> -> memref<1x128xf32, #tpu.memory_space<vmem>>
      %dma_wait3A_517 = tpu.memref_squeeze %dma_wait3A_516 : memref<1x128xf32, #tpu.memory_space<vmem>> -> memref<128xf32, #tpu.memory_space<vmem>>
      %dma_wait3A_518 = arith.constant 0 : i32
      %dma_wait3A_519 = tpu.memref_slice %arg11[%dma_wait3A_513, %dma_wait3A_518] : memref<32x128xi32, #tpu.memory_space<vmem>> -> memref<1x128xi32, #tpu.memory_space<vmem>>
      %dma_wait3A_520 = tpu.memref_squeeze %dma_wait3A_519 : memref<1x128xi32, #tpu.memory_space<vmem>> -> memref<128xi32, #tpu.memory_space<vmem>>
      %dma_wait3A_521 = arith.constant 0 : i32
      %dma_wait3A_522 = tpu.memref_slice %arg6[%dma_wait3A_521] : memref<6635520xf32, #tpu.memory_space<hbm>> -> memref<6635520xf32, #tpu.memory_space<hbm>>
      tpu.wait_indirect_dma semaphore(%arg13 : memref<!tpu.dma_semaphore, #tpu.memory_space<semaphore_mem>>) src(%dma_wait3A_522 : memref<6635520xf32, #tpu.memory_space<hbm>>) dst(%dma_wait3A_517 : memref<128xf32, #tpu.memory_space<vmem>>)
      %dma_wait3A_523 = arith.constant 20 : i32
      %dma_wait3A_524 = arith.constant 20 : i32
      %dma_wait3A_525 = arith.constant 0 : i32
      %dma_wait3A_526 = tpu.memref_slice %arg12[%dma_wait3A_524, %dma_wait3A_525] : memref<32x128xf32, #tpu.memory_space<vmem>> -> memref<1x128xf32, #tpu.memory_space<vmem>>
      %dma_wait3A_527 = tpu.memref_squeeze %dma_wait3A_526 : memref<1x128xf32, #tpu.memory_space<vmem>> -> memref<128xf32, #tpu.memory_space<vmem>>
      %dma_wait3A_528 = arith.constant 0 : i32
      %dma_wait3A_529 = tpu.memref_slice %arg11[%dma_wait3A_523, %dma_wait3A_528] : memref<32x128xi32, #tpu.memory_space<vmem>> -> memref<1x128xi32, #tpu.memory_space<vmem>>
      %dma_wait3A_530 = tpu.memref_squeeze %dma_wait3A_529 : memref<1x128xi32, #tpu.memory_space<vmem>> -> memref<128xi32, #tpu.memory_space<vmem>>
      %dma_wait3A_531 = arith.constant 0 : i32
      %dma_wait3A_532 = tpu.memref_slice %arg6[%dma_wait3A_531] : memref<6635520xf32, #tpu.memory_space<hbm>> -> memref<6635520xf32, #tpu.memory_space<hbm>>
      tpu.wait_indirect_dma semaphore(%arg13 : memref<!tpu.dma_semaphore, #tpu.memory_space<semaphore_mem>>) src(%dma_wait3A_532 : memref<6635520xf32, #tpu.memory_space<hbm>>) dst(%dma_wait3A_527 : memref<128xf32, #tpu.memory_space<vmem>>)
      %dma_wait3A_533 = arith.constant 21 : i32
      %dma_wait3A_534 = arith.constant 21 : i32
      %dma_wait3A_535 = arith.constant 0 : i32
      %dma_wait3A_536 = tpu.memref_slice %arg12[%dma_wait3A_534, %dma_wait3A_535] : memref<32x128xf32, #tpu.memory_space<vmem>> -> memref<1x128xf32, #tpu.memory_space<vmem>>
      %dma_wait3A_537 = tpu.memref_squeeze %dma_wait3A_536 : memref<1x128xf32, #tpu.memory_space<vmem>> -> memref<128xf32, #tpu.memory_space<vmem>>
      %dma_wait3A_538 = arith.constant 0 : i32
      %dma_wait3A_539 = tpu.memref_slice %arg11[%dma_wait3A_533, %dma_wait3A_538] : memref<32x128xi32, #tpu.memory_space<vmem>> -> memref<1x128xi32, #tpu.memory_space<vmem>>
      %dma_wait3A_540 = tpu.memref_squeeze %dma_wait3A_539 : memref<1x128xi32, #tpu.memory_space<vmem>> -> memref<128xi32, #tpu.memory_space<vmem>>
      %dma_wait3A_541 = arith.constant 0 : i32
      %dma_wait3A_542 = tpu.memref_slice %arg6[%dma_wait3A_541] : memref<6635520xf32, #tpu.memory_space<hbm>> -> memref<6635520xf32, #tpu.memory_space<hbm>>
      tpu.wait_indirect_dma semaphore(%arg13 : memref<!tpu.dma_semaphore, #tpu.memory_space<semaphore_mem>>) src(%dma_wait3A_542 : memref<6635520xf32, #tpu.memory_space<hbm>>) dst(%dma_wait3A_537 : memref<128xf32, #tpu.memory_space<vmem>>)
      %dma_wait3A_543 = arith.constant 22 : i32
      %dma_wait3A_544 = arith.constant 22 : i32
      %dma_wait3A_545 = arith.constant 0 : i32
      %dma_wait3A_546 = tpu.memref_slice %arg12[%dma_wait3A_544, %dma_wait3A_545] : memref<32x128xf32, #tpu.memory_space<vmem>> -> memref<1x128xf32, #tpu.memory_space<vmem>>
      %dma_wait3A_547 = tpu.memref_squeeze %dma_wait3A_546 : memref<1x128xf32, #tpu.memory_space<vmem>> -> memref<128xf32, #tpu.memory_space<vmem>>
      %dma_wait3A_548 = arith.constant 0 : i32
      %dma_wait3A_549 = tpu.memref_slice %arg11[%dma_wait3A_543, %dma_wait3A_548] : memref<32x128xi32, #tpu.memory_space<vmem>> -> memref<1x128xi32, #tpu.memory_space<vmem>>
      %dma_wait3A_550 = tpu.memref_squeeze %dma_wait3A_549 : memref<1x128xi32, #tpu.memory_space<vmem>> -> memref<128xi32, #tpu.memory_space<vmem>>
      %dma_wait3A_551 = arith.constant 0 : i32
      %dma_wait3A_552 = tpu.memref_slice %arg6[%dma_wait3A_551] : memref<6635520xf32, #tpu.memory_space<hbm>> -> memref<6635520xf32, #tpu.memory_space<hbm>>
      tpu.wait_indirect_dma semaphore(%arg13 : memref<!tpu.dma_semaphore, #tpu.memory_space<semaphore_mem>>) src(%dma_wait3A_552 : memref<6635520xf32, #tpu.memory_space<hbm>>) dst(%dma_wait3A_547 : memref<128xf32, #tpu.memory_space<vmem>>)
      %dma_wait3A_553 = arith.constant 23 : i32
      %dma_wait3A_554 = arith.constant 23 : i32
      %dma_wait3A_555 = arith.constant 0 : i32
      %dma_wait3A_556 = tpu.memref_slice %arg12[%dma_wait3A_554, %dma_wait3A_555] : memref<32x128xf32, #tpu.memory_space<vmem>> -> memref<1x128xf32, #tpu.memory_space<vmem>>
      %dma_wait3A_557 = tpu.memref_squeeze %dma_wait3A_556 : memref<1x128xf32, #tpu.memory_space<vmem>> -> memref<128xf32, #tpu.memory_space<vmem>>
      %dma_wait3A_558 = arith.constant 0 : i32
      %dma_wait3A_559 = tpu.memref_slice %arg11[%dma_wait3A_553, %dma_wait3A_558] : memref<32x128xi32, #tpu.memory_space<vmem>> -> memref<1x128xi32, #tpu.memory_space<vmem>>
      %dma_wait3A_560 = tpu.memref_squeeze %dma_wait3A_559 : memref<1x128xi32, #tpu.memory_space<vmem>> -> memref<128xi32, #tpu.memory_space<vmem>>
      %dma_wait3A_561 = arith.constant 0 : i32
      %dma_wait3A_562 = tpu.memref_slice %arg6[%dma_wait3A_561] : memref<6635520xf32, #tpu.memory_space<hbm>> -> memref<6635520xf32, #tpu.memory_space<hbm>>
      tpu.wait_indirect_dma semaphore(%arg13 : memref<!tpu.dma_semaphore, #tpu.memory_space<semaphore_mem>>) src(%dma_wait3A_562 : memref<6635520xf32, #tpu.memory_space<hbm>>) dst(%dma_wait3A_557 : memref<128xf32, #tpu.memory_space<vmem>>)
      %dma_wait3A_563 = arith.constant 24 : i32
      %dma_wait3A_564 = arith.constant 24 : i32
      %dma_wait3A_565 = arith.constant 0 : i32
      %dma_wait3A_566 = tpu.memref_slice %arg12[%dma_wait3A_564, %dma_wait3A_565] : memref<32x128xf32, #tpu.memory_space<vmem>> -> memref<1x128xf32, #tpu.memory_space<vmem>>
      %dma_wait3A_567 = tpu.memref_squeeze %dma_wait3A_566 : memref<1x128xf32, #tpu.memory_space<vmem>> -> memref<128xf32, #tpu.memory_space<vmem>>
      %dma_wait3A_568 = arith.constant 0 : i32
      %dma_wait3A_569 = tpu.memref_slice %arg11[%dma_wait3A_563, %dma_wait3A_568] : memref<32x128xi32, #tpu.memory_space<vmem>> -> memref<1x128xi32, #tpu.memory_space<vmem>>
      %dma_wait3A_570 = tpu.memref_squeeze %dma_wait3A_569 : memref<1x128xi32, #tpu.memory_space<vmem>> -> memref<128xi32, #tpu.memory_space<vmem>>
      %dma_wait3A_571 = arith.constant 0 : i32
      %dma_wait3A_572 = tpu.memref_slice %arg6[%dma_wait3A_571] : memref<6635520xf32, #tpu.memory_space<hbm>> -> memref<6635520xf32, #tpu.memory_space<hbm>>
      tpu.wait_indirect_dma semaphore(%arg13 : memref<!tpu.dma_semaphore, #tpu.memory_space<semaphore_mem>>) src(%dma_wait3A_572 : memref<6635520xf32, #tpu.memory_space<hbm>>) dst(%dma_wait3A_567 : memref<128xf32, #tpu.memory_space<vmem>>)
      %dma_wait3A_573 = arith.constant 25 : i32
      %dma_wait3A_574 = arith.constant 25 : i32
      %dma_wait3A_575 = arith.constant 0 : i32
      %dma_wait3A_576 = tpu.memref_slice %arg12[%dma_wait3A_574, %dma_wait3A_575] : memref<32x128xf32, #tpu.memory_space<vmem>> -> memref<1x128xf32, #tpu.memory_space<vmem>>
      %dma_wait3A_577 = tpu.memref_squeeze %dma_wait3A_576 : memref<1x128xf32, #tpu.memory_space<vmem>> -> memref<128xf32, #tpu.memory_space<vmem>>
      %dma_wait3A_578 = arith.constant 0 : i32
      %dma_wait3A_579 = tpu.memref_slice %arg11[%dma_wait3A_573, %dma_wait3A_578] : memref<32x128xi32, #tpu.memory_space<vmem>> -> memref<1x128xi32, #tpu.memory_space<vmem>>
      %dma_wait3A_580 = tpu.memref_squeeze %dma_wait3A_579 : memref<1x128xi32, #tpu.memory_space<vmem>> -> memref<128xi32, #tpu.memory_space<vmem>>
      %dma_wait3A_581 = arith.constant 0 : i32
      %dma_wait3A_582 = tpu.memref_slice %arg6[%dma_wait3A_581] : memref<6635520xf32, #tpu.memory_space<hbm>> -> memref<6635520xf32, #tpu.memory_space<hbm>>
      tpu.wait_indirect_dma semaphore(%arg13 : memref<!tpu.dma_semaphore, #tpu.memory_space<semaphore_mem>>) src(%dma_wait3A_582 : memref<6635520xf32, #tpu.memory_space<hbm>>) dst(%dma_wait3A_577 : memref<128xf32, #tpu.memory_space<vmem>>)
      %dma_wait3A_583 = arith.constant 26 : i32
      %dma_wait3A_584 = arith.constant 26 : i32
      %dma_wait3A_585 = arith.constant 0 : i32
      %dma_wait3A_586 = tpu.memref_slice %arg12[%dma_wait3A_584, %dma_wait3A_585] : memref<32x128xf32, #tpu.memory_space<vmem>> -> memref<1x128xf32, #tpu.memory_space<vmem>>
      %dma_wait3A_587 = tpu.memref_squeeze %dma_wait3A_586 : memref<1x128xf32, #tpu.memory_space<vmem>> -> memref<128xf32, #tpu.memory_space<vmem>>
      %dma_wait3A_588 = arith.constant 0 : i32
      %dma_wait3A_589 = tpu.memref_slice %arg11[%dma_wait3A_583, %dma_wait3A_588] : memref<32x128xi32, #tpu.memory_space<vmem>> -> memref<1x128xi32, #tpu.memory_space<vmem>>
      %dma_wait3A_590 = tpu.memref_squeeze %dma_wait3A_589 : memref<1x128xi32, #tpu.memory_space<vmem>> -> memref<128xi32, #tpu.memory_space<vmem>>
      %dma_wait3A_591 = arith.constant 0 : i32
      %dma_wait3A_592 = tpu.memref_slice %arg6[%dma_wait3A_591] : memref<6635520xf32, #tpu.memory_space<hbm>> -> memref<6635520xf32, #tpu.memory_space<hbm>>
      tpu.wait_indirect_dma semaphore(%arg13 : memref<!tpu.dma_semaphore, #tpu.memory_space<semaphore_mem>>) src(%dma_wait3A_592 : memref<6635520xf32, #tpu.memory_space<hbm>>) dst(%dma_wait3A_587 : memref<128xf32, #tpu.memory_space<vmem>>)
      %dma_wait3A_593 = arith.constant 27 : i32
      %dma_wait3A_594 = arith.constant 27 : i32
      %dma_wait3A_595 = arith.constant 0 : i32
      %dma_wait3A_596 = tpu.memref_slice %arg12[%dma_wait3A_594, %dma_wait3A_595] : memref<32x128xf32, #tpu.memory_space<vmem>> -> memref<1x128xf32, #tpu.memory_space<vmem>>
      %dma_wait3A_597 = tpu.memref_squeeze %dma_wait3A_596 : memref<1x128xf32, #tpu.memory_space<vmem>> -> memref<128xf32, #tpu.memory_space<vmem>>
      %dma_wait3A_598 = arith.constant 0 : i32
      %dma_wait3A_599 = tpu.memref_slice %arg11[%dma_wait3A_593, %dma_wait3A_598] : memref<32x128xi32, #tpu.memory_space<vmem>> -> memref<1x128xi32, #tpu.memory_space<vmem>>
      %dma_wait3A_600 = tpu.memref_squeeze %dma_wait3A_599 : memref<1x128xi32, #tpu.memory_space<vmem>> -> memref<128xi32, #tpu.memory_space<vmem>>
      %dma_wait3A_601 = arith.constant 0 : i32
      %dma_wait3A_602 = tpu.memref_slice %arg6[%dma_wait3A_601] : memref<6635520xf32, #tpu.memory_space<hbm>> -> memref<6635520xf32, #tpu.memory_space<hbm>>
      tpu.wait_indirect_dma semaphore(%arg13 : memref<!tpu.dma_semaphore, #tpu.memory_space<semaphore_mem>>) src(%dma_wait3A_602 : memref<6635520xf32, #tpu.memory_space<hbm>>) dst(%dma_wait3A_597 : memref<128xf32, #tpu.memory_space<vmem>>)
      %dma_wait3A_603 = arith.constant 28 : i32
      %dma_wait3A_604 = arith.constant 28 : i32
      %dma_wait3A_605 = arith.constant 0 : i32
      %dma_wait3A_606 = tpu.memref_slice %arg12[%dma_wait3A_604, %dma_wait3A_605] : memref<32x128xf32, #tpu.memory_space<vmem>> -> memref<1x128xf32, #tpu.memory_space<vmem>>
      %dma_wait3A_607 = tpu.memref_squeeze %dma_wait3A_606 : memref<1x128xf32, #tpu.memory_space<vmem>> -> memref<128xf32, #tpu.memory_space<vmem>>
      %dma_wait3A_608 = arith.constant 0 : i32
      %dma_wait3A_609 = tpu.memref_slice %arg11[%dma_wait3A_603, %dma_wait3A_608] : memref<32x128xi32, #tpu.memory_space<vmem>> -> memref<1x128xi32, #tpu.memory_space<vmem>>
      %dma_wait3A_610 = tpu.memref_squeeze %dma_wait3A_609 : memref<1x128xi32, #tpu.memory_space<vmem>> -> memref<128xi32, #tpu.memory_space<vmem>>
      %dma_wait3A_611 = arith.constant 0 : i32
      %dma_wait3A_612 = tpu.memref_slice %arg6[%dma_wait3A_611] : memref<6635520xf32, #tpu.memory_space<hbm>> -> memref<6635520xf32, #tpu.memory_space<hbm>>
      tpu.wait_indirect_dma semaphore(%arg13 : memref<!tpu.dma_semaphore, #tpu.memory_space<semaphore_mem>>) src(%dma_wait3A_612 : memref<6635520xf32, #tpu.memory_space<hbm>>) dst(%dma_wait3A_607 : memref<128xf32, #tpu.memory_space<vmem>>)
      %dma_wait3A_613 = arith.constant 29 : i32
      %dma_wait3A_614 = arith.constant 29 : i32
      %dma_wait3A_615 = arith.constant 0 : i32
      %dma_wait3A_616 = tpu.memref_slice %arg12[%dma_wait3A_614, %dma_wait3A_615] : memref<32x128xf32, #tpu.memory_space<vmem>> -> memref<1x128xf32, #tpu.memory_space<vmem>>
      %dma_wait3A_617 = tpu.memref_squeeze %dma_wait3A_616 : memref<1x128xf32, #tpu.memory_space<vmem>> -> memref<128xf32, #tpu.memory_space<vmem>>
      %dma_wait3A_618 = arith.constant 0 : i32
      %dma_wait3A_619 = tpu.memref_slice %arg11[%dma_wait3A_613, %dma_wait3A_618] : memref<32x128xi32, #tpu.memory_space<vmem>> -> memref<1x128xi32, #tpu.memory_space<vmem>>
      %dma_wait3A_620 = tpu.memref_squeeze %dma_wait3A_619 : memref<1x128xi32, #tpu.memory_space<vmem>> -> memref<128xi32, #tpu.memory_space<vmem>>
      %dma_wait3A_621 = arith.constant 0 : i32
      %dma_wait3A_622 = tpu.memref_slice %arg6[%dma_wait3A_621] : memref<6635520xf32, #tpu.memory_space<hbm>> -> memref<6635520xf32, #tpu.memory_space<hbm>>
      tpu.wait_indirect_dma semaphore(%arg13 : memref<!tpu.dma_semaphore, #tpu.memory_space<semaphore_mem>>) src(%dma_wait3A_622 : memref<6635520xf32, #tpu.memory_space<hbm>>) dst(%dma_wait3A_617 : memref<128xf32, #tpu.memory_space<vmem>>)
      %dma_wait3A_623 = arith.constant 30 : i32
      %dma_wait3A_624 = arith.constant 30 : i32
      %dma_wait3A_625 = arith.constant 0 : i32
      %dma_wait3A_626 = tpu.memref_slice %arg12[%dma_wait3A_624, %dma_wait3A_625] : memref<32x128xf32, #tpu.memory_space<vmem>> -> memref<1x128xf32, #tpu.memory_space<vmem>>
      %dma_wait3A_627 = tpu.memref_squeeze %dma_wait3A_626 : memref<1x128xf32, #tpu.memory_space<vmem>> -> memref<128xf32, #tpu.memory_space<vmem>>
      %dma_wait3A_628 = arith.constant 0 : i32
      %dma_wait3A_629 = tpu.memref_slice %arg11[%dma_wait3A_623, %dma_wait3A_628] : memref<32x128xi32, #tpu.memory_space<vmem>> -> memref<1x128xi32, #tpu.memory_space<vmem>>
      %dma_wait3A_630 = tpu.memref_squeeze %dma_wait3A_629 : memref<1x128xi32, #tpu.memory_space<vmem>> -> memref<128xi32, #tpu.memory_space<vmem>>
      %dma_wait3A_631 = arith.constant 0 : i32
      %dma_wait3A_632 = tpu.memref_slice %arg6[%dma_wait3A_631] : memref<6635520xf32, #tpu.memory_space<hbm>> -> memref<6635520xf32, #tpu.memory_space<hbm>>
      tpu.wait_indirect_dma semaphore(%arg13 : memref<!tpu.dma_semaphore, #tpu.memory_space<semaphore_mem>>) src(%dma_wait3A_632 : memref<6635520xf32, #tpu.memory_space<hbm>>) dst(%dma_wait3A_627 : memref<128xf32, #tpu.memory_space<vmem>>)
      %dma_wait3A_633 = arith.constant 31 : i32
      %dma_wait3A_634 = arith.constant 31 : i32
      %dma_wait3A_635 = arith.constant 0 : i32
      %dma_wait3A_636 = tpu.memref_slice %arg12[%dma_wait3A_634, %dma_wait3A_635] : memref<32x128xf32, #tpu.memory_space<vmem>> -> memref<1x128xf32, #tpu.memory_space<vmem>>
      %dma_wait3A_637 = tpu.memref_squeeze %dma_wait3A_636 : memref<1x128xf32, #tpu.memory_space<vmem>> -> memref<128xf32, #tpu.memory_space<vmem>>
      %dma_wait3A_638 = arith.constant 0 : i32
      %dma_wait3A_639 = tpu.memref_slice %arg11[%dma_wait3A_633, %dma_wait3A_638] : memref<32x128xi32, #tpu.memory_space<vmem>> -> memref<1x128xi32, #tpu.memory_space<vmem>>
      %dma_wait3A_640 = tpu.memref_squeeze %dma_wait3A_639 : memref<1x128xi32, #tpu.memory_space<vmem>> -> memref<128xi32, #tpu.memory_space<vmem>>
      %dma_wait3A_641 = arith.constant 0 : i32
      %dma_wait3A_642 = tpu.memref_slice %arg6[%dma_wait3A_641] : memref<6635520xf32, #tpu.memory_space<hbm>> -> memref<6635520xf32, #tpu.memory_space<hbm>>
      tpu.wait_indirect_dma semaphore(%arg13 : memref<!tpu.dma_semaphore, #tpu.memory_space<semaphore_mem>>) src(%dma_wait3A_642 : memref<6635520xf32, #tpu.memory_space<hbm>>) dst(%dma_wait3A_637 : memref<128xf32, #tpu.memory_space<vmem>>)
      "tpu.region"() ({
        %run_scoped3A = tpu.sem_alloc : memref<!tpu.dma_semaphore, #tpu.memory_space<semaphore_mem>>
        %dma_start3A_643 = arith.constant 0 : i32
        %dma_start3A_644 = arith.constant 0 : i32
        %dma_start3A_645 = tpu.memref_slice %arg12[%dma_start3A_643, %dma_start3A_644] : memref<32x128xf32, #tpu.memory_space<vmem>> -> memref<8x128xf32, #tpu.memory_space<vmem>>
        %dma_start3A_646 = arith.constant 0 : i32
        %dma_start3A_647 = tpu.memref_slice %arg7[%mul3A_4, %dma_start3A_646] : memref<160x128xf32, #tpu.memory_space<hbm>> -> memref<8x128xf32, #tpu.memory_space<hbm>>
        %dma_start3A_648 = arith.constant 0 : i32
        %dma_start3A_649 = tpu.memref_slice %arg7[%mul3A_4, %dma_start3A_648] : memref<160x128xf32, #tpu.memory_space<hbm>> -> memref<8x128xf32, #tpu.memory_space<hbm>>
        %dma_start3A_650 = arith.constant 0 : i32
        %dma_start3A_651 = arith.constant 0 : i32
        %dma_start3A_652 = tpu.memref_slice %arg12[%dma_start3A_650, %dma_start3A_651] : memref<32x128xf32, #tpu.memory_space<vmem>> -> memref<8x128xf32, #tpu.memory_space<vmem>>
        tpu.enqueue_dma source(%dma_start3A_652 : memref<8x128xf32, #tpu.memory_space<vmem>>) target(%dma_start3A_649 : memref<8x128xf32, #tpu.memory_space<hbm>>) target_semaphore(%run_scoped3A : memref<!tpu.dma_semaphore, #tpu.memory_space<semaphore_mem>>)
        %dma_wait3A_653 = arith.constant 0 : i32
        %dma_wait3A_654 = arith.constant 0 : i32
        %dma_wait3A_655 = tpu.memref_slice %arg12[%dma_wait3A_653, %dma_wait3A_654] : memref<32x128xf32, #tpu.memory_space<vmem>> -> memref<8x128xf32, #tpu.memory_space<vmem>>
        %dma_wait3A_656 = arith.constant 0 : i32
        %dma_wait3A_657 = tpu.memref_slice %arg7[%mul3A_4, %dma_wait3A_656] : memref<160x128xf32, #tpu.memory_space<hbm>> -> memref<8x128xf32, #tpu.memory_space<hbm>>
        %dma_wait3A_658 = arith.constant 0 : i32
        %dma_wait3A_659 = tpu.memref_slice %arg7[%mul3A_4, %dma_wait3A_658] : memref<160x128xf32, #tpu.memory_space<hbm>> -> memref<8x128xf32, #tpu.memory_space<hbm>>
        %dma_wait3A_660 = arith.constant 0 : i32
        %dma_wait3A_661 = arith.constant 0 : i32
        %dma_wait3A_662 = tpu.memref_slice %arg12[%dma_wait3A_660, %dma_wait3A_661] : memref<32x128xf32, #tpu.memory_space<vmem>> -> memref<8x128xf32, #tpu.memory_space<vmem>>
        tpu.wait_dma2 semaphore(%run_scoped3A : memref<!tpu.dma_semaphore, #tpu.memory_space<semaphore_mem>>) src(%dma_wait3A_662 : memref<8x128xf32, #tpu.memory_space<vmem>>) dst(%dma_wait3A_659 : memref<8x128xf32, #tpu.memory_space<hbm>>)
        tpu.yield
      }) : () -> ()
      "tpu.region"() ({
        %run_scoped3A = tpu.sem_alloc : memref<!tpu.dma_semaphore, #tpu.memory_space<semaphore_mem>>
        %dma_start3A_643 = arith.constant 8 : i32
        %dma_start3A_644 = arith.constant 0 : i32
        %dma_start3A_645 = tpu.memref_slice %arg12[%dma_start3A_643, %dma_start3A_644] : memref<32x128xf32, #tpu.memory_space<vmem>> -> memref<8x128xf32, #tpu.memory_space<vmem>>
        %dma_start3A_646 = arith.constant 0 : i32
        %dma_start3A_647 = tpu.memref_slice %arg8[%mul3A_4, %dma_start3A_646] : memref<160x128xf32, #tpu.memory_space<hbm>> -> memref<8x128xf32, #tpu.memory_space<hbm>>
        %dma_start3A_648 = arith.constant 0 : i32
        %dma_start3A_649 = tpu.memref_slice %arg8[%mul3A_4, %dma_start3A_648] : memref<160x128xf32, #tpu.memory_space<hbm>> -> memref<8x128xf32, #tpu.memory_space<hbm>>
        %dma_start3A_650 = arith.constant 8 : i32
        %dma_start3A_651 = arith.constant 0 : i32
        %dma_start3A_652 = tpu.memref_slice %arg12[%dma_start3A_650, %dma_start3A_651] : memref<32x128xf32, #tpu.memory_space<vmem>> -> memref<8x128xf32, #tpu.memory_space<vmem>>
        tpu.enqueue_dma source(%dma_start3A_652 : memref<8x128xf32, #tpu.memory_space<vmem>>) target(%dma_start3A_649 : memref<8x128xf32, #tpu.memory_space<hbm>>) target_semaphore(%run_scoped3A : memref<!tpu.dma_semaphore, #tpu.memory_space<semaphore_mem>>)
        %dma_wait3A_653 = arith.constant 8 : i32
        %dma_wait3A_654 = arith.constant 0 : i32
        %dma_wait3A_655 = tpu.memref_slice %arg12[%dma_wait3A_653, %dma_wait3A_654] : memref<32x128xf32, #tpu.memory_space<vmem>> -> memref<8x128xf32, #tpu.memory_space<vmem>>
        %dma_wait3A_656 = arith.constant 0 : i32
        %dma_wait3A_657 = tpu.memref_slice %arg8[%mul3A_4, %dma_wait3A_656] : memref<160x128xf32, #tpu.memory_space<hbm>> -> memref<8x128xf32, #tpu.memory_space<hbm>>
        %dma_wait3A_658 = arith.constant 0 : i32
        %dma_wait3A_659 = tpu.memref_slice %arg8[%mul3A_4, %dma_wait3A_658] : memref<160x128xf32, #tpu.memory_space<hbm>> -> memref<8x128xf32, #tpu.memory_space<hbm>>
        %dma_wait3A_660 = arith.constant 8 : i32
        %dma_wait3A_661 = arith.constant 0 : i32
        %dma_wait3A_662 = tpu.memref_slice %arg12[%dma_wait3A_660, %dma_wait3A_661] : memref<32x128xf32, #tpu.memory_space<vmem>> -> memref<8x128xf32, #tpu.memory_space<vmem>>
        tpu.wait_dma2 semaphore(%run_scoped3A : memref<!tpu.dma_semaphore, #tpu.memory_space<semaphore_mem>>) src(%dma_wait3A_662 : memref<8x128xf32, #tpu.memory_space<vmem>>) dst(%dma_wait3A_659 : memref<8x128xf32, #tpu.memory_space<hbm>>)
        tpu.yield
      }) : () -> ()
      "tpu.region"() ({
        %run_scoped3A = tpu.sem_alloc : memref<!tpu.dma_semaphore, #tpu.memory_space<semaphore_mem>>
        %dma_start3A_643 = arith.constant 16 : i32
        %dma_start3A_644 = arith.constant 0 : i32
        %dma_start3A_645 = tpu.memref_slice %arg12[%dma_start3A_643, %dma_start3A_644] : memref<32x128xf32, #tpu.memory_space<vmem>> -> memref<8x128xf32, #tpu.memory_space<vmem>>
        %dma_start3A_646 = arith.constant 0 : i32
        %dma_start3A_647 = tpu.memref_slice %arg9[%mul3A_4, %dma_start3A_646] : memref<160x128xf32, #tpu.memory_space<hbm>> -> memref<8x128xf32, #tpu.memory_space<hbm>>
        %dma_start3A_648 = arith.constant 0 : i32
        %dma_start3A_649 = tpu.memref_slice %arg9[%mul3A_4, %dma_start3A_648] : memref<160x128xf32, #tpu.memory_space<hbm>> -> memref<8x128xf32, #tpu.memory_space<hbm>>
        %dma_start3A_650 = arith.constant 16 : i32
        %dma_start3A_651 = arith.constant 0 : i32
        %dma_start3A_652 = tpu.memref_slice %arg12[%dma_start3A_650, %dma_start3A_651] : memref<32x128xf32, #tpu.memory_space<vmem>> -> memref<8x128xf32, #tpu.memory_space<vmem>>
        tpu.enqueue_dma source(%dma_start3A_652 : memref<8x128xf32, #tpu.memory_space<vmem>>) target(%dma_start3A_649 : memref<8x128xf32, #tpu.memory_space<hbm>>) target_semaphore(%run_scoped3A : memref<!tpu.dma_semaphore, #tpu.memory_space<semaphore_mem>>)
        %dma_wait3A_653 = arith.constant 16 : i32
        %dma_wait3A_654 = arith.constant 0 : i32
        %dma_wait3A_655 = tpu.memref_slice %arg12[%dma_wait3A_653, %dma_wait3A_654] : memref<32x128xf32, #tpu.memory_space<vmem>> -> memref<8x128xf32, #tpu.memory_space<vmem>>
        %dma_wait3A_656 = arith.constant 0 : i32
        %dma_wait3A_657 = tpu.memref_slice %arg9[%mul3A_4, %dma_wait3A_656] : memref<160x128xf32, #tpu.memory_space<hbm>> -> memref<8x128xf32, #tpu.memory_space<hbm>>
        %dma_wait3A_658 = arith.constant 0 : i32
        %dma_wait3A_659 = tpu.memref_slice %arg9[%mul3A_4, %dma_wait3A_658] : memref<160x128xf32, #tpu.memory_space<hbm>> -> memref<8x128xf32, #tpu.memory_space<hbm>>
        %dma_wait3A_660 = arith.constant 16 : i32
        %dma_wait3A_661 = arith.constant 0 : i32
        %dma_wait3A_662 = tpu.memref_slice %arg12[%dma_wait3A_660, %dma_wait3A_661] : memref<32x128xf32, #tpu.memory_space<vmem>> -> memref<8x128xf32, #tpu.memory_space<vmem>>
        tpu.wait_dma2 semaphore(%run_scoped3A : memref<!tpu.dma_semaphore, #tpu.memory_space<semaphore_mem>>) src(%dma_wait3A_662 : memref<8x128xf32, #tpu.memory_space<vmem>>) dst(%dma_wait3A_659 : memref<8x128xf32, #tpu.memory_space<hbm>>)
        tpu.yield
      }) : () -> ()
      "tpu.region"() ({
        %run_scoped3A = tpu.sem_alloc : memref<!tpu.dma_semaphore, #tpu.memory_space<semaphore_mem>>
        %dma_start3A_643 = arith.constant 24 : i32
        %dma_start3A_644 = arith.constant 0 : i32
        %dma_start3A_645 = tpu.memref_slice %arg12[%dma_start3A_643, %dma_start3A_644] : memref<32x128xf32, #tpu.memory_space<vmem>> -> memref<8x128xf32, #tpu.memory_space<vmem>>
        %dma_start3A_646 = arith.constant 0 : i32
        %dma_start3A_647 = tpu.memref_slice %arg10[%mul3A_4, %dma_start3A_646] : memref<160x128xf32, #tpu.memory_space<hbm>> -> memref<8x128xf32, #tpu.memory_space<hbm>>
        %dma_start3A_648 = arith.constant 0 : i32
        %dma_start3A_649 = tpu.memref_slice %arg10[%mul3A_4, %dma_start3A_648] : memref<160x128xf32, #tpu.memory_space<hbm>> -> memref<8x128xf32, #tpu.memory_space<hbm>>
        %dma_start3A_650 = arith.constant 24 : i32
        %dma_start3A_651 = arith.constant 0 : i32
        %dma_start3A_652 = tpu.memref_slice %arg12[%dma_start3A_650, %dma_start3A_651] : memref<32x128xf32, #tpu.memory_space<vmem>> -> memref<8x128xf32, #tpu.memory_space<vmem>>
        tpu.enqueue_dma source(%dma_start3A_652 : memref<8x128xf32, #tpu.memory_space<vmem>>) target(%dma_start3A_649 : memref<8x128xf32, #tpu.memory_space<hbm>>) target_semaphore(%run_scoped3A : memref<!tpu.dma_semaphore, #tpu.memory_space<semaphore_mem>>)
        %dma_wait3A_653 = arith.constant 24 : i32
        %dma_wait3A_654 = arith.constant 0 : i32
        %dma_wait3A_655 = tpu.memref_slice %arg12[%dma_wait3A_653, %dma_wait3A_654] : memref<32x128xf32, #tpu.memory_space<vmem>> -> memref<8x128xf32, #tpu.memory_space<vmem>>
        %dma_wait3A_656 = arith.constant 0 : i32
        %dma_wait3A_657 = tpu.memref_slice %arg10[%mul3A_4, %dma_wait3A_656] : memref<160x128xf32, #tpu.memory_space<hbm>> -> memref<8x128xf32, #tpu.memory_space<hbm>>
        %dma_wait3A_658 = arith.constant 0 : i32
        %dma_wait3A_659 = tpu.memref_slice %arg10[%mul3A_4, %dma_wait3A_658] : memref<160x128xf32, #tpu.memory_space<hbm>> -> memref<8x128xf32, #tpu.memory_space<hbm>>
        %dma_wait3A_660 = arith.constant 24 : i32
        %dma_wait3A_661 = arith.constant 0 : i32
        %dma_wait3A_662 = tpu.memref_slice %arg12[%dma_wait3A_660, %dma_wait3A_661] : memref<32x128xf32, #tpu.memory_space<vmem>> -> memref<8x128xf32, #tpu.memory_space<vmem>>
        tpu.wait_dma2 semaphore(%run_scoped3A : memref<!tpu.dma_semaphore, #tpu.memory_space<semaphore_mem>>) src(%dma_wait3A_662 : memref<8x128xf32, #tpu.memory_space<vmem>>) dst(%dma_wait3A_659 : memref<8x128xf32, #tpu.memory_space<hbm>>)
        tpu.yield
      }) : () -> ()
    } else {
    }
    return
  }
}

module attributes {stable_mosaic.version = 14 : i64} {
  func.func @_score_body(%arg0: i32, %arg1: memref<81x2048xf32, #tpu.memory_space<vmem>>, %arg2: memref<324x2048xf32, #tpu.memory_space<vmem>>, %arg3: memref<4x2048xf32, #tpu.memory_space<vmem>>, %arg4: memref<16x128xf32, #tpu.memory_space<vmem>>, %arg5: memref<16x128xi32, #tpu.memory_space<vmem>>, %arg6: memref<16x128xi32, #tpu.memory_space<vmem>>, %arg7: memref<16x128xi32, #tpu.memory_space<vmem>>, %arg8: memref<16x128xi32, #tpu.memory_space<vmem>>, %arg9: memref<16x128xi32, #tpu.memory_space<vmem>>, %arg10: memref<5184x128xf32, #tpu.memory_space<vmem>>, %arg11: memref<16x128xf32, #tpu.memory_space<vmem>>, %arg12: memref<16x128xf32, #tpu.memory_space<vmem>>, %arg13: memref<16x128xf32, #tpu.memory_space<vmem>>, %arg14: memref<16x128xf32, #tpu.memory_space<vmem>>) attributes {dimension_semantics = [#tpu.dimension_semantics<arbitrary>], iteration_bounds = array<i64: 10>, scalar_prefetch = 0 : i64, scratch_operands = 0 : i64, tpu.core_type = #tpu.core_type<tc>, window_params = [{transform_indices = @transform_0, window_bounds = array<i64: 81, 2048>}, {transform_indices = @transform_1, window_bounds = array<i64: 324, 2048>}, {transform_indices = @transform_2, window_bounds = array<i64: 4, 2048>}, {transform_indices = @transform_3, window_bounds = array<i64: 16, 128>}, {transform_indices = @transform_4, window_bounds = array<i64: 16, 128>}, {transform_indices = @transform_5, window_bounds = array<i64: 16, 128>}, {transform_indices = @transform_6, window_bounds = array<i64: 16, 128>}, {transform_indices = @transform_7, window_bounds = array<i64: 16, 128>}, {transform_indices = @transform_8, window_bounds = array<i64: 16, 128>}, {transform_indices = @transform_9, window_bounds = array<i64: 5184, 128>}, {transform_indices = @transform_10, window_bounds = array<i64: 16, 128>}, {transform_indices = @transform_11, window_bounds = array<i64: 16, 128>}, {transform_indices = @transform_12, window_bounds = array<i64: 16, 128>}, {transform_indices = @transform_13, window_bounds = array<i64: 16, 128>}]} {
    %get3A = arith.constant 0 : index
    %get3A_0 = arith.constant 0 : index
    %get3A_1 = vector.load %arg1[%get3A, %get3A_0] : memref<81x2048xf32, #tpu.memory_space<vmem>>, vector<81x2048xf32>
    %reduce_max3A = arith.constant dense<0xFF800000> : vector<2048xf32>
    %reduce_max3A_2 = vector.multi_reduction <maximumf>, %get3A_1, %reduce_max3A [0] : vector<81x2048xf32> to vector<2048xf32>
    %broadcast_in_dim3A = vector.shape_cast %reduce_max3A_2 : vector<2048xf32> to vector<1x2048xf32>
    %sub3A = vector.broadcast %broadcast_in_dim3A : vector<1x2048xf32> to vector<81x2048xf32>
    %sub3A_3 = arith.subf %get3A_1, %sub3A : vector<81x2048xf32>
    %exp3A = math.exp %sub3A_3 : vector<81x2048xf32>
    %reduce_sum3A = arith.constant dense<0.000000e+00> : vector<2048xf32>
    %reduce_sum3A_4 = vector.multi_reduction <add>, %exp3A, %reduce_sum3A [0] : vector<81x2048xf32> to vector<2048xf32>
    %broadcast_in_dim3A_5 = vector.shape_cast %reduce_sum3A_4 : vector<2048xf32> to vector<1x2048xf32>
    %div3A = arith.constant 1.000000e+00 : f32
    %div3A_6 = vector.broadcast %div3A : f32 to vector<1x2048xf32>
    %div3A_7 = arith.divf %div3A_6, %broadcast_in_dim3A_5 : vector<1x2048xf32>
    %iota3A = tpu.iota {dimensions = array<i32: 0>} : vector<81x2048xi32>
    %eq3A = vector.broadcast %broadcast_in_dim3A : vector<1x2048xf32> to vector<81x2048xf32>
    %eq3A_8 = arith.cmpf oeq, %get3A_1, %eq3A : vector<81x2048xf32>
    %jit3A = arith.constant 81 : i32
    %broadcast_in_dim3A_9 = vector.broadcast %jit3A : i32 to vector<81x2048xi32>
    %select_n3A = arith.select %eq3A_8, %iota3A, %broadcast_in_dim3A_9 : vector<81x2048xi1>, vector<81x2048xi32>
    %reduce_min3A = arith.constant dense<2147483647> : vector<2048xi32>
    %reduce_min3A_10 = vector.multi_reduction <minsi>, %select_n3A, %reduce_min3A [0] : vector<81x2048xi32> to vector<2048xi32>
    %broadcast_in_dim3A_11 = vector.shape_cast %reduce_min3A_10 : vector<2048xi32> to vector<1x2048xi32>
    %mul3A = arith.constant 2048 : i32
    %mul3A_12 = arith.muli %arg0, %mul3A : i32
    %iota3A_13 = tpu.iota {dimensions = array<i32: 1>} : vector<1x2048xi32>
    %add3A = vector.broadcast %mul3A_12 : i32 to vector<1x2048xi32>
    %add3A_14 = arith.addi %add3A, %iota3A_13 : vector<1x2048xi32>
    %ge3A = arith.constant 1 : i32
    %ge3A_15 = vector.broadcast %ge3A : i32 to vector<1x2048xi32>
    %ge3A_16 = arith.cmpi sge, %broadcast_in_dim3A_11, %ge3A_15 : vector<1x2048xi32>
    %gt3A = arith.constant 5.000000e-02 : f32
    %gt3A_17 = vector.broadcast %gt3A : f32 to vector<1x2048xf32>
    %gt3A_18 = arith.cmpf ogt, %div3A_7, %gt3A_17 : vector<1x2048xf32>
    %and3A = arith.andi %ge3A_16, %gt3A_18 : vector<1x2048xi1>
    %lt3A = arith.constant 20000 : i32
    %lt3A_19 = vector.broadcast %lt3A : i32 to vector<1x2048xi32>
    %lt3A_20 = arith.cmpi slt, %add3A_14, %lt3A_19 : vector<1x2048xi32>
    %and3A_21 = arith.andi %and3A, %lt3A_20 : vector<1x2048xi1>
    %jit3A_22 = arith.constant -1.000000e+10 : f32
    %broadcast_in_dim3A_23 = vector.broadcast %jit3A_22 : f32 to vector<1x2048xf32>
    %select_n3A_24 = arith.select %and3A_21, %div3A_7, %broadcast_in_dim3A_23 : vector<1x2048xi1>, vector<1x2048xf32>
    %reshape3A = vector.shape_cast %select_n3A_24 : vector<1x2048xf32> to vector<16x128xf32>
    %swap3A = arith.constant 0 : index
    %swap3A_25 = arith.constant 0 : index
    %swap3A_26 = vector.load %arg4[%swap3A, %swap3A_25] : memref<16x128xf32, #tpu.memory_space<vmem>>, vector<16x128xf32>
    tpu.vector_store %arg4[%swap3A, %swap3A_25], %reshape3A {strides = array<i32>} : memref<16x128xf32, #tpu.memory_space<vmem>>, vector<16x128xf32>,
    %reshape3A_27 = vector.shape_cast %broadcast_in_dim3A_11 : vector<1x2048xi32> to vector<16x128xi32>
    %swap3A_28 = arith.constant 0 : index
    %swap3A_29 = arith.constant 0 : index
    %swap3A_30 = vector.load %arg5[%swap3A_28, %swap3A_29] : memref<16x128xi32, #tpu.memory_space<vmem>>, vector<16x128xi32>
    tpu.vector_store %arg5[%swap3A_28, %swap3A_29], %reshape3A_27 {strides = array<i32>} : memref<16x128xi32, #tpu.memory_space<vmem>>, vector<16x128xi32>,
    %lt3A_31 = arith.constant 20000 : i32
    %lt3A_32 = vector.broadcast %lt3A_31 : i32 to vector<1x2048xi32>
    %lt3A_33 = arith.cmpi slt, %add3A_14, %lt3A_32 : vector<1x2048xi32>
    %shift_right_arithmetic3A = arith.constant 11 : i32
    %shift_right_arithmetic3A_34 = vector.broadcast %shift_right_arithmetic3A : i32 to vector<1x2048xi32>
    %shift_right_arithmetic3A_35 = arith.shrsi %add3A_14, %shift_right_arithmetic3A_34 : vector<1x2048xi32>
    %mul3A_36 = arith.constant 663552 : i32
    %mul3A_37 = vector.broadcast %mul3A_36 : i32 to vector<1x2048xi32>
    %mul3A_38 = arith.muli %shift_right_arithmetic3A_35, %mul3A_37 : vector<1x2048xi32>
    %and3A_39 = arith.constant 2047 : i32
    %and3A_40 = vector.broadcast %and3A_39 : i32 to vector<1x2048xi32>
    %and3A_41 = arith.andi %add3A_14, %and3A_40 : vector<1x2048xi32>
    %shift_right_arithmetic3A_42 = arith.constant 7 : i32
    %shift_right_arithmetic3A_43 = vector.broadcast %shift_right_arithmetic3A_42 : i32 to vector<1x2048xi32>
    %shift_right_arithmetic3A_44 = arith.shrsi %and3A_41, %shift_right_arithmetic3A_43 : vector<1x2048xi32>
    %mul3A_45 = arith.constant 41472 : i32
    %mul3A_46 = vector.broadcast %mul3A_45 : i32 to vector<1x2048xi32>
    %mul3A_47 = arith.muli %shift_right_arithmetic3A_44, %mul3A_46 : vector<1x2048xi32>
    %add3A_48 = arith.addi %mul3A_38, %mul3A_47 : vector<1x2048xi32>
    %mul3A_49 = arith.constant 4 : i32
    %mul3A_50 = vector.broadcast %mul3A_49 : i32 to vector<1x2048xi32>
    %mul3A_51 = arith.muli %mul3A_50, %broadcast_in_dim3A_11 : vector<1x2048xi32>
    %mul3A_52 = arith.constant 128 : i32
    %mul3A_53 = vector.broadcast %mul3A_52 : i32 to vector<1x2048xi32>
    %mul3A_54 = arith.muli %mul3A_51, %mul3A_53 : vector<1x2048xi32>
    %add3A_55 = arith.addi %add3A_48, %mul3A_54 : vector<1x2048xi32>
    %and3A_56 = arith.constant 127 : i32
    %and3A_57 = vector.broadcast %and3A_56 : i32 to vector<1x2048xi32>
    %and3A_58 = arith.andi %add3A_14, %and3A_57 : vector<1x2048xi32>
    %add3A_59 = arith.addi %add3A_55, %and3A_58 : vector<1x2048xi32>
    %jit3A_60 = arith.constant 0 : i32
    %broadcast_in_dim3A_61 = vector.broadcast %jit3A_60 : i32 to vector<1x2048xi32>
    %select_n3A_62 = arith.select %lt3A_33, %add3A_59, %broadcast_in_dim3A_61 : vector<1x2048xi1>, vector<1x2048xi32>
    %reshape3A_63 = vector.shape_cast %select_n3A_62 : vector<1x2048xi32> to vector<16x128xi32>
    %swap3A_64 = arith.constant 0 : index
    %swap3A_65 = arith.constant 0 : index
    %swap3A_66 = vector.load %arg6[%swap3A_64, %swap3A_65] : memref<16x128xi32, #tpu.memory_space<vmem>>, vector<16x128xi32>
    tpu.vector_store %arg6[%swap3A_64, %swap3A_65], %reshape3A_63 {strides = array<i32>} : memref<16x128xi32, #tpu.memory_space<vmem>>, vector<16x128xi32>,
    %add3A_67 = arith.constant 128 : i32
    %add3A_68 = vector.broadcast %add3A_67 : i32 to vector<16x128xi32>
    %add3A_69 = arith.addi %reshape3A_63, %add3A_68 : vector<16x128xi32>
    %swap3A_70 = arith.constant 0 : index
    %swap3A_71 = arith.constant 0 : index
    %swap3A_72 = vector.load %arg7[%swap3A_70, %swap3A_71] : memref<16x128xi32, #tpu.memory_space<vmem>>, vector<16x128xi32>
    tpu.vector_store %arg7[%swap3A_70, %swap3A_71], %add3A_69 {strides = array<i32>} : memref<16x128xi32, #tpu.memory_space<vmem>>, vector<16x128xi32>,
    %add3A_73 = arith.constant 256 : i32
    %add3A_74 = vector.broadcast %add3A_73 : i32 to vector<16x128xi32>
    %add3A_75 = arith.addi %reshape3A_63, %add3A_74 : vector<16x128xi32>
    %swap3A_76 = arith.constant 0 : index
    %swap3A_77 = arith.constant 0 : index
    %swap3A_78 = vector.load %arg8[%swap3A_76, %swap3A_77] : memref<16x128xi32, #tpu.memory_space<vmem>>, vector<16x128xi32>
    tpu.vector_store %arg8[%swap3A_76, %swap3A_77], %add3A_75 {strides = array<i32>} : memref<16x128xi32, #tpu.memory_space<vmem>>, vector<16x128xi32>,
    %add3A_79 = arith.constant 384 : i32
    %add3A_80 = vector.broadcast %add3A_79 : i32 to vector<16x128xi32>
    %add3A_81 = arith.addi %reshape3A_63, %add3A_80 : vector<16x128xi32>
    %swap3A_82 = arith.constant 0 : index
    %swap3A_83 = arith.constant 0 : index
    %swap3A_84 = vector.load %arg9[%swap3A_82, %swap3A_83] : memref<16x128xi32, #tpu.memory_space<vmem>>, vector<16x128xi32>
    tpu.vector_store %arg9[%swap3A_82, %swap3A_83], %add3A_81 {strides = array<i32>} : memref<16x128xi32, #tpu.memory_space<vmem>>, vector<16x128xi32>,
    %get3A_85 = arith.constant 0 : index
    %get3A_86 = arith.constant 0 : index
    %get3A_87 = vector.load %arg2[%get3A_85, %get3A_86] : memref<324x2048xf32, #tpu.memory_space<vmem>>, vector<324x128xf32>
    %swap3A_88 = arith.constant 0 : index
    %swap3A_89 = arith.constant 0 : index
    %swap3A_90 = vector.load %arg10[%swap3A_88, %swap3A_89] : memref<5184x128xf32, #tpu.memory_space<vmem>>, vector<324x128xf32>
    tpu.vector_store %arg10[%swap3A_88, %swap3A_89], %get3A_87 {strides = array<i32>} : memref<5184x128xf32, #tpu.memory_space<vmem>>, vector<324x128xf32>,
    %get3A_91 = arith.constant 0 : index
    %get3A_92 = arith.constant 128 : index
    %get3A_93 = vector.load %arg2[%get3A_91, %get3A_92] : memref<324x2048xf32, #tpu.memory_space<vmem>>, vector<324x128xf32>
    %swap3A_94 = arith.constant 324 : index
    %swap3A_95 = arith.constant 0 : index
    %swap3A_96 = vector.load %arg10[%swap3A_94, %swap3A_95] : memref<5184x128xf32, #tpu.memory_space<vmem>>, vector<324x128xf32>
    tpu.vector_store %arg10[%swap3A_94, %swap3A_95], %get3A_93 {strides = array<i32>} : memref<5184x128xf32, #tpu.memory_space<vmem>>, vector<324x128xf32>,
    %get3A_97 = arith.constant 0 : index
    %get3A_98 = arith.constant 256 : index
    %get3A_99 = vector.load %arg2[%get3A_97, %get3A_98] : memref<324x2048xf32, #tpu.memory_space<vmem>>, vector<324x128xf32>
    %swap3A_100 = arith.constant 648 : index
    %swap3A_101 = arith.constant 0 : index
    %swap3A_102 = vector.load %arg10[%swap3A_100, %swap3A_101] : memref<5184x128xf32, #tpu.memory_space<vmem>>, vector<324x128xf32>
    tpu.vector_store %arg10[%swap3A_100, %swap3A_101], %get3A_99 {strides = array<i32>} : memref<5184x128xf32, #tpu.memory_space<vmem>>, vector<324x128xf32>,
    %get3A_103 = arith.constant 0 : index
    %get3A_104 = arith.constant 384 : index
    %get3A_105 = vector.load %arg2[%get3A_103, %get3A_104] : memref<324x2048xf32, #tpu.memory_space<vmem>>, vector<324x128xf32>
    %swap3A_106 = arith.constant 972 : index
    %swap3A_107 = arith.constant 0 : index
    %swap3A_108 = vector.load %arg10[%swap3A_106, %swap3A_107] : memref<5184x128xf32, #tpu.memory_space<vmem>>, vector<324x128xf32>
    tpu.vector_store %arg10[%swap3A_106, %swap3A_107], %get3A_105 {strides = array<i32>} : memref<5184x128xf32, #tpu.memory_space<vmem>>, vector<324x128xf32>,
    %get3A_109 = arith.constant 0 : index
    %get3A_110 = arith.constant 512 : index
    %get3A_111 = vector.load %arg2[%get3A_109, %get3A_110] : memref<324x2048xf32, #tpu.memory_space<vmem>>, vector<324x128xf32>
    %swap3A_112 = arith.constant 1296 : index
    %swap3A_113 = arith.constant 0 : index
    %swap3A_114 = vector.load %arg10[%swap3A_112, %swap3A_113] : memref<5184x128xf32, #tpu.memory_space<vmem>>, vector<324x128xf32>
    tpu.vector_store %arg10[%swap3A_112, %swap3A_113], %get3A_111 {strides = array<i32>} : memref<5184x128xf32, #tpu.memory_space<vmem>>, vector<324x128xf32>,
    %get3A_115 = arith.constant 0 : index
    %get3A_116 = arith.constant 640 : index
    %get3A_117 = vector.load %arg2[%get3A_115, %get3A_116] : memref<324x2048xf32, #tpu.memory_space<vmem>>, vector<324x128xf32>
    %swap3A_118 = arith.constant 1620 : index
    %swap3A_119 = arith.constant 0 : index
    %swap3A_120 = vector.load %arg10[%swap3A_118, %swap3A_119] : memref<5184x128xf32, #tpu.memory_space<vmem>>, vector<324x128xf32>
    tpu.vector_store %arg10[%swap3A_118, %swap3A_119], %get3A_117 {strides = array<i32>} : memref<5184x128xf32, #tpu.memory_space<vmem>>, vector<324x128xf32>,
    %get3A_121 = arith.constant 0 : index
    %get3A_122 = arith.constant 768 : index
    %get3A_123 = vector.load %arg2[%get3A_121, %get3A_122] : memref<324x2048xf32, #tpu.memory_space<vmem>>, vector<324x128xf32>
    %swap3A_124 = arith.constant 1944 : index
    %swap3A_125 = arith.constant 0 : index
    %swap3A_126 = vector.load %arg10[%swap3A_124, %swap3A_125] : memref<5184x128xf32, #tpu.memory_space<vmem>>, vector<324x128xf32>
    tpu.vector_store %arg10[%swap3A_124, %swap3A_125], %get3A_123 {strides = array<i32>} : memref<5184x128xf32, #tpu.memory_space<vmem>>, vector<324x128xf32>,
    %get3A_127 = arith.constant 0 : index
    %get3A_128 = arith.constant 896 : index
    %get3A_129 = vector.load %arg2[%get3A_127, %get3A_128] : memref<324x2048xf32, #tpu.memory_space<vmem>>, vector<324x128xf32>
    %swap3A_130 = arith.constant 2268 : index
    %swap3A_131 = arith.constant 0 : index
    %swap3A_132 = vector.load %arg10[%swap3A_130, %swap3A_131] : memref<5184x128xf32, #tpu.memory_space<vmem>>, vector<324x128xf32>
    tpu.vector_store %arg10[%swap3A_130, %swap3A_131], %get3A_129 {strides = array<i32>} : memref<5184x128xf32, #tpu.memory_space<vmem>>, vector<324x128xf32>,
    %get3A_133 = arith.constant 0 : index
    %get3A_134 = arith.constant 1024 : index
    %get3A_135 = vector.load %arg2[%get3A_133, %get3A_134] : memref<324x2048xf32, #tpu.memory_space<vmem>>, vector<324x128xf32>
    %swap3A_136 = arith.constant 2592 : index
    %swap3A_137 = arith.constant 0 : index
    %swap3A_138 = vector.load %arg10[%swap3A_136, %swap3A_137] : memref<5184x128xf32, #tpu.memory_space<vmem>>, vector<324x128xf32>
    tpu.vector_store %arg10[%swap3A_136, %swap3A_137], %get3A_135 {strides = array<i32>} : memref<5184x128xf32, #tpu.memory_space<vmem>>, vector<324x128xf32>,
    %get3A_139 = arith.constant 0 : index
    %get3A_140 = arith.constant 1152 : index
    %get3A_141 = vector.load %arg2[%get3A_139, %get3A_140] : memref<324x2048xf32, #tpu.memory_space<vmem>>, vector<324x128xf32>
    %swap3A_142 = arith.constant 2916 : index
    %swap3A_143 = arith.constant 0 : index
    %swap3A_144 = vector.load %arg10[%swap3A_142, %swap3A_143] : memref<5184x128xf32, #tpu.memory_space<vmem>>, vector<324x128xf32>
    tpu.vector_store %arg10[%swap3A_142, %swap3A_143], %get3A_141 {strides = array<i32>} : memref<5184x128xf32, #tpu.memory_space<vmem>>, vector<324x128xf32>,
    %get3A_145 = arith.constant 0 : index
    %get3A_146 = arith.constant 1280 : index
    %get3A_147 = vector.load %arg2[%get3A_145, %get3A_146] : memref<324x2048xf32, #tpu.memory_space<vmem>>, vector<324x128xf32>
    %swap3A_148 = arith.constant 3240 : index
    %swap3A_149 = arith.constant 0 : index
    %swap3A_150 = vector.load %arg10[%swap3A_148, %swap3A_149] : memref<5184x128xf32, #tpu.memory_space<vmem>>, vector<324x128xf32>
    tpu.vector_store %arg10[%swap3A_148, %swap3A_149], %get3A_147 {strides = array<i32>} : memref<5184x128xf32, #tpu.memory_space<vmem>>, vector<324x128xf32>,
    %get3A_151 = arith.constant 0 : index
    %get3A_152 = arith.constant 1408 : index
    %get3A_153 = vector.load %arg2[%get3A_151, %get3A_152] : memref<324x2048xf32, #tpu.memory_space<vmem>>, vector<324x128xf32>
    %swap3A_154 = arith.constant 3564 : index
    %swap3A_155 = arith.constant 0 : index
    %swap3A_156 = vector.load %arg10[%swap3A_154, %swap3A_155] : memref<5184x128xf32, #tpu.memory_space<vmem>>, vector<324x128xf32>
    tpu.vector_store %arg10[%swap3A_154, %swap3A_155], %get3A_153 {strides = array<i32>} : memref<5184x128xf32, #tpu.memory_space<vmem>>, vector<324x128xf32>,
    %get3A_157 = arith.constant 0 : index
    %get3A_158 = arith.constant 1536 : index
    %get3A_159 = vector.load %arg2[%get3A_157, %get3A_158] : memref<324x2048xf32, #tpu.memory_space<vmem>>, vector<324x128xf32>
    %swap3A_160 = arith.constant 3888 : index
    %swap3A_161 = arith.constant 0 : index
    %swap3A_162 = vector.load %arg10[%swap3A_160, %swap3A_161] : memref<5184x128xf32, #tpu.memory_space<vmem>>, vector<324x128xf32>
    tpu.vector_store %arg10[%swap3A_160, %swap3A_161], %get3A_159 {strides = array<i32>} : memref<5184x128xf32, #tpu.memory_space<vmem>>, vector<324x128xf32>,
    %get3A_163 = arith.constant 0 : index
    %get3A_164 = arith.constant 1664 : index
    %get3A_165 = vector.load %arg2[%get3A_163, %get3A_164] : memref<324x2048xf32, #tpu.memory_space<vmem>>, vector<324x128xf32>
    %swap3A_166 = arith.constant 4212 : index
    %swap3A_167 = arith.constant 0 : index
    %swap3A_168 = vector.load %arg10[%swap3A_166, %swap3A_167] : memref<5184x128xf32, #tpu.memory_space<vmem>>, vector<324x128xf32>
    tpu.vector_store %arg10[%swap3A_166, %swap3A_167], %get3A_165 {strides = array<i32>} : memref<5184x128xf32, #tpu.memory_space<vmem>>, vector<324x128xf32>,
    %get3A_169 = arith.constant 0 : index
    %get3A_170 = arith.constant 1792 : index
    %get3A_171 = vector.load %arg2[%get3A_169, %get3A_170] : memref<324x2048xf32, #tpu.memory_space<vmem>>, vector<324x128xf32>
    %swap3A_172 = arith.constant 4536 : index
    %swap3A_173 = arith.constant 0 : index
    %swap3A_174 = vector.load %arg10[%swap3A_172, %swap3A_173] : memref<5184x128xf32, #tpu.memory_space<vmem>>, vector<324x128xf32>
    tpu.vector_store %arg10[%swap3A_172, %swap3A_173], %get3A_171 {strides = array<i32>} : memref<5184x128xf32, #tpu.memory_space<vmem>>, vector<324x128xf32>,
    %get3A_175 = arith.constant 0 : index
    %get3A_176 = arith.constant 1920 : index
    %get3A_177 = vector.load %arg2[%get3A_175, %get3A_176] : memref<324x2048xf32, #tpu.memory_space<vmem>>, vector<324x128xf32>
    %swap3A_178 = arith.constant 4860 : index
    %swap3A_179 = arith.constant 0 : index
    %swap3A_180 = vector.load %arg10[%swap3A_178, %swap3A_179] : memref<5184x128xf32, #tpu.memory_space<vmem>>, vector<324x128xf32>
    tpu.vector_store %arg10[%swap3A_178, %swap3A_179], %get3A_177 {strides = array<i32>} : memref<5184x128xf32, #tpu.memory_space<vmem>>, vector<324x128xf32>,
    %get3A_181 = arith.constant 0 : index
    %get3A_182 = arith.constant 0 : index
    %get3A_183 = vector.load %arg3[%get3A_181, %get3A_182] : memref<4x2048xf32, #tpu.memory_space<vmem>>, vector<1x2048xf32>
    %reshape3A_184 = vector.shape_cast %get3A_183 : vector<1x2048xf32> to vector<16x128xf32>
    %swap3A_185 = arith.constant 0 : index
    %swap3A_186 = arith.constant 0 : index
    %swap3A_187 = vector.load %arg11[%swap3A_185, %swap3A_186] : memref<16x128xf32, #tpu.memory_space<vmem>>, vector<16x128xf32>
    tpu.vector_store %arg11[%swap3A_185, %swap3A_186], %reshape3A_184 {strides = array<i32>} : memref<16x128xf32, #tpu.memory_space<vmem>>, vector<16x128xf32>,
    %get3A_188 = arith.constant 1 : index
    %get3A_189 = arith.constant 0 : index
    %get3A_190 = vector.load %arg3[%get3A_188, %get3A_189] : memref<4x2048xf32, #tpu.memory_space<vmem>>, vector<1x2048xf32>
    %reshape3A_191 = vector.shape_cast %get3A_190 : vector<1x2048xf32> to vector<16x128xf32>
    %swap3A_192 = arith.constant 0 : index
    %swap3A_193 = arith.constant 0 : index
    %swap3A_194 = vector.load %arg12[%swap3A_192, %swap3A_193] : memref<16x128xf32, #tpu.memory_space<vmem>>, vector<16x128xf32>
    tpu.vector_store %arg12[%swap3A_192, %swap3A_193], %reshape3A_191 {strides = array<i32>} : memref<16x128xf32, #tpu.memory_space<vmem>>, vector<16x128xf32>,
    %get3A_195 = arith.constant 2 : index
    %get3A_196 = arith.constant 0 : index
    %get3A_197 = vector.load %arg3[%get3A_195, %get3A_196] : memref<4x2048xf32, #tpu.memory_space<vmem>>, vector<1x2048xf32>
    %reshape3A_198 = vector.shape_cast %get3A_197 : vector<1x2048xf32> to vector<16x128xf32>
    %swap3A_199 = arith.constant 0 : index
    %swap3A_200 = arith.constant 0 : index
    %swap3A_201 = vector.load %arg13[%swap3A_199, %swap3A_200] : memref<16x128xf32, #tpu.memory_space<vmem>>, vector<16x128xf32>
    tpu.vector_store %arg13[%swap3A_199, %swap3A_200], %reshape3A_198 {strides = array<i32>} : memref<16x128xf32, #tpu.memory_space<vmem>>, vector<16x128xf32>,
    %get3A_202 = arith.constant 3 : index
    %get3A_203 = arith.constant 0 : index
    %get3A_204 = vector.load %arg3[%get3A_202, %get3A_203] : memref<4x2048xf32, #tpu.memory_space<vmem>>, vector<1x2048xf32>
    %reshape3A_205 = vector.shape_cast %get3A_204 : vector<1x2048xf32> to vector<16x128xf32>
    %swap3A_206 = arith.constant 0 : index
    %swap3A_207 = arith.constant 0 : index
    %swap3A_208 = vector.load %arg14[%swap3A_206, %swap3A_207] : memref<16x128xf32, #tpu.memory_space<vmem>>, vector<16x128xf32>
    tpu.vector_store %arg14[%swap3A_206, %swap3A_207], %reshape3A_205 {strides = array<i32>} : memref<16x128xf32, #tpu.memory_space<vmem>>, vector<16x128xf32>,
    return
  }
  func.func @transform_0(%arg0: i32) -> (i32, i32) {
    %c0_i32 = arith.constant 0 : i32
    %c0_i32_0 = arith.constant 0 : i32
    return %c0_i32, %arg0 : i32, i32
  }
  func.func @transform_1(%arg0: i32) -> (i32, i32) {
    %c0_i32 = arith.constant 0 : i32
    %c0_i32_0 = arith.constant 0 : i32
    return %c0_i32, %arg0 : i32, i32
  }
  func.func @transform_2(%arg0: i32) -> (i32, i32) {
    %c0_i32 = arith.constant 0 : i32
    %c0_i32_0 = arith.constant 0 : i32
    return %c0_i32, %arg0 : i32, i32
  }
  func.func @transform_3(%arg0: i32) -> (i32, i32) {
    %c0_i32 = arith.constant 0 : i32
    %c0_i32_0 = arith.constant 0 : i32
    return %arg0, %c0_i32 : i32, i32
  }
  func.func @transform_4(%arg0: i32) -> (i32, i32) {
    %c0_i32 = arith.constant 0 : i32
    %c0_i32_0 = arith.constant 0 : i32
    return %arg0, %c0_i32 : i32, i32
  }
  func.func @transform_5(%arg0: i32) -> (i32, i32) {
    %c0_i32 = arith.constant 0 : i32
    %c0_i32_0 = arith.constant 0 : i32
    return %arg0, %c0_i32 : i32, i32
  }
  func.func @transform_6(%arg0: i32) -> (i32, i32) {
    %c0_i32 = arith.constant 0 : i32
    %c0_i32_0 = arith.constant 0 : i32
    return %arg0, %c0_i32 : i32, i32
  }
  func.func @transform_7(%arg0: i32) -> (i32, i32) {
    %c0_i32 = arith.constant 0 : i32
    %c0_i32_0 = arith.constant 0 : i32
    return %arg0, %c0_i32 : i32, i32
  }
  func.func @transform_8(%arg0: i32) -> (i32, i32) {
    %c0_i32 = arith.constant 0 : i32
    %c0_i32_0 = arith.constant 0 : i32
    return %arg0, %c0_i32 : i32, i32
  }
  func.func @transform_9(%arg0: i32) -> (i32, i32) {
    %c0_i32 = arith.constant 0 : i32
    %c0_i32_0 = arith.constant 0 : i32
    return %arg0, %c0_i32 : i32, i32
  }
  func.func @transform_10(%arg0: i32) -> (i32, i32) {
    %c0_i32 = arith.constant 0 : i32
    %c0_i32_0 = arith.constant 0 : i32
    return %arg0, %c0_i32 : i32, i32
  }
  func.func @transform_11(%arg0: i32) -> (i32, i32) {
    %c0_i32 = arith.constant 0 : i32
    %c0_i32_0 = arith.constant 0 : i32
    return %arg0, %c0_i32 : i32, i32
  }
  func.func @transform_12(%arg0: i32) -> (i32, i32) {
    %c0_i32 = arith.constant 0 : i32
    %c0_i32_0 = arith.constant 0 : i32
    return %arg0, %c0_i32 : i32, i32
  }
  func.func @transform_13(%arg0: i32) -> (i32, i32) {
    %c0_i32 = arith.constant 0 : i32
    %c0_i32_0 = arith.constant 0 : i32
    return %arg0, %c0_i32 : i32, i32
  }
}

module attributes {stable_mosaic.version = 14 : i64} {
  func.func @_nms_body(%arg0: memref<160x128xf32, #tpu.memory_space<vmem>>, %arg1: memref<160x128xi32, #tpu.memory_space<vmem>>, %arg2: memref<160x128xf32, #tpu.memory_space<vmem>>, %arg3: memref<160x128xf32, #tpu.memory_space<vmem>>, %arg4: memref<160x128xf32, #tpu.memory_space<vmem>>, %arg5: memref<160x128xf32, #tpu.memory_space<vmem>>, %arg6: memref<160x128xf32, #tpu.memory_space<vmem>>, %arg7: memref<160x128xf32, #tpu.memory_space<vmem>>, %arg8: memref<160x128xf32, #tpu.memory_space<vmem>>, %arg9: memref<160x128xf32, #tpu.memory_space<vmem>>, %arg10: memref<4x128xf32, #tpu.memory_space<vmem>>, %arg11: memref<1x128xf32, #tpu.memory_space<vmem>>, %arg12: memref<1x128xi32, #tpu.memory_space<vmem>>, %arg13: memref<960x128xf32, #tpu.memory_space<vmem>>) attributes {dimension_semantics = [], scalar_prefetch = 0 : i64, scratch_operands = 1 : i64, tpu.core_type = #tpu.core_type<tc>} {
    %get3A = arith.constant 0 : index
    %get3A_0 = arith.constant 0 : index
    %get3A_1 = vector.load %arg0[%get3A, %get3A_0] : memref<160x128xf32, #tpu.memory_space<vmem>>, vector<160x128xf32>
    %get3A_2 = arith.constant 0 : index
    %get3A_3 = arith.constant 0 : index
    %get3A_4 = vector.load %arg1[%get3A_2, %get3A_3] : memref<160x128xi32, #tpu.memory_space<vmem>>, vector<160x128xi32>
    %get3A_5 = arith.constant 0 : index
    %get3A_6 = arith.constant 0 : index
    %get3A_7 = vector.load %arg6[%get3A_5, %get3A_6] : memref<160x128xf32, #tpu.memory_space<vmem>>, vector<160x128xf32>
    %get3A_8 = arith.constant 0 : index
    %get3A_9 = arith.constant 0 : index
    %get3A_10 = vector.load %arg7[%get3A_8, %get3A_9] : memref<160x128xf32, #tpu.memory_space<vmem>>, vector<160x128xf32>
    %get3A_11 = arith.constant 0 : index
    %get3A_12 = arith.constant 0 : index
    %get3A_13 = vector.load %arg8[%get3A_11, %get3A_12] : memref<160x128xf32, #tpu.memory_space<vmem>>, vector<160x128xf32>
    %get3A_14 = arith.constant 0 : index
    %get3A_15 = arith.constant 0 : index
    %get3A_16 = vector.load %arg9[%get3A_14, %get3A_15] : memref<160x128xf32, #tpu.memory_space<vmem>>, vector<160x128xf32>
    %sub3A = arith.subf %get3A_13, %get3A_7 : vector<160x128xf32>
    %add3A = arith.constant 1.000000e+00 : f32
    %add3A_17 = vector.broadcast %add3A : f32 to vector<160x128xf32>
    %add3A_18 = arith.addf %sub3A, %add3A_17 : vector<160x128xf32>
    %sub3A_19 = arith.subf %get3A_16, %get3A_10 : vector<160x128xf32>
    %add3A_20 = arith.constant 1.000000e+00 : f32
    %add3A_21 = vector.broadcast %add3A_20 : f32 to vector<160x128xf32>
    %add3A_22 = arith.addf %sub3A_19, %add3A_21 : vector<160x128xf32>
    %mul3A = arith.constant 5.000000e-01 : f32
    %mul3A_23 = vector.broadcast %mul3A : f32 to vector<160x128xf32>
    %mul3A_24 = arith.mulf %mul3A_23, %add3A_18 : vector<160x128xf32>
    %add3A_25 = arith.addf %get3A_7, %mul3A_24 : vector<160x128xf32>
    %mul3A_26 = arith.constant 5.000000e-01 : f32
    %mul3A_27 = vector.broadcast %mul3A_26 : f32 to vector<160x128xf32>
    %mul3A_28 = arith.mulf %mul3A_27, %add3A_22 : vector<160x128xf32>
    %add3A_29 = arith.addf %get3A_10, %mul3A_28 : vector<160x128xf32>
    %get3A_30 = arith.constant 0 : index
    %get3A_31 = arith.constant 0 : index
    %get3A_32 = vector.load %arg2[%get3A_30, %get3A_31] : memref<160x128xf32, #tpu.memory_space<vmem>>, vector<160x128xf32>
    %div3A = arith.constant 1.000000e+01 : f32
    %div3A_33 = vector.broadcast %div3A : f32 to vector<160x128xf32>
    %div3A_34 = arith.divf %get3A_32, %div3A_33 : vector<160x128xf32>
    %get3A_35 = arith.constant 0 : index
    %get3A_36 = arith.constant 0 : index
    %get3A_37 = vector.load %arg3[%get3A_35, %get3A_36] : memref<160x128xf32, #tpu.memory_space<vmem>>, vector<160x128xf32>
    %div3A_38 = arith.constant 1.000000e+01 : f32
    %div3A_39 = vector.broadcast %div3A_38 : f32 to vector<160x128xf32>
    %div3A_40 = arith.divf %get3A_37, %div3A_39 : vector<160x128xf32>
    %get3A_41 = arith.constant 0 : index
    %get3A_42 = arith.constant 0 : index
    %get3A_43 = vector.load %arg4[%get3A_41, %get3A_42] : memref<160x128xf32, #tpu.memory_space<vmem>>, vector<160x128xf32>
    %div3A_44 = arith.constant 5.000000e+00 : f32
    %div3A_45 = vector.broadcast %div3A_44 : f32 to vector<160x128xf32>
    %div3A_46 = arith.divf %get3A_43, %div3A_45 : vector<160x128xf32>
    %min3A = arith.constant 4.13516665 : f32
    %min3A_47 = vector.broadcast %min3A : f32 to vector<160x128xf32>
    %min3A_48 = arith.minimumf %div3A_46, %min3A_47 : vector<160x128xf32>
    %get3A_49 = arith.constant 0 : index
    %get3A_50 = arith.constant 0 : index
    %get3A_51 = vector.load %arg5[%get3A_49, %get3A_50] : memref<160x128xf32, #tpu.memory_space<vmem>>, vector<160x128xf32>
    %div3A_52 = arith.constant 5.000000e+00 : f32
    %div3A_53 = vector.broadcast %div3A_52 : f32 to vector<160x128xf32>
    %div3A_54 = arith.divf %get3A_51, %div3A_53 : vector<160x128xf32>
    %min3A_55 = arith.constant 4.13516665 : f32
    %min3A_56 = vector.broadcast %min3A_55 : f32 to vector<160x128xf32>
    %min3A_57 = arith.minimumf %div3A_54, %min3A_56 : vector<160x128xf32>
    %mul3A_58 = arith.mulf %div3A_34, %add3A_18 : vector<160x128xf32>
    %add3A_59 = arith.addf %mul3A_58, %add3A_25 : vector<160x128xf32>
    %mul3A_60 = arith.mulf %div3A_40, %add3A_22 : vector<160x128xf32>
    %add3A_61 = arith.addf %mul3A_60, %add3A_29 : vector<160x128xf32>
    %exp3A = math.exp %min3A_48 : vector<160x128xf32>
    %mul3A_62 = arith.mulf %exp3A, %add3A_18 : vector<160x128xf32>
    %exp3A_63 = math.exp %min3A_57 : vector<160x128xf32>
    %mul3A_64 = arith.mulf %exp3A_63, %add3A_22 : vector<160x128xf32>
    %mul3A_65 = arith.constant 5.000000e-01 : f32
    %mul3A_66 = vector.broadcast %mul3A_65 : f32 to vector<160x128xf32>
    %mul3A_67 = arith.mulf %mul3A_66, %mul3A_62 : vector<160x128xf32>
    %sub3A_68 = arith.subf %add3A_59, %mul3A_67 : vector<160x128xf32>
    %jit3A = arith.constant 0.000000e+00 : f32
    %jit3A_69 = arith.constant 1.332000e+03 : f32
    %max3A = vector.broadcast %jit3A : f32 to vector<160x128xf32>
    %max3A_70 = arith.maximumf %max3A, %sub3A_68 : vector<160x128xf32>
    %min3A_71 = vector.broadcast %jit3A_69 : f32 to vector<160x128xf32>
    %min3A_72 = arith.minimumf %min3A_71, %max3A_70 : vector<160x128xf32>
    %mul3A_73 = arith.constant 5.000000e-01 : f32
    %mul3A_74 = vector.broadcast %mul3A_73 : f32 to vector<160x128xf32>
    %mul3A_75 = arith.mulf %mul3A_74, %mul3A_64 : vector<160x128xf32>
    %sub3A_76 = arith.subf %add3A_61, %mul3A_75 : vector<160x128xf32>
    %jit3A_77 = arith.constant 0.000000e+00 : f32
    %jit3A_78 = arith.constant 7.990000e+02 : f32
    %max3A_79 = vector.broadcast %jit3A_77 : f32 to vector<160x128xf32>
    %max3A_80 = arith.maximumf %max3A_79, %sub3A_76 : vector<160x128xf32>
    %min3A_81 = vector.broadcast %jit3A_78 : f32 to vector<160x128xf32>
    %min3A_82 = arith.minimumf %min3A_81, %max3A_80 : vector<160x128xf32>
    %mul3A_83 = arith.constant 5.000000e-01 : f32
    %mul3A_84 = vector.broadcast %mul3A_83 : f32 to vector<160x128xf32>
    %mul3A_85 = arith.mulf %mul3A_84, %mul3A_62 : vector<160x128xf32>
    %add3A_86 = arith.addf %add3A_59, %mul3A_85 : vector<160x128xf32>
    %sub3A_87 = arith.constant 1.000000e+00 : f32
    %sub3A_88 = vector.broadcast %sub3A_87 : f32 to vector<160x128xf32>
    %sub3A_89 = arith.subf %add3A_86, %sub3A_88 : vector<160x128xf32>
    %jit3A_90 = arith.constant 0.000000e+00 : f32
    %jit3A_91 = arith.constant 1.332000e+03 : f32
    %max3A_92 = vector.broadcast %jit3A_90 : f32 to vector<160x128xf32>
    %max3A_93 = arith.maximumf %max3A_92, %sub3A_89 : vector<160x128xf32>
    %min3A_94 = vector.broadcast %jit3A_91 : f32 to vector<160x128xf32>
    %min3A_95 = arith.minimumf %min3A_94, %max3A_93 : vector<160x128xf32>
    %mul3A_96 = arith.constant 5.000000e-01 : f32
    %mul3A_97 = vector.broadcast %mul3A_96 : f32 to vector<160x128xf32>
    %mul3A_98 = arith.mulf %mul3A_97, %mul3A_64 : vector<160x128xf32>
    %add3A_99 = arith.addf %add3A_61, %mul3A_98 : vector<160x128xf32>
    %sub3A_100 = arith.constant 1.000000e+00 : f32
    %sub3A_101 = vector.broadcast %sub3A_100 : f32 to vector<160x128xf32>
    %sub3A_102 = arith.subf %add3A_99, %sub3A_101 : vector<160x128xf32>
    %jit3A_103 = arith.constant 0.000000e+00 : f32
    %jit3A_104 = arith.constant 7.990000e+02 : f32
    %max3A_105 = vector.broadcast %jit3A_103 : f32 to vector<160x128xf32>
    %max3A_106 = arith.maximumf %max3A_105, %sub3A_102 : vector<160x128xf32>
    %min3A_107 = vector.broadcast %jit3A_104 : f32 to vector<160x128xf32>
    %min3A_108 = arith.minimumf %min3A_107, %max3A_106 : vector<160x128xf32>
    %sub3A_109 = arith.subf %min3A_95, %min3A_72 : vector<160x128xf32>
    %add3A_110 = arith.constant 1.000000e+00 : f32
    %add3A_111 = vector.broadcast %add3A_110 : f32 to vector<160x128xf32>
    %add3A_112 = arith.addf %sub3A_109, %add3A_111 : vector<160x128xf32>
    %sub3A_113 = arith.subf %min3A_108, %min3A_82 : vector<160x128xf32>
    %add3A_114 = arith.constant 1.000000e+00 : f32
    %add3A_115 = vector.broadcast %add3A_114 : f32 to vector<160x128xf32>
    %add3A_116 = arith.addf %sub3A_113, %add3A_115 : vector<160x128xf32>
    %mul3A_117 = arith.mulf %add3A_112, %add3A_116 : vector<160x128xf32>
    %swap3A = arith.constant 0 : index
    %swap3A_118 = arith.constant 0 : index
    %swap3A_119 = vector.load %arg13[%swap3A, %swap3A_118] : memref<960x128xf32, #tpu.memory_space<vmem>>, vector<160x128xf32>
    tpu.vector_store %arg13[%swap3A, %swap3A_118], %min3A_72 {strides = array<i32>} : memref<960x128xf32, #tpu.memory_space<vmem>>, vector<160x128xf32>,
    %swap3A_120 = arith.constant 160 : index
    %swap3A_121 = arith.constant 0 : index
    %swap3A_122 = vector.load %arg13[%swap3A_120, %swap3A_121] : memref<960x128xf32, #tpu.memory_space<vmem>>, vector<160x128xf32>
    tpu.vector_store %arg13[%swap3A_120, %swap3A_121], %min3A_82 {strides = array<i32>} : memref<960x128xf32, #tpu.memory_space<vmem>>, vector<160x128xf32>,
    %swap3A_123 = arith.constant 320 : index
    %swap3A_124 = arith.constant 0 : index
    %swap3A_125 = vector.load %arg13[%swap3A_123, %swap3A_124] : memref<960x128xf32, #tpu.memory_space<vmem>>, vector<160x128xf32>
    tpu.vector_store %arg13[%swap3A_123, %swap3A_124], %min3A_95 {strides = array<i32>} : memref<960x128xf32, #tpu.memory_space<vmem>>, vector<160x128xf32>,
    %swap3A_126 = arith.constant 480 : index
    %swap3A_127 = arith.constant 0 : index
    %swap3A_128 = vector.load %arg13[%swap3A_126, %swap3A_127] : memref<960x128xf32, #tpu.memory_space<vmem>>, vector<160x128xf32>
    tpu.vector_store %arg13[%swap3A_126, %swap3A_127], %min3A_108 {strides = array<i32>} : memref<960x128xf32, #tpu.memory_space<vmem>>, vector<160x128xf32>,
    %swap3A_129 = arith.constant 640 : index
    %swap3A_130 = arith.constant 0 : index
    %swap3A_131 = vector.load %arg13[%swap3A_129, %swap3A_130] : memref<960x128xf32, #tpu.memory_space<vmem>>, vector<160x128xf32>
    tpu.vector_store %arg13[%swap3A_129, %swap3A_130], %mul3A_117 {strides = array<i32>} : memref<960x128xf32, #tpu.memory_space<vmem>>, vector<160x128xf32>,
    %convert_element_type3A = arith.sitofp %get3A_4 : vector<160x128xi32> to vector<160x128xf32>
    %swap3A_132 = arith.constant 800 : index
    %swap3A_133 = arith.constant 0 : index
    %swap3A_134 = vector.load %arg13[%swap3A_132, %swap3A_133] : memref<960x128xf32, #tpu.memory_space<vmem>>, vector<160x128xf32>
    tpu.vector_store %arg13[%swap3A_132, %swap3A_133], %convert_element_type3A {strides = array<i32>} : memref<960x128xf32, #tpu.memory_space<vmem>>, vector<160x128xf32>,
    %iota3A = tpu.iota {dimensions = array<i32: 0>} : vector<160x128xi32>
    %mul3A_135 = arith.constant 128 : i32
    %mul3A_136 = vector.broadcast %mul3A_135 : i32 to vector<160x128xi32>
    %mul3A_137 = arith.muli %iota3A, %mul3A_136 : vector<160x128xi32>
    %iota3A_138 = tpu.iota {dimensions = array<i32: 1>} : vector<160x128xi32>
    %add3A_139 = arith.addi %mul3A_137, %iota3A_138 : vector<160x128xi32>
    %iota3A_140 = tpu.iota {dimensions = array<i32: 1>} : vector<1x128xi32>
    %broadcast_in_dim3A = arith.constant 0.000000e+00 : f32
    %broadcast_in_dim3A_141 = vector.broadcast %broadcast_in_dim3A : f32 to vector<1x128xf32>
    %scan3A = arith.constant 0 : i32
    %scan3A_142 = arith.constant 100 : i32
    %scan3A_143 = arith.addi %scan3A, %scan3A_142 : i32
    %scan3A_144 = arith.constant 1 : i32
    %scan3A_145:7 = scf.for %scan3A_169 = %scan3A to %scan3A_143 step %scan3A_144 iter_args(%scan3A_170 = %get3A_1, %scan3A_171 = %broadcast_in_dim3A_141, %scan3A_172 = %broadcast_in_dim3A_141, %scan3A_173 = %broadcast_in_dim3A_141, %scan3A_174 = %broadcast_in_dim3A_141, %scan3A_175 = %broadcast_in_dim3A_141, %scan3A_176 = %broadcast_in_dim3A_141) -> (vector<160x128xf32>, vector<1x128xf32>, vector<1x128xf32>, vector<1x128xf32>, vector<1x128xf32>, vector<1x128xf32>, vector<1x128xf32>)  : i32 {
      %reduce_max3A = vector.shape_cast %scan3A_170 : vector<160x128xf32> to vector<1x160x128xf32>
      %reduce_max3A_177 = arith.constant dense<0xFF800000> : vector<1xf32>
      %reduce_max3A_178 = vector.multi_reduction <maximumf>, %reduce_max3A, %reduce_max3A_177 [1, 2] : vector<1x160x128xf32> to vector<1xf32>
      %reduce_max3A_179 = vector.shape_cast %reduce_max3A_178 : vector<1xf32> to vector<1x1x1xf32>
      %reduce_max3A_180 = vector.extract %reduce_max3A_179[0, 0, 0] : f32 from vector<1x1x1xf32>
      %eq3A = vector.broadcast %reduce_max3A_180 : f32 to vector<160x128xf32>
      %eq3A_181 = arith.cmpf oeq, %scan3A_170, %eq3A : vector<160x128xf32>
      %jit3A_182 = arith.constant 2147483647 : i32
      %broadcast_in_dim3A_183 = vector.broadcast %jit3A_182 : i32 to vector<160x128xi32>
      %select_n3A = arith.select %eq3A_181, %add3A_139, %broadcast_in_dim3A_183 : vector<160x128xi1>, vector<160x128xi32>
      %reduce_min3A = vector.shape_cast %select_n3A : vector<160x128xi32> to vector<1x160x128xi32>
      %reduce_min3A_184 = arith.constant dense<2147483647> : vector<1xi32>
      %reduce_min3A_185 = vector.multi_reduction <minsi>, %reduce_min3A, %reduce_min3A_184 [1, 2] : vector<1x160x128xi32> to vector<1xi32>
      %reduce_min3A_186 = vector.shape_cast %reduce_min3A_185 : vector<1xi32> to vector<1x1x1xi32>
      %reduce_min3A_187 = vector.extract %reduce_min3A_186[0, 0, 0] : i32 from vector<1x1x1xi32>
      %eq3A_188 = vector.broadcast %reduce_min3A_187 : i32 to vector<160x128xi32>
      %eq3A_189 = arith.cmpi eq, %add3A_139, %eq3A_188 : vector<160x128xi32>
      %shift_right_arithmetic3A = arith.constant 7 : i32
      %shift_right_arithmetic3A_190 = arith.shrsi %reduce_min3A_187, %shift_right_arithmetic3A : i32
      %and3A = arith.constant 127 : i32
      %and3A_191 = arith.andi %reduce_min3A_187, %and3A : i32
      %eq3A_192 = vector.broadcast %and3A_191 : i32 to vector<1x128xi32>
      %eq3A_193 = arith.cmpi eq, %iota3A_140, %eq3A_192 : vector<1x128xi32>
      %convert_element_type3A_194 = arith.extui %eq3A_193 : vector<1x128xi1> to vector<1x128xi32>
      %convert_element_type3A_195 = arith.sitofp %convert_element_type3A_194 : vector<1x128xi32> to vector<1x128xf32>
      %add3A_196 = arith.constant 0 : i32
      %add3A_197 = arith.addi %add3A_196, %shift_right_arithmetic3A_190 : i32
      %get3A_198 = arith.index_cast %add3A_197 : i32 to index
      %get3A_199 = arith.constant 0 : index
      %get3A_200 = vector.load %arg13[%get3A_198, %get3A_199] : memref<960x128xf32, #tpu.memory_space<vmem>>, vector<1x128xf32>
      %mul3A_201 = arith.mulf %get3A_200, %convert_element_type3A_195 : vector<1x128xf32>
      %reduce_sum3A = vector.shape_cast %mul3A_201 : vector<1x128xf32> to vector<1x1x128xf32>
      %reduce_sum3A_202 = arith.constant dense<0.000000e+00> : vector<1xf32>
      %reduce_sum3A_203 = vector.multi_reduction <add>, %reduce_sum3A, %reduce_sum3A_202 [1, 2] : vector<1x1x128xf32> to vector<1xf32>
      %reduce_sum3A_204 = vector.shape_cast %reduce_sum3A_203 : vector<1xf32> to vector<1x1x1xf32>
      %reduce_sum3A_205 = vector.extract %reduce_sum3A_204[0, 0, 0] : f32 from vector<1x1x1xf32>
      %add3A_206 = arith.constant 160 : i32
      %add3A_207 = arith.addi %add3A_206, %shift_right_arithmetic3A_190 : i32
      %get3A_208 = arith.index_cast %add3A_207 : i32 to index
      %get3A_209 = arith.constant 0 : index
      %get3A_210 = vector.load %arg13[%get3A_208, %get3A_209] : memref<960x128xf32, #tpu.memory_space<vmem>>, vector<1x128xf32>
      %mul3A_211 = arith.mulf %get3A_210, %convert_element_type3A_195 : vector<1x128xf32>
      %reduce_sum3A_212 = vector.shape_cast %mul3A_211 : vector<1x128xf32> to vector<1x1x128xf32>
      %reduce_sum3A_213 = arith.constant dense<0.000000e+00> : vector<1xf32>
      %reduce_sum3A_214 = vector.multi_reduction <add>, %reduce_sum3A_212, %reduce_sum3A_213 [1, 2] : vector<1x1x128xf32> to vector<1xf32>
      %reduce_sum3A_215 = vector.shape_cast %reduce_sum3A_214 : vector<1xf32> to vector<1x1x1xf32>
      %reduce_sum3A_216 = vector.extract %reduce_sum3A_215[0, 0, 0] : f32 from vector<1x1x1xf32>
      %add3A_217 = arith.constant 320 : i32
      %add3A_218 = arith.addi %add3A_217, %shift_right_arithmetic3A_190 : i32
      %get3A_219 = arith.index_cast %add3A_218 : i32 to index
      %get3A_220 = arith.constant 0 : index
      %get3A_221 = vector.load %arg13[%get3A_219, %get3A_220] : memref<960x128xf32, #tpu.memory_space<vmem>>, vector<1x128xf32>
      %mul3A_222 = arith.mulf %get3A_221, %convert_element_type3A_195 : vector<1x128xf32>
      %reduce_sum3A_223 = vector.shape_cast %mul3A_222 : vector<1x128xf32> to vector<1x1x128xf32>
      %reduce_sum3A_224 = arith.constant dense<0.000000e+00> : vector<1xf32>
      %reduce_sum3A_225 = vector.multi_reduction <add>, %reduce_sum3A_223, %reduce_sum3A_224 [1, 2] : vector<1x1x128xf32> to vector<1xf32>
      %reduce_sum3A_226 = vector.shape_cast %reduce_sum3A_225 : vector<1xf32> to vector<1x1x1xf32>
      %reduce_sum3A_227 = vector.extract %reduce_sum3A_226[0, 0, 0] : f32 from vector<1x1x1xf32>
      %add3A_228 = arith.constant 480 : i32
      %add3A_229 = arith.addi %add3A_228, %shift_right_arithmetic3A_190 : i32
      %get3A_230 = arith.index_cast %add3A_229 : i32 to index
      %get3A_231 = arith.constant 0 : index
      %get3A_232 = vector.load %arg13[%get3A_230, %get3A_231] : memref<960x128xf32, #tpu.memory_space<vmem>>, vector<1x128xf32>
      %mul3A_233 = arith.mulf %get3A_232, %convert_element_type3A_195 : vector<1x128xf32>
      %reduce_sum3A_234 = vector.shape_cast %mul3A_233 : vector<1x128xf32> to vector<1x1x128xf32>
      %reduce_sum3A_235 = arith.constant dense<0.000000e+00> : vector<1xf32>
      %reduce_sum3A_236 = vector.multi_reduction <add>, %reduce_sum3A_234, %reduce_sum3A_235 [1, 2] : vector<1x1x128xf32> to vector<1xf32>
      %reduce_sum3A_237 = vector.shape_cast %reduce_sum3A_236 : vector<1xf32> to vector<1x1x1xf32>
      %reduce_sum3A_238 = vector.extract %reduce_sum3A_237[0, 0, 0] : f32 from vector<1x1x1xf32>
      %add3A_239 = arith.constant 640 : i32
      %add3A_240 = arith.addi %add3A_239, %shift_right_arithmetic3A_190 : i32
      %get3A_241 = arith.index_cast %add3A_240 : i32 to index
      %get3A_242 = arith.constant 0 : index
      %get3A_243 = vector.load %arg13[%get3A_241, %get3A_242] : memref<960x128xf32, #tpu.memory_space<vmem>>, vector<1x128xf32>
      %mul3A_244 = arith.mulf %get3A_243, %convert_element_type3A_195 : vector<1x128xf32>
      %reduce_sum3A_245 = vector.shape_cast %mul3A_244 : vector<1x128xf32> to vector<1x1x128xf32>
      %reduce_sum3A_246 = arith.constant dense<0.000000e+00> : vector<1xf32>
      %reduce_sum3A_247 = vector.multi_reduction <add>, %reduce_sum3A_245, %reduce_sum3A_246 [1, 2] : vector<1x1x128xf32> to vector<1xf32>
      %reduce_sum3A_248 = vector.shape_cast %reduce_sum3A_247 : vector<1xf32> to vector<1x1x1xf32>
      %reduce_sum3A_249 = vector.extract %reduce_sum3A_248[0, 0, 0] : f32 from vector<1x1x1xf32>
      %add3A_250 = arith.constant 800 : i32
      %add3A_251 = arith.addi %add3A_250, %shift_right_arithmetic3A_190 : i32
      %get3A_252 = arith.index_cast %add3A_251 : i32 to index
      %get3A_253 = arith.constant 0 : index
      %get3A_254 = vector.load %arg13[%get3A_252, %get3A_253] : memref<960x128xf32, #tpu.memory_space<vmem>>, vector<1x128xf32>
      %mul3A_255 = arith.mulf %get3A_254, %convert_element_type3A_195 : vector<1x128xf32>
      %reduce_sum3A_256 = vector.shape_cast %mul3A_255 : vector<1x128xf32> to vector<1x1x128xf32>
      %reduce_sum3A_257 = arith.constant dense<0.000000e+00> : vector<1xf32>
      %reduce_sum3A_258 = vector.multi_reduction <add>, %reduce_sum3A_256, %reduce_sum3A_257 [1, 2] : vector<1x1x128xf32> to vector<1xf32>
      %reduce_sum3A_259 = vector.shape_cast %reduce_sum3A_258 : vector<1xf32> to vector<1x1x1xf32>
      %reduce_sum3A_260 = vector.extract %reduce_sum3A_259[0, 0, 0] : f32 from vector<1x1x1xf32>
      %max3A_261 = vector.broadcast %reduce_sum3A_205 : f32 to vector<160x128xf32>
      %max3A_262 = arith.maximumf %max3A_261, %min3A_72 : vector<160x128xf32>
      %max3A_263 = vector.broadcast %reduce_sum3A_216 : f32 to vector<160x128xf32>
      %max3A_264 = arith.maximumf %max3A_263, %min3A_82 : vector<160x128xf32>
      %min3A_265 = vector.broadcast %reduce_sum3A_227 : f32 to vector<160x128xf32>
      %min3A_266 = arith.minimumf %min3A_265, %min3A_95 : vector<160x128xf32>
      %min3A_267 = vector.broadcast %reduce_sum3A_238 : f32 to vector<160x128xf32>
      %min3A_268 = arith.minimumf %min3A_267, %min3A_108 : vector<160x128xf32>
      %sub3A_269 = arith.subf %min3A_266, %max3A_262 : vector<160x128xf32>
      %add3A_270 = arith.constant 1.000000e+00 : f32
      %add3A_271 = vector.broadcast %add3A_270 : f32 to vector<160x128xf32>
      %add3A_272 = arith.addf %sub3A_269, %add3A_271 : vector<160x128xf32>
      %max3A_273 = arith.constant 0.000000e+00 : f32
      %max3A_274 = vector.broadcast %max3A_273 : f32 to vector<160x128xf32>
      %max3A_275 = arith.maximumf %add3A_272, %max3A_274 : vector<160x128xf32>
      %sub3A_276 = arith.subf %min3A_268, %max3A_264 : vector<160x128xf32>
      %add3A_277 = arith.constant 1.000000e+00 : f32
      %add3A_278 = vector.broadcast %add3A_277 : f32 to vector<160x128xf32>
      %add3A_279 = arith.addf %sub3A_276, %add3A_278 : vector<160x128xf32>
      %max3A_280 = arith.constant 0.000000e+00 : f32
      %max3A_281 = vector.broadcast %max3A_280 : f32 to vector<160x128xf32>
      %max3A_282 = arith.maximumf %add3A_279, %max3A_281 : vector<160x128xf32>
      %mul3A_283 = arith.mulf %max3A_275, %max3A_282 : vector<160x128xf32>
      %add3A_284 = vector.broadcast %reduce_sum3A_249 : f32 to vector<160x128xf32>
      %add3A_285 = arith.addf %add3A_284, %mul3A_117 : vector<160x128xf32>
      %sub3A_286 = arith.subf %add3A_285, %mul3A_283 : vector<160x128xf32>
      %div3A_287 = arith.divf %mul3A_283, %sub3A_286 : vector<160x128xf32>
      %gt3A = arith.constant 5.000000e-01 : f32
      %gt3A_288 = vector.broadcast %gt3A : f32 to vector<160x128xf32>
      %gt3A_289 = arith.cmpf ogt, %div3A_287, %gt3A_288 : vector<160x128xf32>
      %or3A = arith.ori %gt3A_289, %eq3A_189 : vector<160x128xi1>
      %jit3A_290 = arith.constant -1.000000e+10 : f32
      %broadcast_in_dim3A_291 = vector.broadcast %jit3A_290 : f32 to vector<160x128xf32>
      %select_n3A_292 = arith.select %or3A, %broadcast_in_dim3A_291, %scan3A_170 : vector<160x128xi1>, vector<160x128xf32>
      %gt3A_293 = arith.constant 0.000000e+00 : f32
      %gt3A_294 = arith.cmpf ogt, %reduce_max3A_180, %gt3A_293 : f32
      %jit3A_295 = arith.constant 1.000000e+00 : f32
      %jit3A_296 = arith.constant 0.000000e+00 : f32
      %select_n3A_297 = arith.select %gt3A_294, %jit3A_295, %jit3A_296 : f32
      %eq3A_298 = vector.broadcast %scan3A_169 : i32 to vector<1x128xi32>
      %eq3A_299 = arith.cmpi eq, %iota3A_140, %eq3A_298 : vector<1x128xi32>
      %mul3A_300 = arith.mulf %reduce_max3A_180, %select_n3A_297 : f32
      %broadcast_in_dim3A_301 = vector.broadcast %mul3A_300 : f32 to vector<1x128xf32>
      %select_n3A_302 = arith.select %eq3A_299, %broadcast_in_dim3A_301, %scan3A_171 : vector<1x128xi1>, vector<1x128xf32>
      %mul3A_303 = arith.mulf %reduce_sum3A_205, %select_n3A_297 : f32
      %broadcast_in_dim3A_304 = vector.broadcast %mul3A_303 : f32 to vector<1x128xf32>
      %select_n3A_305 = arith.select %eq3A_299, %broadcast_in_dim3A_304, %scan3A_172 : vector<1x128xi1>, vector<1x128xf32>
      %mul3A_306 = arith.mulf %reduce_sum3A_216, %select_n3A_297 : f32
      %broadcast_in_dim3A_307 = vector.broadcast %mul3A_306 : f32 to vector<1x128xf32>
      %select_n3A_308 = arith.select %eq3A_299, %broadcast_in_dim3A_307, %scan3A_173 : vector<1x128xi1>, vector<1x128xf32>
      %mul3A_309 = arith.mulf %reduce_sum3A_227, %select_n3A_297 : f32
      %broadcast_in_dim3A_310 = vector.broadcast %mul3A_309 : f32 to vector<1x128xf32>
      %select_n3A_311 = arith.select %eq3A_299, %broadcast_in_dim3A_310, %scan3A_174 : vector<1x128xi1>, vector<1x128xf32>
      %mul3A_312 = arith.mulf %reduce_sum3A_238, %select_n3A_297 : f32
      %broadcast_in_dim3A_313 = vector.broadcast %mul3A_312 : f32 to vector<1x128xf32>
      %select_n3A_314 = arith.select %eq3A_299, %broadcast_in_dim3A_313, %scan3A_175 : vector<1x128xi1>, vector<1x128xf32>
      %mul3A_315 = arith.mulf %reduce_sum3A_260, %select_n3A_297 : f32
      %broadcast_in_dim3A_316 = vector.broadcast %mul3A_315 : f32 to vector<1x128xf32>
      %select_n3A_317 = arith.select %eq3A_299, %broadcast_in_dim3A_316, %scan3A_176 : vector<1x128xi1>, vector<1x128xf32>
      scf.yield %select_n3A_292, %select_n3A_302, %select_n3A_305, %select_n3A_308, %select_n3A_311, %select_n3A_314, %select_n3A_317 : vector<160x128xf32>, vector<1x128xf32>, vector<1x128xf32>, vector<1x128xf32>, vector<1x128xf32>, vector<1x128xf32>, vector<1x128xf32>
    }
    %scan3A_146 = arith.constant 100 : i32
    %swap3A_147 = arith.constant 0 : index
    %swap3A_148 = arith.constant 0 : index
    %swap3A_149 = vector.load %arg10[%swap3A_147, %swap3A_148] : memref<4x128xf32, #tpu.memory_space<vmem>>, vector<1x128xf32>
    tpu.vector_store %arg10[%swap3A_147, %swap3A_148], %scan3A_145#2 {strides = array<i32>} : memref<4x128xf32, #tpu.memory_space<vmem>>, vector<1x128xf32>,
    %swap3A_150 = arith.constant 1 : index
    %swap3A_151 = arith.constant 0 : index
    %swap3A_152 = vector.load %arg10[%swap3A_150, %swap3A_151] : memref<4x128xf32, #tpu.memory_space<vmem>>, vector<1x128xf32>
    tpu.vector_store %arg10[%swap3A_150, %swap3A_151], %scan3A_145#3 {strides = array<i32>} : memref<4x128xf32, #tpu.memory_space<vmem>>, vector<1x128xf32>,
    %swap3A_153 = arith.constant 2 : index
    %swap3A_154 = arith.constant 0 : index
    %swap3A_155 = vector.load %arg10[%swap3A_153, %swap3A_154] : memref<4x128xf32, #tpu.memory_space<vmem>>, vector<1x128xf32>
    tpu.vector_store %arg10[%swap3A_153, %swap3A_154], %scan3A_145#4 {strides = array<i32>} : memref<4x128xf32, #tpu.memory_space<vmem>>, vector<1x128xf32>,
    %swap3A_156 = arith.constant 3 : index
    %swap3A_157 = arith.constant 0 : index
    %swap3A_158 = vector.load %arg10[%swap3A_156, %swap3A_157] : memref<4x128xf32, #tpu.memory_space<vmem>>, vector<1x128xf32>
    tpu.vector_store %arg10[%swap3A_156, %swap3A_157], %scan3A_145#5 {strides = array<i32>} : memref<4x128xf32, #tpu.memory_space<vmem>>, vector<1x128xf32>,
    %swap3A_159 = arith.constant 0 : index
    %swap3A_160 = arith.constant 0 : index
    %swap3A_161 = vector.load %arg11[%swap3A_159, %swap3A_160] : memref<1x128xf32, #tpu.memory_space<vmem>>, vector<1x128xf32>
    tpu.vector_store %arg11[%swap3A_159, %swap3A_160], %scan3A_145#1 {strides = array<i32>} : memref<1x128xf32, #tpu.memory_space<vmem>>, vector<1x128xf32>,
    %add3A_162 = arith.constant 5.000000e-01 : f32
    %add3A_163 = vector.broadcast %add3A_162 : f32 to vector<1x128xf32>
    %add3A_164 = arith.addf %scan3A_145#6, %add3A_163 : vector<1x128xf32>
    %convert_element_type3A_165 = arith.fptosi %add3A_164 : vector<1x128xf32> to vector<1x128xi32>
    %swap3A_166 = arith.constant 0 : index
    %swap3A_167 = arith.constant 0 : index
    %swap3A_168 = vector.load %arg12[%swap3A_166, %swap3A_167] : memref<1x128xi32, #tpu.memory_space<vmem>>, vector<1x128xi32>
    tpu.vector_store %arg12[%swap3A_166, %swap3A_167], %convert_element_type3A_165 {strides = array<i32>} : memref<1x128xi32, #tpu.memory_space<vmem>>, vector<1x128xi32>,
    return
  }
}

</mosaic_0001>

<sc_bundles>
// kernel: kernel.5.cloned.1.call-start
scs
__scs_entry_jumppad:
0x0: {  	(pc) =	sbr.rel $0x88, $3  }
0x1: {  	(tag) =	ssettag $0x0;
	lr =	simm.s32 $0x1  }
0x2: {  	[smem:$0x3F9E] =	sst lr;
	_ =	strace $0xD0000000  }
0x3: {  	_ = 	snop  }
0x4: {  	_ = 	snop  }
0x5: {  	_ = 	snop  }
0x6: {  	_ = 	snop  }
0x7: {  	_ = 	snop  }
__scs_overlays_trampoline_lowered:
0x8: {  	[smem:$0x3FAD] =	sst s0  }
0x9: {  	[smem:$0x3FAE] =	sst s1  }
0xa: {  	[smem:$0x3FAF] =	sst s2  }
0xb: {  	[smem:$0x3FB0] =	sst s3  }
0xc: {  	[smem:$0x3FB1] =	sst s4  }
0xd: {  	[smem:$0x3FB2] =	sst s5  }
0xe: {  	[smem:$0x3FB3] =	sst s6  }
0xf: {  	[smem:$0x3FB4] =	sst s7  }
0x10: {  	[smem:$0x3FB5] =	sst s8  }
0x11: {  	[smem:$0x3FB6] =	sst s9;
	s0 =	simm.s32 @!p0 $0x0  }
0x12: {  	s1 =	sld [smem:$0x3F9C];
	s0 =	simm.s32 @p0 $0x1  }
0x13: {  	[smem:$0x3FB7] =	sst s0;
	s0 =	simm.s32 @!p1 $0x0  }
0x14: {  	s2 =	sld [smem:$0x3F9B];
	s0 =	simm.s32 @p1 $0x1  }
0x15: {  	[smem:$0x3FB8] =	sst s0;
	s0 =	simm.s32 @!p2 $0x0  }
0x16: {  	s3 =	sld [smem:$0x3FDB];
	s0 =	simm.s32 @p2 $0x1  }
0x17: {  	s4 =	simm.s32 $0x1BF5;
	[smem:$0x3FBA] =	sst s0  }
0x18: {  	s0 =	sld [smem:$0x3F9D];
	_ =	swait.ge [sflag:s4], $0x0  }
0x19: {  	s7 =	sld [smem:$0x3F9E]  }
0x1a: {  	s8 =	sadd.s32 $0xFFFFE003, lr  }
0x1b: {  	s9 =	sadd.s32 $0xFFFFFEF7, lr;
	s5 =	simm.s32 $0xFFFFFFFF;
	p2 =	slt.u32 s8, $0xFFFFF086  }
0x1c: {  	p1 =	slt.u32 s9, $0xF7A;
	s5 =	simm.s32 @!p2 $0x0  }
0x1d: {  	s5 =	simm.s32 @p1 $0x1;
	p0 =	seq.s32 s7, s2  }
0x1e: {  	s7 =	smul.u32 @!p0 $0xF7A, s2;
	p2 =	seq.s32 @!p0 s5, $0x0  }
0x1f: {  	s9 =	smul.u32 $0xF7A, s1;
	s8 =	simm.s32 @!p0 $0x1BF5;
	p2 =	por !p2, p0  }
0x20: {  	[sflag:s8] =	ssyncset.s32 @!p0 $0xFFFFF086;
	s6 =	sadd.s32 @!p0 s3, s7;
	s7 =	simm.s32 @!p0 $0x108  }
0x21: {  	s3 =	sadd.s32 s3, s9;
	s6 =	sadd.s32 @!p0 $0x88, s6;
	s7 =	simm.s32 @p2 $0x1082  }
0x22: {  	[simem:s7], [sflag:s8] =	dma.local @!p0 [hbm:s6], $0xF7A  }
0x23: {  	s9 =	sor.u32 $0xD0000000, s2;
	s6 =	simm.s32 $0x108;
	_ =	swait.ge @!p0 [sflag:s8], $0x0  }
0x24: {  	s3 =	sadd.s32 $0x88, s3;
	s6 =	simm.s32 @!p1 $0x1082;
	[sflag:s4] =	ssyncset.s32 $0xFFFFF086  }
0x25: {  	[simem:s6], [sflag:s4] =	dma.local [hbm:s3], $0xF7A  }
0x26: {  	[smem:$0x3F9E] =	sst s1;
	(tag) =	ssettag s2;
	_ =	strace s9  }
0x27: {  	s1 =	sld [smem:$0x3FAE]  }
0x28: {  	s2 =	sld [smem:$0x3FAF]  }
0x29: {  	s4 =	sld [smem:$0x3FB1]  }
0x2a: {  	p0 =	seq.s32 s5, $0x0;
	s5 =	sld [smem:$0x3FB2]  }
0x2b: {  	s6 =	sld [smem:$0x3FB3]  }
0x2c: {  	s7 =	sld [smem:$0x3FB4]  }
0x2d: {  	s3 =	simm.s32 $0x108;
	s8 =	sld [smem:$0x3FB5]  }
0x2e: {  	s3 =	simm.s32 @!p0 $0x1082;
	s9 =	sld [smem:$0x3FB6]  }
0x2f: {  	lr =	sadd.s32 s0, s3;
	s0 =	sld [smem:$0x3FAD]  }
0x30: {  	s3 =	sld [smem:$0x3FB0]  }
0x31: {  	[smem:$0x3FB9] =	sst s10  }
0x32: {  	s10 =	sld [smem:$0x3FB7];
	_ =	sdelay $0x3  }
0x33: {  	p0 =	seq.s32 s10, $0x1;
	s10 =	sld [smem:$0x3FB9];
	_ =	sdelay $0x3  }
0x34: {  	[smem:$0x3FB9] =	sst s10  }
0x35: {  	s10 =	sld [smem:$0x3FB8];
	_ =	sdelay $0x3  }
0x36: {  	p1 =	seq.s32 s10, $0x1;
	s10 =	sld [smem:$0x3FB9];
	_ =	sdelay $0x3  }
0x37: {  	[smem:$0x3FB9] =	sst s10  }
0x38: {  	s10 =	sld [smem:$0x3FBA]  }
0x39: {  	_ = 	snop;
	(pc) =	sbr.ind lr, $3  }
0x3a: {  	_ = 	snop  }
0x3b: {  	_ = 	snop  }
0x3c: {  	p2 =	seq.s32 s10, $0x1;
	s10 =	sld [smem:$0x3FB9]  }
0x3d: {  	_ =	shalt  }
0x3e: {  	_ =	shalt  }
0x3f: {  	_ =	shalt  }
0x40: {  	_ =	shalt  }
0x41: {  	_ =	shalt  }
0x42: {  	_ =	shalt  }
0x43: {  	_ =	shalt  }
0x44: {  	_ =	shalt  }
0x45: {  	_ =	shalt  }
0x46: {  	_ =	shalt  }
0x47: {  	_ =	shalt  }
0x48: {  	_ =	shalt  }
0x49: {  	_ =	shalt  }
0x4a: {  	_ =	shalt  }
0x4b: {  	_ =	shalt  }
0x4c: {  	_ =	shalt  }
0x4d: {  	_ =	shalt  }
0x4e: {  	_ =	shalt  }
0x4f: {  	_ =	shalt  }
0x50: {  	_ =	shalt  }
0x51: {  	_ =	shalt  }
0x52: {  	_ =	shalt  }
0x53: {  	_ =	shalt  }
0x54: {  	_ =	shalt  }
0x55: {  	_ =	shalt  }
0x56: {  	_ =	shalt  }
0x57: {  	_ =	shalt  }
0x58: {  	_ =	shalt  }
0x59: {  	_ =	shalt  }
0x5a: {  	_ =	shalt  }
0x5b: {  	_ =	shalt  }
0x5c: {  	_ =	shalt  }
0x5d: {  	_ =	shalt  }
0x5e: {  	_ =	shalt  }
0x5f: {  	_ =	shalt  }
0x60: {  	_ =	shalt  }
0x61: {  	_ =	shalt  }
0x62: {  	_ =	shalt  }
0x63: {  	_ =	shalt  }
0x64: {  	_ =	shalt  }
0x65: {  	_ =	shalt  }
0x66: {  	_ =	shalt  }
0x67: {  	_ =	shalt  }
0x68: {  	_ =	shalt  }
0x69: {  	_ =	shalt  }
0x6a: {  	_ =	shalt  }
0x6b: {  	_ =	shalt  }
0x6c: {  	_ =	shalt  }
0x6d: {  	_ =	shalt  }
0x6e: {  	_ =	shalt  }
0x6f: {  	_ =	shalt  }
0x70: {  	_ =	shalt  }
0x71: {  	_ =	shalt  }
0x72: {  	_ =	shalt  }
0x73: {  	_ =	shalt  }
0x74: {  	_ =	shalt  }
0x75: {  	_ =	shalt  }
0x76: {  	_ =	shalt  }
0x77: {  	_ =	shalt  }
0x78: {  	_ =	shalt  }
0x79: {  	_ =	shalt  }
0x7a: {  	_ =	shalt  }
0x7b: {  	_ =	shalt  }
0x7c: {  	_ =	shalt  }
0x7d: {  	_ =	shalt  }
0x7e: {  	_ =	shalt  }
0x7f: {  	_ =	shalt  }
0x80: {  	_ =	shalt  }
0x81: {  	_ =	shalt  }
0x82: {  	_ =	shalt  }
0x83: {  	_ =	shalt  }
0x84: {  	_ =	shalt  }
0x85: {  	_ =	shalt  }
0x86: {  	_ =	shalt  }
0x87: {  	_ =	shalt  }
.Lfunc_end0:
.L_simem_size_0:
called_computation_lowered:
.L_overlay_start_0:
0x88: {  	s2 =	sld [smem:$0x3FD9]  }
0x89: {  	s3 =	sld [smem:$0x3FFE];
	_ =	sdelay $0x1  }
0x8a: {  	s1 =	srdreg.scid  }
0x8b: {  	s0 =	sand.u32 $0x1, s1  }
0x8c: {  	s16 =	sshll.u32 s0, $0xA;
	s2 =	sadd.s32 s3, s2  }
0x8d: {  	s2 =	sadd.s32 s2, s16  }
0x8e: {  	[smem:$0x3FC5] =	sst s2  }
0x8f: {  	_ = 	snop  }
0x90: {  	(tm) =	ssettm $0x1  }
0x91: {  	s17 =	sld [smem:$0x3FFB];
	_ =	sdelay $0x3  }
0x92: {  	_ =	strace s17  }
0x93: {  	s2 =	sld [smem:$0x3FFC];
	_ =	sdelay $0x3  }
0x94: {  	_ =	strace s2  }
0x95: {  	s2 =	sld [smem:$0x3FFD];
	_ =	sdelay $0x3  }
0x96: {  	_ =	strace s2  }
0x97: {  	_ =	strace $0x8FFFFFFF  }
0x98: {  	s18 =	sld [smem:$0x3FDB];
	_ =	sdelay $0x1  }
0x99: {  	s19 =	simm.s32 $_scs_section_size  }
0x9a: {  	s4 =	simm.s32 $_size__tile_overlayer_lowered;
	s5 =	simm.s32 $_tile_overlayer_lowered  }
0x9b: {  	s22 =	simm.s32 $0x1BFF;
	s21 =	sshll.u32 s5, $0x1;
	s2 =	sadd.s32 s19, s18  }
0x9c: {  	s6 =	simm.s32 $0x0;
	s20 =	sshll.u32 s4, $0x1;
	s4 =	sadd.s32 s21, s2  }
0x9d: {  	[timem:s6], [sflag:s22] =	dma.local [hbm:s4], s20  }
0x9e: {  	_ =	swait.ge [sflag:s22], s20  }
0x9f: {  	s3 =	ssub.s32 $0x0, s20;
	[sflag:s22] =	ssyncset.done $0x0  }
0xa0: {  	[sflag:s22] =	ssyncadd.s32 s3;
	_ =	sdelay $0x1  }
0xa1: {  	s23 =	simm.s32 $0x1B8B  }
0xa2: {  	_ =	swait.ge [sflag:s23], $0x1  }
0xa3: {  	[sflag:s23] =	ssyncset.done $0x0  }
0xa4: {  	s25 =	simm.s32 $0x1B8E;
	s24 =	sld [smem:$0x3FFE];
	[sflag:s23] =	ssyncadd.s32 $0xFFFFFFFF  }
0xa5: {  	s26 =	simm.s32 $execute0_lowered;
	[smem:$0x3FD2] =	sst s25  }
0xa6: {  	s4 =	sshll.u32 s26, $0x1;
	_ =	strace $0x80000046;
	[dreg:$0x1] =	wrdreg $0xFFFFFFFF  }
0xa7: {  	s28 =	simm.s32 $_size_execute0_lowered;
	s2 =	sadd.s32 s2, s4;
	[dreg:$0x0] =	wrdreg $0x0  }
0xa8: {  	s4 =	sshll.u32 s28, $0x1;
	[dreg:$0x2] =	wrdreg s2  }
0xa9: {  	[dreg:$0x3] =	wrdreg s4  }
0xaa: {  	[dreg:$0x4] =	wrdreg $0xC0  }
0xab: {  	_ =	task [dreg:s6], $0x5FFFF  }
0xac: {  	[dreg:$0x1] =	wrdreg $0xFFFFFFFF  }
0xad: {  	[dreg:$0x0] =	wrdreg $0x60  }
0xae: {  	[dreg:$0x2] =	wrdreg s24  }
0xaf: {  	[dreg:$0x3] =	wrdreg $0x9  }
0xb0: {  	_ =	task.clear_ibuf [dreg:s6], $0x4FFFF;
	_ =	strace $0x90000046  }
0xb1: {  	s29 =	simm.s32 $0x9;
	_ =	strace $0x80000048  }
0xb2: {  	_ =	swait.ge [sflag:s29], $0x1  }
0xb3: {  	[sflag:s29] =	ssyncadd.s32 $0xFFFFFFFF  }
0xb4: {  	_ =	strace $0x90000048  }
0xb5: {  	_ =	sfence  }
0xb6: {  	s30 =	sld [smem:$0x0];
	_ =	sdelay $0x2  }
0xb7: {  	s31 =	sshll.u32 s1, $0xD;
	s1 =	sshrl.u32 s1, $0x2  }
0xb8: {  	s3 =	sand.u32 $0x4000, s31;
	s1 =	sadd.s32 s1, s30  }
0xb9: {  	s0 =	sor.u32 s3, s0;
	s1 =	sshll.u32 s1, $0x11  }
0xba: {  	s0 =	sor.u32 s1, s0  }
0xbb: {  	s0 =	sadd.s32 $0x8F2B, s0  }
0xbc: {  	[sflag:s0] =	ssyncadd.remote.s32 $0x1  }
0xbd: {  	_ =	sfence.sel $0xFFFF  }
0xbe: {  	[dreg:$0x0] =	wrdreg $0xFFFFFFFF;
	(pc) =	sbr.abs _section_cstart, $3  }
0xbf: {  	[dreg:$0x1] =	wrdreg $0xFFFFFFFF  }
0xc0: {  	_ =	task.clear_ibuf [dreg:s6], $0x2FFFF;
	_ =	strace $0x9FFFFFFF  }
0xc1: {  	(tm) =	ssettm $0x7FFFFFFF  }
tec
execute0_lowered:
.L_overlay_start_1:
0x0: {  	(tag) =	ssettag $0x1  }
0x1: {  	s1 =	stileid.u32  }
0x2: {  	p0 =	sgt.u32 s1, $0x9  }
.Ltmp0:
0x3: {  	_ = 	snop;
	(pc) =	sbr.rel @p0 .LBB2_4-.Ltmp0, $4  }
0x4: {  	_ = 	snop  }
0x5: {  	s7 =	rddreg [dreg:$0x0];
	s2 =	simm.s32 $0x0  }
0x6: {  	[smem:$0x7FF] =	sst s2  }
0x7: {  	s0 =	rddreg [dreg:$0x1];
	_ =	strace $0x80000047  }
0x8: {  	s11 =	simm.s32 $0x1080  }
0x9: {  	s12 =	simm.s32 $0x100;
	[dreg:$0xa] =	wrdreg s11  }
0xa: {  	s13 =	simm.s32 $0x1100;
	[dreg:$0xb] =	wrdreg s12  }
0xb: {  	s14 =	simm.s32 $0x180;
	[dreg:$0xc] =	wrdreg s13  }
0xc: {  	s15 =	simm.s32 $0x1180;
	[dreg:$0xd] =	wrdreg s14  }
0xd: {  	s16 =	simm.s32 $0x200;
	[dreg:$0xe] =	wrdreg s15  }
0xe: {  	s17 =	simm.s32 $0x1200;
	[dreg:$0xf] =	wrdreg s16  }
0xf: {  	s18 =	simm.s32 $0x280;
	[dreg:$0x10] =	wrdreg s17  }
0x10: {  	s19 =	simm.s32 $0x1280;
	[dreg:$0x11] =	wrdreg s18  }
0x11: {  	s20 =	simm.s32 $0x300;
	[dreg:$0x12] =	wrdreg s19  }
0x12: {  	s21 =	simm.s32 $0x1300;
	[dreg:$0x13] =	wrdreg s20  }
0x13: {  	s22 =	simm.s32 $0x380;
	[dreg:$0x14] =	wrdreg s21  }
0x14: {  	s23 =	simm.s32 $0x1380;
	[dreg:$0x15] =	wrdreg s22  }
0x15: {  	s24 =	simm.s32 $0x480;
	[dreg:$0x16] =	wrdreg s23  }
0x16: {  	s25 =	simm.s32 $0x1480;
	[dreg:$0x17] =	wrdreg s24  }
0x17: {  	s26 =	simm.s32 $0x500;
	[dreg:$0x18] =	wrdreg s25  }
0x18: {  	s28 =	simm.s32 $0x1500;
	[dreg:$0x19] =	wrdreg s26  }
0x19: {  	s29 =	simm.s32 $0x580;
	[dreg:$0x1a] =	wrdreg s28  }
0x1a: {  	s30 =	simm.s32 $0x1580;
	[dreg:$0x1b] =	wrdreg s29  }
0x1b: {  	[dreg:$0x1c] =	wrdreg s30;
	s11 =	simm.s32 $0x1780  }
0x1c: {  	s12 =	simm.s32 $0x880;
	[smem:$0x7F1] =	sst s11  }
0x1d: {  	s13 =	simm.s32 $0x1880;
	[smem:$0x7F8] =	sst s12  }
0x1e: {  	s14 =	simm.s32 $0x900;
	[smem:$0x7F7] =	sst s13  }
0x1f: {  	s15 =	simm.s32 $0x1900;
	[smem:$0x7F9] =	sst s14  }
0x20: {  	s0 =	srdreg.scid;
	s16 =	simm.s32 $0x980;
	[smem:$0x7F0] =	sst s15  }
0x21: {  	s1 =	stileid.u32;
	s17 =	simm.s32 $0x1980;
	[smem:$0x7FA] =	sst s16  }
0x22: {  	s0 =	sand.u32 $0x1, s0;
	s18 =	simm.s32 $0xA00;
	[smem:$0x7EF] =	sst s17  }
0x23: {  	s1 =	sshll.u32 s1, $0x8;
	s19 =	simm.s32 $0x1A00;
	[smem:$0x7FB] =	sst s18  }
0x24: {  	s20 =	simm.s32 $0xA80;
	s3 =	sshll.u32 s0, $0x7;
	[smem:$0x7EE] =	sst s19  }
0x25: {  	s21 =	simm.s32 $0x1A80;
	[smem:$0x7FC] =	sst s20;
	s1 =	sor.u32 s3, s1  }
0x26: {  	s23 =	simm.s32 $0xB00;
	[smem:$0x7F4] =	sst s21;
	s3 =	sadd.s32 s1, s7  }
0x27: {  	[smem:$0x7FD] =	sst s23;
	s4 =	sadd.s32 $0xCD200, s3  }
0x28: {  	s5 =	sadd.s32 $0xCDC00, s3;
	[dreg:$0x2] =	wrdreg s4  }
0x29: {  	s6 =	sadd.s32 $0xCE600, s3;
	[dreg:$0x3] =	wrdreg s5  }
0x2a: {  	s8 =	sadd.s32 $0xCF000, s3;
	[dreg:$0x4] =	wrdreg s6  }
0x2b: {  	s9 =	sadd.s32 $0xCFA00, s3;
	[dreg:$0x5] =	wrdreg s8  }
0x2c: {  	s10 =	sadd.s32 $0xD0400, s3;
	[dreg:$0x6] =	wrdreg s9  }
0x2d: {  	s3 =	sadd.s32 $0xD0E00, s3;
	[dreg:$0x7] =	wrdreg s10  }
0x2e: {  	[dreg:$0x8] =	wrdreg s3;
	s3 =	simm.s32 $0x600  }
0x2f: {  	s4 =	simm.s32 $0x1600;
	[dreg:$0x1d] =	wrdreg s3  }
0x30: {  	s6 =	simm.s32 $0x1680;
	[dreg:$0x1e] =	wrdreg s4  }
0x31: {  	s8 =	simm.s32 $0x700;
	[smem:$0x7F3] =	sst s6  }
0x32: {  	s9 =	simm.s32 $0x1700;
	[smem:$0x7F5] =	sst s8  }
0x33: {  	s5 =	sadd.s32 $0xCC800, s7;
	s10 =	simm.s32 $0x780;
	[smem:$0x7F2] =	sst s9  }
0x34: {  	s1 =	sadd.s32 s5, s1;
	[smem:$0x7F6] =	sst s10  }
0x35: {  	s5 =	simm.s32 $0x680;
	[dreg:$0x9] =	wrdreg s1  }
0x36: {  	[dreg:$0x1f] =	wrdreg s5  }
0x37: {  	s3 =	simm.s32 $0x2;
	s22 =	rddreg [dreg:$0x9]  }
0x38: {  	[tilespmem:s2], [sflag:$0x2] =	stream.linear.gather [hbm4b:s22+s2], $0x400, $0x38;
	[tilespmem:$0x2000] =	vst v63  }
0x39: {  	_ =	swait.ge [sflag:s3], $0x400  }
0x3a: {  	[sflag:s3] =	ssyncset.done $0x0  }
0x3b: {  	s4 =	simm.s32 $0x400;
	s24 =	rddreg [dreg:$0x2];
	[sflag:s3] =	ssyncadd.s32 $0xFFFFFC00  }
0x3c: {  	[tilespmem:s4], [sflag:$0x2] =	stream.linear.gather [hbm4b:s24+s2], $0x400, $0x38;
	[tilespmem:$0x2000] =	vst v63  }
0x3d: {  	_ =	swait.ge [sflag:s3], $0x400  }
0x3e: {  	[sflag:s3] =	ssyncset.done $0x0  }
0x3f: {  	s5 =	simm.s32 $0x800;
	s25 =	rddreg [dreg:$0x3];
	[sflag:s3] =	ssyncadd.s32 $0xFFFFFC00  }
0x40: {  	[tilespmem:s5], [sflag:$0x2] =	stream.linear.gather [hbm4b:s25+s2], $0x400, $0x38;
	[tilespmem:$0x2000] =	vst v63  }
0x41: {  	_ =	swait.ge [sflag:s3], $0x400  }
0x42: {  	[sflag:s3] =	ssyncset.done $0x0  }
0x43: {  	s6 =	simm.s32 $0xC00;
	s26 =	rddreg [dreg:$0x4];
	[sflag:s3] =	ssyncadd.s32 $0xFFFFFC00  }
0x44: {  	[tilespmem:s6], [sflag:$0x2] =	stream.linear.gather [hbm4b:s26+s2], $0x400, $0x38;
	[tilespmem:$0x2000] =	vst v63  }
0x45: {  	_ =	swait.ge [sflag:s3], $0x400  }
0x46: {  	s1 =	sld [smem:$0x7EE]  }
0x47: {  	s12 =	sld [smem:$0x7EF]  }
0x48: {  	s13 =	sld [smem:$0x7F0]  }
0x49: {  	s11 =	sld [smem:$0x7F1]  }
0x4a: {  	s14 =	sld [smem:$0x7F2]  }
0x4b: {  	s15 =	sld [smem:$0x7F3]  }
0x4c: {  	s16 =	rddreg [dreg:$0x1e]  }
0x4d: {  	s17 =	rddreg [dreg:$0x1c]  }
0x4e: {  	s18 =	rddreg [dreg:$0x1a]  }
0x4f: {  	s19 =	rddreg [dreg:$0x18]  }
0x50: {  	s10 =	rddreg [dreg:$0x16]  }
0x51: {  	s20 =	rddreg [dreg:$0x14]  }
0x52: {  	s21 =	rddreg [dreg:$0x12]  }
0x53: {  	s22 =	rddreg [dreg:$0x10]  }
0x54: {  	s7 =	sadd.s32 $0x2000, s7;
	s23 =	rddreg [dreg:$0xb]  }
0x55: {  	s8 =	simm.s32 $0x80;
	[sflag:s3] =	ssyncset.done $0x0;
	s24 =	rddreg [dreg:$0xa]  }
0x56: {  	s9 =	simm.s32 $0x1000;
	s25 =	rddreg [dreg:$0xc];
	[sflag:s3] =	ssyncadd.s32 $0xFFFFFC00  }
0x57: {  	[tilespmem:s9], [sflag:$0x1] =	stream.indirect.gather [hbm4b:s7+s8], $0x1, s2, s8, $0xb8;
	[tilespmem:$0x2000] =	vst v63  }
0x58: {  	s26 =	rddreg [dreg:$0xe]  }
0x59: {  	[tilespmem:s24], [sflag:$0x1] =	stream.indirect.gather [hbm4b:s7+s8], $0x1, s8, s8, $0xb8;
	[tilespmem:$0x2000] =	vst v63  }
0x5a: {  	s28 =	rddreg [dreg:$0xd]  }
0x5b: {  	[tilespmem:s25], [sflag:$0x1] =	stream.indirect.gather [hbm4b:s7+s8], $0x1, s23, s8, $0xb8;
	[tilespmem:$0x2000] =	vst v63  }
0x5c: {  	s29 =	rddreg [dreg:$0xf]  }
0x5d: {  	[tilespmem:s26], [sflag:$0x1] =	stream.indirect.gather [hbm4b:s7+s8], $0x1, s28, s8, $0xb8;
	[tilespmem:$0x2000] =	vst v63  }
0x5e: {  	s30 =	rddreg [dreg:$0x11]  }
0x5f: {  	[tilespmem:s22], [sflag:$0x1] =	stream.indirect.gather [hbm4b:s7+s8], $0x1, s29, s8, $0xb8;
	[tilespmem:$0x2000] =	vst v63  }
0x60: {  	s24 =	rddreg [dreg:$0x15]  }
0x61: {  	[tilespmem:s21], [sflag:$0x1] =	stream.indirect.gather [hbm4b:s7+s8], $0x1, s30, s8, $0xb8;
	[tilespmem:$0x2000] =	vst v63  }
0x62: {  	s23 =	rddreg [dreg:$0x13]  }
0x63: {  	[tilespmem:s20], [sflag:$0x1] =	stream.indirect.gather [hbm4b:s7+s8], $0x1, s23, s8, $0xb8;
	[tilespmem:$0x2000] =	vst v63  }
0x64: {  	s25 =	rddreg [dreg:$0x17]  }
0x65: {  	[tilespmem:s10], [sflag:$0x1] =	stream.indirect.gather [hbm4b:s7+s8], $0x1, s24, s8, $0xb8;
	[tilespmem:$0x2000] =	vst v63  }
0x66: {  	s26 =	rddreg [dreg:$0x19];
	s10 =	simm.s32 $0x1400  }
0x67: {  	[tilespmem:s10], [sflag:$0x1] =	stream.indirect.gather [hbm4b:s7+s8], $0x1, s4, s8, $0xb8;
	[tilespmem:$0x2000] =	vst v63  }
0x68: {  	s28 =	rddreg [dreg:$0x1b]  }
0x69: {  	[tilespmem:s19], [sflag:$0x1] =	stream.indirect.gather [hbm4b:s7+s8], $0x1, s25, s8, $0xb8;
	[tilespmem:$0x2000] =	vst v63  }
0x6a: {  	s29 =	rddreg [dreg:$0x1d]  }
0x6b: {  	[tilespmem:s18], [sflag:$0x1] =	stream.indirect.gather [hbm4b:s7+s8], $0x1, s26, s8, $0xb8;
	[tilespmem:$0x2000] =	vst v63  }
0x6c: {  	s22 =	sld [smem:$0x7F7]  }
0x6d: {  	[tilespmem:s17], [sflag:$0x1] =	stream.indirect.gather [hbm4b:s7+s8], $0x1, s28, s8, $0xb8;
	[tilespmem:$0x2000] =	vst v63  }
0x6e: {  	s30 =	rddreg [dreg:$0x1f]  }
0x6f: {  	[tilespmem:s16], [sflag:$0x1] =	stream.indirect.gather [hbm4b:s7+s8], $0x1, s29, s8, $0xb8;
	[tilespmem:$0x2000] =	vst v63  }
0x70: {  	s19 =	sld [smem:$0x7F5]  }
0x71: {  	[tilespmem:s15], [sflag:$0x1] =	stream.indirect.gather [hbm4b:s7+s8], $0x1, s30, s8, $0xb8;
	[tilespmem:$0x2000] =	vst v63  }
0x72: {  	s21 =	sld [smem:$0x7F6]  }
0x73: {  	[tilespmem:s14], [sflag:$0x1] =	stream.indirect.gather [hbm4b:s7+s8], $0x1, s19, s8, $0xb8;
	[tilespmem:$0x2000] =	vst v63  }
0x74: {  	s20 =	sld [smem:$0x7F4]  }
0x75: {  	[tilespmem:s11], [sflag:$0x1] =	stream.indirect.gather [hbm4b:s7+s8], $0x1, s21, s8, $0xb8;
	[tilespmem:$0x2000] =	vst v63  }
0x76: {  	s23 =	sld [smem:$0x7F8];
	s11 =	simm.s32 $0x1800  }
0x77: {  	[tilespmem:s11], [sflag:$0x1] =	stream.indirect.gather [hbm4b:s7+s8], $0x1, s5, s8, $0xb8;
	[tilespmem:$0x2000] =	vst v63  }
0x78: {  	s24 =	sld [smem:$0x7F9]  }
0x79: {  	[tilespmem:s22], [sflag:$0x1] =	stream.indirect.gather [hbm4b:s7+s8], $0x1, s23, s8, $0xb8;
	[tilespmem:$0x2000] =	vst v63  }
0x7a: {  	s25 =	sld [smem:$0x7FA]  }
0x7b: {  	[tilespmem:s13], [sflag:$0x1] =	stream.indirect.gather [hbm4b:s7+s8], $0x1, s24, s8, $0xb8;
	[tilespmem:$0x2000] =	vst v63  }
0x7c: {  	s26 =	sld [smem:$0x7FB]  }
0x7d: {  	[tilespmem:s12], [sflag:$0x1] =	stream.indirect.gather [hbm4b:s7+s8], $0x1, s25, s8, $0xb8;
	[tilespmem:$0x2000] =	vst v63  }
0x7e: {  	s28 =	sld [smem:$0x7FC]  }
0x7f: {  	[tilespmem:s1], [sflag:$0x1] =	stream.indirect.gather [hbm4b:s7+s8], $0x1, s26, s8, $0xb8;
	[tilespmem:$0x2000] =	vst v63  }
0x80: {  	s29 =	sld [smem:$0x7FD]  }
0x81: {  	[tilespmem:s20], [sflag:$0x1] =	stream.indirect.gather [hbm4b:s7+s8], $0x1, s28, s8, $0xb8;
	[tilespmem:$0x2000] =	vst v63  }
0x82: {  	s30 =	simm.s32 $0x1B00  }
0x83: {  	[tilespmem:s30], [sflag:$0x1] =	stream.indirect.gather [hbm4b:s7+s8], $0x1, s29, s8, $0xb8;
	[tilespmem:$0x2000] =	vst v63  }
0x84: {  	s13 =	simm.s32 $0x1B80;
	s12 =	simm.s32 $0xB80  }
0x85: {  	[tilespmem:s13], [sflag:$0x1] =	stream.indirect.gather [hbm4b:s7+s8], $0x1, s12, s8, $0xb8;
	[tilespmem:$0x2000] =	vst v63  }
0x86: {  	s12 =	simm.s32 $0x1C00  }
0x87: {  	[tilespmem:s12], [sflag:$0x1] =	stream.indirect.gather [hbm4b:s7+s8], $0x1, s6, s8, $0xb8;
	[tilespmem:$0x2000] =	vst v63  }
0x88: {  	s15 =	simm.s32 $0x1C80;
	s14 =	simm.s32 $0xC80  }
0x89: {  	[tilespmem:s15], [sflag:$0x1] =	stream.indirect.gather [hbm4b:s7+s8], $0x1, s14, s8, $0xb8;
	[tilespmem:$0x2000] =	vst v63  }
0x8a: {  	s17 =	simm.s32 $0x1D00;
	s16 =	simm.s32 $0xD00  }
0x8b: {  	[tilespmem:s17], [sflag:$0x1] =	stream.indirect.gather [hbm4b:s7+s8], $0x1, s16, s8, $0xb8;
	[tilespmem:$0x2000] =	vst v63  }
0x8c: {  	s18 =	simm.s32 $0xD80;
	s19 =	simm.s32 $0x1D80  }
0x8d: {  	[tilespmem:s19], [sflag:$0x1] =	stream.indirect.gather [hbm4b:s7+s8], $0x1, s18, s8, $0xb8;
	[tilespmem:$0x2000] =	vst v63  }
0x8e: {  	s21 =	simm.s32 $0x1E00;
	s20 =	simm.s32 $0xE00  }
0x8f: {  	[tilespmem:s21], [sflag:$0x1] =	stream.indirect.gather [hbm4b:s7+s8], $0x1, s20, s8, $0xb8;
	[tilespmem:$0x2000] =	vst v63  }
0x90: {  	s22 =	simm.s32 $0xE80;
	s23 =	simm.s32 $0x1E80  }
0x91: {  	[tilespmem:s23], [sflag:$0x1] =	stream.indirect.gather [hbm4b:s7+s8], $0x1, s22, s8, $0xb8;
	[tilespmem:$0x2000] =	vst v63  }
0x92: {  	s24 =	simm.s32 $0xF00;
	s25 =	simm.s32 $0x1F00  }
0x93: {  	[tilespmem:s25], [sflag:$0x1] =	stream.indirect.gather [hbm4b:s7+s8], $0x1, s24, s8, $0xb8;
	[tilespmem:$0x2000] =	vst v63  }
0x94: {  	s31 =	simm.s32 $0x1;
	s26 =	simm.s32 $0xF80;
	s28 =	simm.s32 $0x1F80  }
0x95: {  	[tilespmem:s28], [sflag:$0x1] =	stream.indirect.gather [hbm4b:s7+s8], $0x1, s26, s8, $0xb8;
	[tilespmem:$0x2000] =	vst v63  }
0x96: {  	_ =	swait.ge [sflag:s31], $0x80  }
0x97: {  	[sflag:s31] =	ssyncset.done $0x0  }
0x98: {  	[sflag:s31] =	ssyncadd.s32 $0xFFFFFF80  }
0x99: {  	_ =	swait.ge [sflag:s31], $0x80  }
0x9a: {  	[sflag:s31] =	ssyncset.done $0x0  }
0x9b: {  	[sflag:s31] =	ssyncadd.s32 $0xFFFFFF80  }
0x9c: {  	_ =	swait.ge [sflag:s31], $0x80  }
0x9d: {  	[sflag:s31] =	ssyncset.done $0x0  }
0x9e: {  	[sflag:s31] =	ssyncadd.s32 $0xFFFFFF80  }
0x9f: {  	_ =	swait.ge [sflag:s31], $0x80  }
0xa0: {  	[sflag:s31] =	ssyncset.done $0x0  }
0xa1: {  	[sflag:s31] =	ssyncadd.s32 $0xFFFFFF80  }
0xa2: {  	_ =	swait.ge [sflag:s31], $0x80  }
0xa3: {  	[sflag:s31] =	ssyncset.done $0x0  }
0xa4: {  	[sflag:s31] =	ssyncadd.s32 $0xFFFFFF80  }
0xa5: {  	_ =	swait.ge [sflag:s31], $0x80  }
0xa6: {  	[sflag:s31] =	ssyncset.done $0x0  }
0xa7: {  	[sflag:s31] =	ssyncadd.s32 $0xFFFFFF80  }
0xa8: {  	_ =	swait.ge [sflag:s31], $0x80  }
0xa9: {  	[sflag:s31] =	ssyncset.done $0x0  }
0xaa: {  	[sflag:s31] =	ssyncadd.s32 $0xFFFFFF80  }
0xab: {  	_ =	swait.ge [sflag:s31], $0x80  }
0xac: {  	[sflag:s31] =	ssyncset.done $0x0  }
0xad: {  	[sflag:s31] =	ssyncadd.s32 $0xFFFFFF80  }
0xae: {  	_ =	swait.ge [sflag:s31], $0x80  }
0xaf: {  	[sflag:s31] =	ssyncset.done $0x0  }
0xb0: {  	[sflag:s31] =	ssyncadd.s32 $0xFFFFFF80  }
0xb1: {  	_ =	swait.ge [sflag:s31], $0x80  }
0xb2: {  	[sflag:s31] =	ssyncset.done $0x0  }
0xb3: {  	[sflag:s31] =	ssyncadd.s32 $0xFFFFFF80  }
0xb4: {  	_ =	swait.ge [sflag:s31], $0x80  }
0xb5: {  	[sflag:s31] =	ssyncset.done $0x0  }
0xb6: {  	[sflag:s31] =	ssyncadd.s32 $0xFFFFFF80  }
0xb7: {  	_ =	swait.ge [sflag:s31], $0x80  }
0xb8: {  	[sflag:s31] =	ssyncset.done $0x0  }
0xb9: {  	[sflag:s31] =	ssyncadd.s32 $0xFFFFFF80  }
0xba: {  	_ =	swait.ge [sflag:s31], $0x80  }
0xbb: {  	[sflag:s31] =	ssyncset.done $0x0  }
0xbc: {  	[sflag:s31] =	ssyncadd.s32 $0xFFFFFF80  }
0xbd: {  	_ =	swait.ge [sflag:s31], $0x80  }
0xbe: {  	[sflag:s31] =	ssyncset.done $0x0  }
0xbf: {  	[sflag:s31] =	ssyncadd.s32 $0xFFFFFF80  }
0xc0: {  	_ =	swait.ge [sflag:s31], $0x80  }
0xc1: {  	[sflag:s31] =	ssyncset.done $0x0  }
0xc2: {  	[sflag:s31] =	ssyncadd.s32 $0xFFFFFF80  }
0xc3: {  	_ =	swait.ge [sflag:s31], $0x80  }
0xc4: {  	[sflag:s31] =	ssyncset.done $0x0  }
0xc5: {  	[sflag:s31] =	ssyncadd.s32 $0xFFFFFF80  }
0xc6: {  	_ =	swait.ge [sflag:s31], $0x80  }
0xc7: {  	[sflag:s31] =	ssyncset.done $0x0  }
0xc8: {  	[sflag:s31] =	ssyncadd.s32 $0xFFFFFF80  }
0xc9: {  	_ =	swait.ge [sflag:s31], $0x80  }
0xca: {  	[sflag:s31] =	ssyncset.done $0x0  }
0xcb: {  	[sflag:s31] =	ssyncadd.s32 $0xFFFFFF80  }
0xcc: {  	_ =	swait.ge [sflag:s31], $0x80  }
0xcd: {  	[sflag:s31] =	ssyncset.done $0x0  }
0xce: {  	[sflag:s31] =	ssyncadd.s32 $0xFFFFFF80  }
0xcf: {  	_ =	swait.ge [sflag:s31], $0x80  }
0xd0: {  	[sflag:s31] =	ssyncset.done $0x0  }
0xd1: {  	[sflag:s31] =	ssyncadd.s32 $0xFFFFFF80  }
0xd2: {  	_ =	swait.ge [sflag:s31], $0x80  }
0xd3: {  	[sflag:s31] =	ssyncset.done $0x0  }
0xd4: {  	[sflag:s31] =	ssyncadd.s32 $0xFFFFFF80  }
0xd5: {  	_ =	swait.ge [sflag:s31], $0x80  }
0xd6: {  	[sflag:s31] =	ssyncset.done $0x0  }
0xd7: {  	[sflag:s31] =	ssyncadd.s32 $0xFFFFFF80  }
0xd8: {  	_ =	swait.ge [sflag:s31], $0x80  }
0xd9: {  	[sflag:s31] =	ssyncset.done $0x0  }
0xda: {  	[sflag:s31] =	ssyncadd.s32 $0xFFFFFF80  }
0xdb: {  	_ =	swait.ge [sflag:s31], $0x80  }
0xdc: {  	[sflag:s31] =	ssyncset.done $0x0  }
0xdd: {  	[sflag:s31] =	ssyncadd.s32 $0xFFFFFF80  }
0xde: {  	_ =	swait.ge [sflag:s31], $0x80  }
0xdf: {  	[sflag:s31] =	ssyncset.done $0x0  }
0xe0: {  	[sflag:s31] =	ssyncadd.s32 $0xFFFFFF80  }
0xe1: {  	_ =	swait.ge [sflag:s31], $0x80  }
0xe2: {  	[sflag:s31] =	ssyncset.done $0x0  }
0xe3: {  	[sflag:s31] =	ssyncadd.s32 $0xFFFFFF80  }
0xe4: {  	_ =	swait.ge [sflag:s31], $0x80  }
0xe5: {  	[sflag:s31] =	ssyncset.done $0x0  }
0xe6: {  	[sflag:s31] =	ssyncadd.s32 $0xFFFFFF80  }
0xe7: {  	_ =	swait.ge [sflag:s31], $0x80  }
0xe8: {  	[sflag:s31] =	ssyncset.done $0x0  }
0xe9: {  	[sflag:s31] =	ssyncadd.s32 $0xFFFFFF80  }
0xea: {  	_ =	swait.ge [sflag:s31], $0x80  }
0xeb: {  	[sflag:s31] =	ssyncset.done $0x0  }
0xec: {  	[sflag:s31] =	ssyncadd.s32 $0xFFFFFF80  }
0xed: {  	s0 =	ssub.s32 $0x2, s0;
	_ =	swait.ge [sflag:s31], $0x80  }
0xee: {  	s30 =	sshrl.u32 s0, $0x1;
	[sflag:s31] =	ssyncset.done $0x0  }
0xef: {  	s0 =	ssub.s32 s0, s30;
	[sflag:s31] =	ssyncadd.s32 $0xFFFFFF80  }
0xf0: {  	s0 =	smax.u32 s0, $0x1;
	_ =	swait.ge [sflag:s31], $0x80  }
0xf1: {  	p0 =	sne.s32 s0, $0x1;
	[sflag:s31] =	ssyncset.done $0x0  }
.Ltmp1:
0xf2: {  	[sflag:s31] =	ssyncadd.s32 $0xFFFFFF80;
	(pc) =	sbr.rel @!p0 .LBB2_3-.Ltmp1, $4  }
0xf3: {  	_ =	swait.ge [sflag:s31], $0x80  }
0xf4: {  	[sflag:s31] =	ssyncset.done $0x0  }
0xf5: {  	s0 =	sadd.s32 $0xFFFFFFFF, s0;
	s29 =	rddreg [dreg:$0x5];
	[sflag:s31] =	ssyncadd.s32 $0xFFFFFF80  }
0xf6: {  	[hbm4b:s29+s2] =	stream.linear.scatter [tilespmem:s9], [sflag:$0x2], $0x400, $0x38;
	[tilespmem:$0x2000] =	vst v63  }
.LBB2_2:
0xf7: {  	_ =	swait.ge [sflag:s3], $0x400  }
0xf8: {  	[sflag:s3] =	ssyncset.done $0x0  }
0xf9: {  	s1 =	rddreg [dreg:$0x6];
	[sflag:s3] =	ssyncadd.s32 $0xFFFFFC00  }
0xfa: {  	[hbm4b:s1+s2] =	stream.linear.scatter [tilespmem:s10], [sflag:$0x2], $0x400, $0x38;
	[tilespmem:$0x2000] =	vst v63  }
0xfb: {  	_ =	swait.ge [sflag:s3], $0x400  }
0xfc: {  	[sflag:s3] =	ssyncset.done $0x0  }
0xfd: {  	s22 =	rddreg [dreg:$0x7];
	[sflag:s3] =	ssyncadd.s32 $0xFFFFFC00  }
0xfe: {  	[hbm4b:s22+s2] =	stream.linear.scatter [tilespmem:s11], [sflag:$0x2], $0x400, $0x38;
	[tilespmem:$0x2000] =	vst v63  }
0xff: {  	_ =	swait.ge [sflag:s3], $0x400  }
0x100: {  	[sflag:s3] =	ssyncset.done $0x0  }
0x101: {  	s23 =	rddreg [dreg:$0x8];
	[sflag:s3] =	ssyncadd.s32 $0xFFFFFC00  }
0x102: {  	[hbm4b:s23+s2] =	stream.linear.scatter [tilespmem:s12], [sflag:$0x2], $0x400, $0x38;
	[tilespmem:$0x2000] =	vst v63  }
0x103: {  	_ =	swait.ge [sflag:s3], $0x400  }
0x104: {  	[sflag:s3] =	ssyncset.done $0x0  }
0x105: {  	s24 =	rddreg [dreg:$0x9];
	[sflag:s3] =	ssyncadd.s32 $0xFFFFFC00  }
0x106: {  	[tilespmem:s2], [sflag:$0x2] =	stream.linear.gather [hbm4b:s24+s2], $0x400, $0x38;
	[tilespmem:$0x2000] =	vst v63  }
0x107: {  	_ =	swait.ge [sflag:s3], $0x400  }
0x108: {  	[sflag:s3] =	ssyncset.done $0x0  }
0x109: {  	s25 =	rddreg [dreg:$0x2];
	[sflag:s3] =	ssyncadd.s32 $0xFFFFFC00  }
0x10a: {  	[tilespmem:s4], [sflag:$0x2] =	stream.linear.gather [hbm4b:s25+s2], $0x400, $0x38;
	[tilespmem:$0x2000] =	vst v63  }
0x10b: {  	_ =	swait.ge [sflag:s3], $0x400  }
0x10c: {  	[sflag:s3] =	ssyncset.done $0x0  }
0x10d: {  	s26 =	rddreg [dreg:$0x3];
	[sflag:s3] =	ssyncadd.s32 $0xFFFFFC00  }
0x10e: {  	[tilespmem:s5], [sflag:$0x2] =	stream.linear.gather [hbm4b:s26+s2], $0x400, $0x38;
	[tilespmem:$0x2000] =	vst v63  }
0x10f: {  	_ =	swait.ge [sflag:s3], $0x400  }
0x110: {  	[sflag:s3] =	ssyncset.done $0x0  }
0x111: {  	s28 =	rddreg [dreg:$0x4];
	[sflag:s3] =	ssyncadd.s32 $0xFFFFFC00  }
0x112: {  	[tilespmem:s6], [sflag:$0x2] =	stream.linear.gather [hbm4b:s28+s2], $0x400, $0x38;
	[tilespmem:$0x2000] =	vst v63  }
0x113: {  	_ =	swait.ge [sflag:s3], $0x400  }
0x114: {  	s1 =	sld [smem:$0x7EE]  }
0x115: {  	s13 =	sld [smem:$0x7EF]  }
0x116: {  	s14 =	sld [smem:$0x7F0]  }
0x117: {  	s15 =	sld [smem:$0x7F1]  }
0x118: {  	s16 =	sld [smem:$0x7F2]  }
0x119: {  	s17 =	sld [smem:$0x7F3]  }
0x11a: {  	s18 =	rddreg [dreg:$0x1e]  }
0x11b: {  	s19 =	rddreg [dreg:$0x1c]  }
0x11c: {  	s20 =	rddreg [dreg:$0x1a]  }
0x11d: {  	s21 =	rddreg [dreg:$0x18]  }
0x11e: {  	s22 =	rddreg [dreg:$0x16]  }
0x11f: {  	s23 =	rddreg [dreg:$0x14]  }
0x120: {  	s24 =	rddreg [dreg:$0x12]  }
0x121: {  	s25 =	rddreg [dreg:$0x10]  }
0x122: {  	s26 =	rddreg [dreg:$0xb]  }
0x123: {  	[sflag:s3] =	ssyncset.done $0x0;
	s28 =	rddreg [dreg:$0xa]  }
0x124: {  	s29 =	rddreg [dreg:$0xc];
	[sflag:s3] =	ssyncadd.s32 $0xFFFFFC00  }
0x125: {  	[tilespmem:s9], [sflag:$0x1] =	stream.indirect.gather [hbm4b:s7+s8], $0x1, s2, s8, $0xb8;
	[tilespmem:$0x2000] =	vst v63  }
0x126: {  	s30 =	rddreg [dreg:$0xe]  }
0x127: {  	[tilespmem:s28], [sflag:$0x1] =	stream.indirect.gather [hbm4b:s7+s8], $0x1, s8, s8, $0xb8;
	[tilespmem:$0x2000] =	vst v63  }
0x128: {  	s28 =	rddreg [dreg:$0xd]  }
0x129: {  	[tilespmem:s29], [sflag:$0x1] =	stream.indirect.gather [hbm4b:s7+s8], $0x1, s26, s8, $0xb8;
	[tilespmem:$0x2000] =	vst v63  }
0x12a: {  	s29 =	rddreg [dreg:$0xf]  }
0x12b: {  	[tilespmem:s30], [sflag:$0x1] =	stream.indirect.gather [hbm4b:s7+s8], $0x1, s28, s8, $0xb8;
	[tilespmem:$0x2000] =	vst v63  }
0x12c: {  	s26 =	rddreg [dreg:$0x1b]  }
0x12d: {  	[tilespmem:s25], [sflag:$0x1] =	stream.indirect.gather [hbm4b:s7+s8], $0x1, s29, s8, $0xb8;
	[tilespmem:$0x2000] =	vst v63  }
0x12e: {  	s30 =	rddreg [dreg:$0x11]  }
0x12f: {  	[tilespmem:s24], [sflag:$0x1] =	stream.indirect.gather [hbm4b:s7+s8], $0x1, s30, s8, $0xb8;
	[tilespmem:$0x2000] =	vst v63  }
0x130: {  	s29 =	rddreg [dreg:$0x13]  }
0x131: {  	[tilespmem:s23], [sflag:$0x1] =	stream.indirect.gather [hbm4b:s7+s8], $0x1, s29, s8, $0xb8;
	[tilespmem:$0x2000] =	vst v63  }
0x132: {  	s30 =	rddreg [dreg:$0x15]  }
0x133: {  	[tilespmem:s22], [sflag:$0x1] =	stream.indirect.gather [hbm4b:s7+s8], $0x1, s30, s8, $0xb8;
	[tilespmem:$0x2000] =	vst v63  }
0x134: {  	s28 =	rddreg [dreg:$0x1d]  }
0x135: {  	[tilespmem:s10], [sflag:$0x1] =	stream.indirect.gather [hbm4b:s7+s8], $0x1, s4, s8, $0xb8;
	[tilespmem:$0x2000] =	vst v63  }
0x136: {  	s24 =	rddreg [dreg:$0x17]  }
0x137: {  	[tilespmem:s21], [sflag:$0x1] =	stream.indirect.gather [hbm4b:s7+s8], $0x1, s24, s8, $0xb8;
	[tilespmem:$0x2000] =	vst v63  }
0x138: {  	s25 =	rddreg [dreg:$0x19]  }
0x139: {  	[tilespmem:s20], [sflag:$0x1] =	stream.indirect.gather [hbm4b:s7+s8], $0x1, s25, s8, $0xb8;
	[tilespmem:$0x2000] =	vst v63  }
0x13a: {  	s23 =	sld [smem:$0x7F4]  }
0x13b: {  	[tilespmem:s19], [sflag:$0x1] =	stream.indirect.gather [hbm4b:s7+s8], $0x1, s26, s8, $0xb8;
	[tilespmem:$0x2000] =	vst v63  }
0x13c: {  	s29 =	rddreg [dreg:$0x1f]  }
0x13d: {  	[tilespmem:s18], [sflag:$0x1] =	stream.indirect.gather [hbm4b:s7+s8], $0x1, s28, s8, $0xb8;
	[tilespmem:$0x2000] =	vst v63  }
0x13e: {  	s30 =	sld [smem:$0x7F5]  }
0x13f: {  	[tilespmem:s17], [sflag:$0x1] =	stream.indirect.gather [hbm4b:s7+s8], $0x1, s29, s8, $0xb8;
	[tilespmem:$0x2000] =	vst v63  }
0x140: {  	s20 =	sld [smem:$0x7F6]  }
0x141: {  	[tilespmem:s16], [sflag:$0x1] =	stream.indirect.gather [hbm4b:s7+s8], $0x1, s30, s8, $0xb8;
	[tilespmem:$0x2000] =	vst v63  }
0x142: {  	s22 =	sld [smem:$0x7F8]  }
0x143: {  	[tilespmem:s15], [sflag:$0x1] =	stream.indirect.gather [hbm4b:s7+s8], $0x1, s20, s8, $0xb8;
	[tilespmem:$0x2000] =	vst v63  }
0x144: {  	s21 =	sld [smem:$0x7F7]  }
0x145: {  	[tilespmem:s11], [sflag:$0x1] =	stream.indirect.gather [hbm4b:s7+s8], $0x1, s5, s8, $0xb8;
	[tilespmem:$0x2000] =	vst v63  }
0x146: {  	s24 =	sld [smem:$0x7F9]  }
0x147: {  	[tilespmem:s21], [sflag:$0x1] =	stream.indirect.gather [hbm4b:s7+s8], $0x1, s22, s8, $0xb8;
	[tilespmem:$0x2000] =	vst v63  }
0x148: {  	s25 =	sld [smem:$0x7FA]  }
0x149: {  	[tilespmem:s14], [sflag:$0x1] =	stream.indirect.gather [hbm4b:s7+s8], $0x1, s24, s8, $0xb8;
	[tilespmem:$0x2000] =	vst v63  }
0x14a: {  	s26 =	sld [smem:$0x7FB]  }
0x14b: {  	[tilespmem:s13], [sflag:$0x1] =	stream.indirect.gather [hbm4b:s7+s8], $0x1, s25, s8, $0xb8;
	[tilespmem:$0x2000] =	vst v63  }
0x14c: {  	s28 =	sld [smem:$0x7FC]  }
0x14d: {  	[tilespmem:s1], [sflag:$0x1] =	stream.indirect.gather [hbm4b:s7+s8], $0x1, s26, s8, $0xb8;
	[tilespmem:$0x2000] =	vst v63  }
0x14e: {  	s29 =	sld [smem:$0x7FD]  }
0x14f: {  	[tilespmem:s23], [sflag:$0x1] =	stream.indirect.gather [hbm4b:s7+s8], $0x1, s28, s8, $0xb8;
	[tilespmem:$0x2000] =	vst v63  }
0x150: {  	s30 =	simm.s32 $0x1B00  }
0x151: {  	[tilespmem:s30], [sflag:$0x1] =	stream.indirect.gather [hbm4b:s7+s8], $0x1, s29, s8, $0xb8;
	[tilespmem:$0x2000] =	vst v63  }
0x152: {  	s14 =	simm.s32 $0x1B80;
	s13 =	simm.s32 $0xB80  }
0x153: {  	[tilespmem:s14], [sflag:$0x1] =	stream.indirect.gather [hbm4b:s7+s8], $0x1, s13, s8, $0xb8;
	[tilespmem:$0x2000] =	vst v63  }
0x154: {  	_ = 	snop  }
0x155: {  	[tilespmem:s12], [sflag:$0x1] =	stream.indirect.gather [hbm4b:s7+s8], $0x1, s6, s8, $0xb8;
	[tilespmem:$0x2000] =	vst v63  }
0x156: {  	s16 =	simm.s32 $0x1C80;
	s15 =	simm.s32 $0xC80  }
0x157: {  	[tilespmem:s16], [sflag:$0x1] =	stream.indirect.gather [hbm4b:s7+s8], $0x1, s15, s8, $0xb8;
	[tilespmem:$0x2000] =	vst v63  }
0x158: {  	s18 =	simm.s32 $0x1D00;
	s17 =	simm.s32 $0xD00  }
0x159: {  	[tilespmem:s18], [sflag:$0x1] =	stream.indirect.gather [hbm4b:s7+s8], $0x1, s17, s8, $0xb8;
	[tilespmem:$0x2000] =	vst v63  }
0x15a: {  	s19 =	simm.s32 $0xD80;
	s20 =	simm.s32 $0x1D80  }
0x15b: {  	[tilespmem:s20], [sflag:$0x1] =	stream.indirect.gather [hbm4b:s7+s8], $0x1, s19, s8, $0xb8;
	[tilespmem:$0x2000] =	vst v63  }
0x15c: {  	s21 =	simm.s32 $0xE00;
	s22 =	simm.s32 $0x1E00  }
0x15d: {  	[tilespmem:s22], [sflag:$0x1] =	stream.indirect.gather [hbm4b:s7+s8], $0x1, s21, s8, $0xb8;
	[tilespmem:$0x2000] =	vst v63  }
0x15e: {  	s24 =	simm.s32 $0x1E80;
	s23 =	simm.s32 $0xE80  }
0x15f: {  	[tilespmem:s24], [sflag:$0x1] =	stream.indirect.gather [hbm4b:s7+s8], $0x1, s23, s8, $0xb8;
	[tilespmem:$0x2000] =	vst v63  }
0x160: {  	s25 =	simm.s32 $0xF00;
	s26 =	simm.s32 $0x1F00  }
0x161: {  	[tilespmem:s26], [sflag:$0x1] =	stream.indirect.gather [hbm4b:s7+s8], $0x1, s25, s8, $0xb8;
	[tilespmem:$0x2000] =	vst v63  }
0x162: {  	s28 =	simm.s32 $0xF80;
	s29 =	simm.s32 $0x1F80  }
0x163: {  	[tilespmem:s29], [sflag:$0x1] =	stream.indirect.gather [hbm4b:s7+s8], $0x1, s28, s8, $0xb8;
	[tilespmem:$0x2000] =	vst v63  }
0x164: {  	_ =	swait.ge [sflag:s31], $0x80  }
0x165: {  	[sflag:s31] =	ssyncset.done $0x0  }
0x166: {  	[sflag:s31] =	ssyncadd.s32 $0xFFFFFF80  }
0x167: {  	_ =	swait.ge [sflag:s31], $0x80  }
0x168: {  	[sflag:s31] =	ssyncset.done $0x0  }
0x169: {  	[sflag:s31] =	ssyncadd.s32 $0xFFFFFF80  }
0x16a: {  	_ =	swait.ge [sflag:s31], $0x80  }
0x16b: {  	[sflag:s31] =	ssyncset.done $0x0  }
0x16c: {  	[sflag:s31] =	ssyncadd.s32 $0xFFFFFF80  }
0x16d: {  	_ =	swait.ge [sflag:s31], $0x80  }
0x16e: {  	[sflag:s31] =	ssyncset.done $0x0  }
0x16f: {  	[sflag:s31] =	ssyncadd.s32 $0xFFFFFF80  }
0x170: {  	_ =	swait.ge [sflag:s31], $0x80  }
0x171: {  	[sflag:s31] =	ssyncset.done $0x0  }
0x172: {  	[sflag:s31] =	ssyncadd.s32 $0xFFFFFF80  }
0x173: {  	_ =	swait.ge [sflag:s31], $0x80  }
0x174: {  	[sflag:s31] =	ssyncset.done $0x0  }
0x175: {  	[sflag:s31] =	ssyncadd.s32 $0xFFFFFF80  }
0x176: {  	_ =	swait.ge [sflag:s31], $0x80  }
0x177: {  	[sflag:s31] =	ssyncset.done $0x0  }
0x178: {  	[sflag:s31] =	ssyncadd.s32 $0xFFFFFF80  }
0x179: {  	_ =	swait.ge [sflag:s31], $0x80  }
0x17a: {  	[sflag:s31] =	ssyncset.done $0x0  }
0x17b: {  	[sflag:s31] =	ssyncadd.s32 $0xFFFFFF80  }
0x17c: {  	_ =	swait.ge [sflag:s31], $0x80  }
0x17d: {  	[sflag:s31] =	ssyncset.done $0x0  }
0x17e: {  	[sflag:s31] =	ssyncadd.s32 $0xFFFFFF80  }
0x17f: {  	_ =	swait.ge [sflag:s31], $0x80  }
0x180: {  	[sflag:s31] =	ssyncset.done $0x0  }
0x181: {  	[sflag:s31] =	ssyncadd.s32 $0xFFFFFF80  }
0x182: {  	_ =	swait.ge [sflag:s31], $0x80  }
0x183: {  	[sflag:s31] =	ssyncset.done $0x0  }
0x184: {  	[sflag:s31] =	ssyncadd.s32 $0xFFFFFF80  }
0x185: {  	_ =	swait.ge [sflag:s31], $0x80  }
0x186: {  	[sflag:s31] =	ssyncset.done $0x0  }
0x187: {  	[sflag:s31] =	ssyncadd.s32 $0xFFFFFF80  }
0x188: {  	_ =	swait.ge [sflag:s31], $0x80  }
0x189: {  	[sflag:s31] =	ssyncset.done $0x0  }
0x18a: {  	[sflag:s31] =	ssyncadd.s32 $0xFFFFFF80  }
0x18b: {  	_ =	swait.ge [sflag:s31], $0x80  }
0x18c: {  	[sflag:s31] =	ssyncset.done $0x0  }
0x18d: {  	[sflag:s31] =	ssyncadd.s32 $0xFFFFFF80  }
0x18e: {  	_ =	swait.ge [sflag:s31], $0x80  }
0x18f: {  	[sflag:s31] =	ssyncset.done $0x0  }
0x190: {  	[sflag:s31] =	ssyncadd.s32 $0xFFFFFF80  }
0x191: {  	_ =	swait.ge [sflag:s31], $0x80  }
0x192: {  	[sflag:s31] =	ssyncset.done $0x0  }
0x193: {  	[sflag:s31] =	ssyncadd.s32 $0xFFFFFF80  }
0x194: {  	_ =	swait.ge [sflag:s31], $0x80  }
0x195: {  	[sflag:s31] =	ssyncset.done $0x0  }
0x196: {  	[sflag:s31] =	ssyncadd.s32 $0xFFFFFF80  }
0x197: {  	_ =	swait.ge [sflag:s31], $0x80  }
0x198: {  	[sflag:s31] =	ssyncset.done $0x0  }
0x199: {  	[sflag:s31] =	ssyncadd.s32 $0xFFFFFF80  }
0x19a: {  	_ =	swait.ge [sflag:s31], $0x80  }
0x19b: {  	[sflag:s31] =	ssyncset.done $0x0  }
0x19c: {  	[sflag:s31] =	ssyncadd.s32 $0xFFFFFF80  }
0x19d: {  	_ =	swait.ge [sflag:s31], $0x80  }
0x19e: {  	[sflag:s31] =	ssyncset.done $0x0  }
0x19f: {  	[sflag:s31] =	ssyncadd.s32 $0xFFFFFF80  }
0x1a0: {  	_ =	swait.ge [sflag:s31], $0x80  }
0x1a1: {  	[sflag:s31] =	ssyncset.done $0x0  }
0x1a2: {  	[sflag:s31] =	ssyncadd.s32 $0xFFFFFF80  }
0x1a3: {  	_ =	swait.ge [sflag:s31], $0x80  }
0x1a4: {  	[sflag:s31] =	ssyncset.done $0x0  }
0x1a5: {  	[sflag:s31] =	ssyncadd.s32 $0xFFFFFF80  }
0x1a6: {  	_ =	swait.ge [sflag:s31], $0x80  }
0x1a7: {  	[sflag:s31] =	ssyncset.done $0x0  }
0x1a8: {  	[sflag:s31] =	ssyncadd.s32 $0xFFFFFF80  }
0x1a9: {  	_ =	swait.ge [sflag:s31], $0x80  }
0x1aa: {  	[sflag:s31] =	ssyncset.done $0x0  }
0x1ab: {  	[sflag:s31] =	ssyncadd.s32 $0xFFFFFF80  }
0x1ac: {  	_ =	swait.ge [sflag:s31], $0x80  }
0x1ad: {  	[sflag:s31] =	ssyncset.done $0x0  }
0x1ae: {  	[sflag:s31] =	ssyncadd.s32 $0xFFFFFF80  }
0x1af: {  	_ =	swait.ge [sflag:s31], $0x80  }
0x1b0: {  	[sflag:s31] =	ssyncset.done $0x0  }
0x1b1: {  	[sflag:s31] =	ssyncadd.s32 $0xFFFFFF80  }
0x1b2: {  	_ =	swait.ge [sflag:s31], $0x80  }
0x1b3: {  	[sflag:s31] =	ssyncset.done $0x0  }
0x1b4: {  	[sflag:s31] =	ssyncadd.s32 $0xFFFFFF80  }
0x1b5: {  	_ =	swait.ge [sflag:s31], $0x80  }
0x1b6: {  	[sflag:s31] =	ssyncset.done $0x0  }
0x1b7: {  	[sflag:s31] =	ssyncadd.s32 $0xFFFFFF80  }
0x1b8: {  	_ =	swait.ge [sflag:s31], $0x80  }
0x1b9: {  	[sflag:s31] =	ssyncset.done $0x0  }
0x1ba: {  	[sflag:s31] =	ssyncadd.s32 $0xFFFFFF80  }
0x1bb: {  	_ =	swait.ge [sflag:s31], $0x80  }
0x1bc: {  	[sflag:s31] =	ssyncset.done $0x0  }
0x1bd: {  	[sflag:s31] =	ssyncadd.s32 $0xFFFFFF80  }
0x1be: {  	_ =	swait.ge [sflag:s31], $0x80  }
0x1bf: {  	p0 =	sne.s32 s0, $0x1;
	[sflag:s31] =	ssyncset.done $0x0  }
.Ltmp2:
0x1c0: {  	[sflag:s31] =	ssyncadd.s32 $0xFFFFFF80;
	(pc) =	sbr.rel @p0 .LBB2_2-.Ltmp2, $4  }
0x1c1: {  	_ =	swait.ge [sflag:s31], $0x80  }
0x1c2: {  	[sflag:s31] =	ssyncset.done $0x0  }
0x1c3: {  	s0 =	sadd.s32 $0xFFFFFFFF, s0;
	s30 =	rddreg [dreg:$0x5];
	[sflag:s31] =	ssyncadd.s32 $0xFFFFFF80  }
0x1c4: {  	[hbm4b:s30+s2] =	stream.linear.scatter [tilespmem:s9], [sflag:$0x2], $0x400, $0x38;
	[tilespmem:$0x2000] =	vst v63  }
.LBB2_3:
0x1c5: {  	_ =	swait.ge [sflag:s3], $0x400  }
0x1c6: {  	[sflag:s3] =	ssyncset.done $0x0  }
0x1c7: {  	s0 =	rddreg [dreg:$0x6];
	[sflag:s3] =	ssyncadd.s32 $0xFFFFFC00  }
0x1c8: {  	[hbm4b:s0+s2] =	stream.linear.scatter [tilespmem:s10], [sflag:$0x2], $0x400, $0x38;
	[tilespmem:$0x2000] =	vst v63  }
0x1c9: {  	_ =	swait.ge [sflag:s3], $0x400  }
0x1ca: {  	[sflag:s3] =	ssyncset.done $0x0  }
0x1cb: {  	s30 =	rddreg [dreg:$0x7];
	[sflag:s3] =	ssyncadd.s32 $0xFFFFFC00  }
0x1cc: {  	[hbm4b:s30+s2] =	stream.linear.scatter [tilespmem:s11], [sflag:$0x2], $0x400, $0x38;
	[tilespmem:$0x2000] =	vst v63  }
0x1cd: {  	_ =	swait.ge [sflag:s3], $0x400  }
0x1ce: {  	[sflag:s3] =	ssyncset.done $0x0  }
0x1cf: {  	s31 =	rddreg [dreg:$0x8];
	[sflag:s3] =	ssyncadd.s32 $0xFFFFFC00  }
0x1d0: {  	[hbm4b:s31+s2] =	stream.linear.scatter [tilespmem:s12], [sflag:$0x2], $0x400, $0x38;
	[tilespmem:$0x2000] =	vst v63  }
0x1d1: {  	_ =	swait.ge [sflag:s3], $0x400  }
0x1d2: {  	[sflag:s3] =	ssyncset.done $0x0  }
0x1d3: {  	[sflag:s3] =	ssyncadd.s32 $0xFFFFFC00  }
0x1d4: {  	s1 =	stileid.u32;
	s0 =	rddreg [dreg:$0x1]  }
.LBB2_4:
0x1d5: {  	_ =	sfence.sel $0x180000  }
0x1d6: {  	[bflag:$0x0] =	sbarrier.arrive $0xFFFF  }
0x1d7: {  	p0 =	sne.s32 s1, $0x0;
	_ =	strace $0x90000047  }
0x1d8: {  	s0 =	sadd.s32 @!p0 $0x100000, s0;
	[bflag:$0x2] =	sbarrier.arrive $0xFFFF  }
0x1d9: {  	[sflag:s0] =	ssyncadd.tile.s32 @!p0 $0x1;
	_ =	shalt  }
.Lfunc_end2:
_tile_overlayer_lowered:
.L_overlay_start_2:
0x1da: {  	(tag) =	ssettag $0x2  }
0x1db: {  	s0 =	rddreg [dreg:$0x0];
	s2 =	stileid.u32  }
0x1dc: {  	s1 =	rddreg [dreg:$0x1];
	p0 =	sne.s32 s2, $0x0  }
0x1dd: {  	s3 =	rddreg [dreg:$0x2];
	[bflag:$0x3] =	sbarrier.arrive $0xFFFF;
	s2 =	simm.s32 @!p0 $0x1C02  }
0x1de: {  	[timem:s3], [sflag:s2] =	dma.local @!p0 [hbm:s0], s1  }
0x1df: {  	s0 =	simm.s32 @!p0 $0x2  }
0x1e0: {  	_ =	swait.ge @!p0 [sflag:s0], s1  }
0x1e1: {  	s1 =	ssub.s32 @!p0 $0x0, s1;
	[sflag:s0] =	ssyncset.done @!p0 $0x0  }
0x1e2: {  	[sflag:s0] =	ssyncadd.s32 @!p0 s1  }
0x1e3: {  	[bflag:$0x3] =	sbarrier.arrive $0xFFFF  }
0x1e4: {  	_ =	shalt  }

</sc_bundles>
